<compile_context>
chip_gen: v7x
topology: tpu7x:2x2x1
jax: 0.10.2.dev20260603
libtpu: 0.0.44.dev20260713+nightly
codegen_flags: <defaults>
</compile_context>

<pallas_src>
import functools

import jax
import jax.numpy as jnp
import numpy as np
from jax import lax
from jax.experimental import pallas as pl
from jax.experimental.pallas import tpu as pltpu
from jax.experimental.pallas import tpu_sc as plsc

B, T, N, C = 2, 8, 1000, 8
H = 64
D = 2 * H
E = 32000
S = 4
M1 = 32
W1R = S * M1
WMR = S * H
NW = 32
GW = E // NW
KC = 40
NCH = GW // KC
EC = 4000
RT = 250
RC = 2000


def _silu(x):
    return x * jax.nn.sigmoid(x)



@functools.cache
def _sc_gather_kernel():
    mesh = plsc.VectorSubcoreMesh(core_axis_name="c", subcore_axis_name="s")

    @functools.partial(
        pl.kernel,
        out_type=[jax.ShapeDtypeStruct((E, W1R), jnp.float32),
                  jax.ShapeDtypeStruct((E, W1R), jnp.float32)],
        mesh=mesh,
        scratch_types=[pltpu.VMEM((NCH, KC), jnp.int32),
                       pltpu.VMEM((NCH, KC), jnp.int32)]
        + [pltpu.VMEM((KC, W1R), jnp.float32)] * 6
        + [pltpu.SemaphoreType.DMA] * 6,
        compiler_params=pltpu.CompilerParams(use_tc_tiling_on_sc=False),
    )
    def _sc_gather(tabA, tabB, idxA, idxB, gA, gB, iva, ivb,
                   ba0, ba1, ba2, bb0, bb1, bb2,
                   sg0, sg1, sg2, ss0, ss1, ss2):
        wid = lax.axis_index("c") * 16 + lax.axis_index("s")
        base = wid * GW
        BA, BB = [ba0, ba1, ba2], [bb0, bb1, bb2]
        SG, SS = [sg0, sg1, sg2], [ss0, ss1, ss2]
        pltpu.sync_copy(idxA.at[wid], iva)
        pltpu.sync_copy(idxB.at[wid], ivb)

        def gath(j, s):
            pltpu.async_copy(tabA.at[iva.at[j]], BA[s], SG[s])
            pltpu.async_copy(tabB.at[ivb.at[j]], BB[s], SG[s])

        def drain(buf, sem):
            pltpu.make_async_copy(tabA.at[pl.ds(0, KC)], buf, sem).wait()

        for s in range(3):
            gath(s, s)

        def body(jj, _):
            for s in range(3):
                j = jj * 3 + s

                @pl.when(j < NCH)
                def _(j=j, s=s):
                    @pl.when(j >= 3)
                    def _():
                        drain(BA[s], SS[s])
                        drain(BB[s], SS[s])
                    drain(BA[s], SG[s])
                    drain(BB[s], SG[s])
                    pltpu.async_copy(BA[s], gA.at[pl.ds(base + j * KC, KC)],
                                     SS[s])
                    pltpu.async_copy(BB[s], gB.at[pl.ds(base + j * KC, KC)],
                                     SS[s])

                    @pl.when(j + 3 < NCH)
                    def _():
                        gath(j + 3, s)
            return 0

        lax.fori_loop(0, (NCH + 2) // 3, body, 0)
        for s in range(3):
            drain(BA[s], SS[s])
            drain(BB[s], SS[s])

    return _sc_gather


@functools.cache
def _sc_scatter_kernel():
    mesh = plsc.VectorSubcoreMesh(core_axis_name="c", subcore_axis_name="s")

    @functools.partial(
        pl.kernel,
        out_type=jax.ShapeDtypeStruct((2, 2, N, W1R), jnp.float32),
        mesh=mesh,
        scratch_types=[pltpu.VMEM((NCH, KC), jnp.int32),
                       pltpu.VMEM((NCH, KC), jnp.int32)]
        + [pltpu.VMEM((KC, W1R), jnp.float32)] * 6
        + [pltpu.SemaphoreType.DMA] * 6
        + [pltpu.VMEM_SHARED((2 * N, W1R), jnp.float32)],
        compiler_params=pltpu.CompilerParams(use_tc_tiling_on_sc=False),
    )
    def _sc_scatter(gm0, gm1, idxD, idxD2, zz, out, iv, iv2,
                    b00, b01, b02, b10, b11, b12,
                    sf0, sf1, sf2, sw0, sw1, sw2, acc):
        cid = lax.axis_index("c")
        sid = lax.axis_index("s")
        wid = cid * 16 + sid
        base = wid * GW
        B0 = [b00, b01, b02]
        B1 = [b10, b11, b12]
        SF, SW = [sf0, sf1, sf2], [sw0, sw1, sw2]
        stripe = 200
        @pl.when(sid < 5)
        def _():
            pltpu.sync_copy(zz.at[pl.ds(sid * stripe, stripe)],
                            acc.at[pl.ds(sid * stripe, stripe)])
        @pl.when(jnp.logical_and(sid >= 5, sid < 10))
        def _():
            pltpu.sync_copy(zz.at[pl.ds((sid - 5) * stripe, stripe)],
                            acc.at[pl.ds(N + (sid - 5) * stripe, stripe)])
        pltpu.sync_copy(idxD.at[wid], iv)
        pltpu.sync_copy(idxD2.at[wid], iv2)

        def fetch(j, s):
            pltpu.async_copy(gm0.at[pl.ds(base + j * KC, KC)], B0[s], SF[s])
            pltpu.async_copy(gm1.at[pl.ds(base + j * KC, KC)], B1[s], SF[s])

        def drain(buf, sem):
            pltpu.make_async_copy(gm0.at[pl.ds(0, KC)], buf, sem).wait()

        for s in range(3):
            fetch(s, s)
        plsc.subcore_barrier()

        def body(jj, _):
            for s in range(3):
                j = jj * 3 + s

                @pl.when(j < NCH)
                def _(j=j, s=s):
                    @pl.when(j >= 3)
                    def _():
                        drain(B0[s], SW[s])
                        drain(B1[s], SW[s])
                    drain(B0[s], SF[s])
                    drain(B1[s], SF[s])
                    pltpu.async_copy(B0[s], acc.at[iv.at[j]], SW[s], add=True)
                    pltpu.async_copy(B1[s], acc.at[iv2.at[j]], SW[s], add=True)

                    @pl.when(j + 3 < NCH)
                    def _():
                        fetch(j + 3, s)
            return 0

        lax.fori_loop(0, (NCH + 2) // 3, body, 0)
        for s in range(3):
            drain(B0[s], SW[s])
            drain(B1[s], SW[s])
        plsc.subcore_barrier()
        @pl.when(sid < 5)
        def _():
            pltpu.sync_copy(acc.at[pl.ds(sid * stripe, stripe)],
                            out.at[cid, 0, pl.ds(sid * stripe, stripe)])
        @pl.when(jnp.logical_and(sid >= 5, sid < 10))
        def _():
            pltpu.sync_copy(acc.at[pl.ds(N + (sid - 5) * stripe, stripe)],
                            out.at[cid, 1, pl.ds((sid - 5) * stripe, stripe)])

    return _sc_scatter


def _gather_impl(tA, tB, idxA, idxB):
    return _sc_gather_kernel()(tA, tB, idxA, idxB)


def _scatter_impl(gm0, gm1, idxD, idxD2, zz):
    return _sc_scatter_kernel()(gm0, gm1, idxD, idxD2, zz)



def _full(a):
    r = len(a.shape)
    return pl.BlockSpec(a.shape, lambda *g: (0,) * r)


def _enc_body(x_ref, emb, encW, encb, inWf, inbf, Pf, Pbf, inWb, inbb, Pb_, Pbb,
              of, ob):
    x = x_ref[0]
    h = jnp.dot(x, encW[...], preferred_element_type=jnp.float32) + encb[...] \
        + emb[...]
    xtf = jnp.dot(h, inWf[...], preferred_element_type=jnp.float32) + inbf[...]
    of[0] = jnp.dot(xtf, Pf[...], preferred_element_type=jnp.float32) + Pbf[...]
    xtb = jnp.dot(h, inWb[...], preferred_element_type=jnp.float32) + inbb[...]
    ob[0] = jnp.dot(xtb, Pb_[...], preferred_element_type=jnp.float32) + Pbb[...]


def _edge_body(gA, gB, W2big, b2big, Gmat, gb4, Rm, out0, out1):
    m = _silu(gA[...] + gB[...])
    m2 = _silu(jnp.dot(m.astype(jnp.bfloat16), W2big[...],
                       preferred_element_type=jnp.float32) + b2big[...])
    sig = jax.nn.sigmoid(jnp.dot(m2.astype(jnp.bfloat16), Gmat[...],
                                 preferred_element_type=jnp.float32) + gb4[...])
    res = m2 * jnp.dot(sig, Rm[...], preferred_element_type=jnp.float32)
    out0[...] = res[:, :W1R]
    out1[...] = res[:, W1R:]


def _upd_body(agg2, st, pU, pS, pAn, pBn, Ua, Us, U2, u2b, Ss, W1a, W1b,
              ns_out, tA_out, tB_out):
    agg = jnp.concatenate([agg2[0, 0] + agg2[1, 0], agg2[0, 1] + agg2[1, 1]],
                          -1)
    state = st[...]
    nss, tas, tbs = [], [], []
    for s in range(S):
        d = s // 2
        a = agg[:, H * s:H * (s + 1)]
        s0 = state[:, H * s:H * (s + 1)]
        u = _silu(jnp.dot(a, Ua[d], preferred_element_type=jnp.float32)
                  + jnp.dot(s0, Us[d], preferred_element_type=jnp.float32)
                  + pU[:, H * s:H * (s + 1)])
        o = jnp.dot(u, U2[d], preferred_element_type=jnp.float32) + u2b[d] \
            + jnp.dot(s0, Ss[d], preferred_element_type=jnp.float32) \
            + pS[:, H * s:H * (s + 1)]
        ns = s0 + o
        nss.append(ns)
        tas.append(jnp.dot(ns, W1a[d], preferred_element_type=jnp.float32)
                   + pAn[:, M1 * s:M1 * (s + 1)])
        tbs.append(jnp.dot(ns, W1b[d], preferred_element_type=jnp.float32)
                   + pBn[:, M1 * s:M1 * (s + 1)])
    ns_out[...] = jnp.concatenate(nss, -1)
    tA_out[...] = jnp.concatenate(tas, -1)
    tB_out[...] = jnp.concatenate(tbs, -1)


def _temporal_body(stin, x0r, skW, skb, tlnw, tlnb, taiW, taib, taoW, taob,
                   gW, gb, out):
    sti = stin[...].reshape(RT * T, D)
    x0 = x0r[...].reshape(RT * T, C)
    sk = jnp.dot(x0, skW[...], preferred_element_type=jnp.float32) + skb[...]
    st = sti + sk
    mean = jnp.mean(st, -1, keepdims=True)
    std = jnp.sqrt(jnp.mean((st - mean) ** 2, -1, keepdims=True))
    std = jnp.clip(std, 1e-8, 1e19)
    stn = (st - mean) / (std + 1e-4) * tlnw[...] + tlnb[...]
    qkv = jnp.dot(stn, taiW[...], preferred_element_type=jnp.float32) + taib[...]
    q, k, v = qkv[:, :D], qkv[:, D:2 * D], qkv[:, 2 * D:]
    outs = []
    hd = D // 4
    for h in range(4):
        qh = q[:, h * hd:(h + 1) * hd].reshape(RT, T, hd)
        kh = k[:, h * hd:(h + 1) * hd].reshape(RT, T, hd)
        vh = v[:, h * hd:(h + 1) * hd].reshape(RT, T, hd)
        sc = lax.dot_general(qh, kh, (((2,), (2,)), ((0,), (0,))),
                             preferred_element_type=jnp.float32) \
            * (1.0 / np.sqrt(hd))
        sc = jax.nn.softmax(sc, -1)
        oh = lax.dot_general(sc, vh, (((2,), (1,)), ((0,), (0,))),
                             preferred_element_type=jnp.float32)
        outs.append(oh.reshape(RT * T, hd))
    attn = jnp.concatenate(outs, -1)
    attn = jnp.dot(attn, taoW[...], preferred_element_type=jnp.float32) + taob[...]
    st2 = stn + attn
    gate = jax.nn.sigmoid(jnp.dot(st2, gW[...],
                                  preferred_element_type=jnp.float32) + gb[...])
    out[...] = (gate * st2 + (1.0 - gate) * sk).reshape(RT, T, D)


def _station_body(s2in, slnw, slnb, saiW, saib, saoW, saob, out):
    xx = s2in[0]
    mean = jnp.mean(xx, -1, keepdims=True)
    var = jnp.mean((xx - mean) ** 2, -1, keepdims=True)
    xn = (xx - mean) * lax.rsqrt(var + 1e-5) * slnw[...] + slnb[...]
    qkv = jnp.dot(xn, saiW[...], preferred_element_type=jnp.float32) + saib[...]
    q, k, v = qkv[:, :D], qkv[:, D:2 * D], qkv[:, 2 * D:]
    res = []
    hd = D // 2
    for h in range(2):
        qh = q[:, h * hd:(h + 1) * hd].astype(jnp.bfloat16)
        kh = k[:, h * hd:(h + 1) * hd].astype(jnp.bfloat16)
        vh = v[:, h * hd:(h + 1) * hd].astype(jnp.bfloat16)
        sc = lax.dot_general(qh, kh, (((1,), (1,)), ((), ())),
                             preferred_element_type=jnp.float32) \
            * (1.0 / np.sqrt(hd))
        sc = jax.nn.softmax(sc, -1)
        res.append(jnp.dot(sc.astype(jnp.bfloat16), vh,
                           preferred_element_type=jnp.float32))
    o = jnp.concatenate(res, -1)
    out[0] = jnp.dot(o, saoW[...], preferred_element_type=jnp.float32) + saob[...]


def _ro1_body(a, b, W1, b1, r_out, sum_out, sumsq_out):
    xx = a[...] + b[...]
    r = jnp.dot(xx, W1[...], preferred_element_type=jnp.float32) + b1[...]
    r_out[...] = r
    sum_out[...] = jnp.sum(r, 0, keepdims=True).reshape(1, 1, H)
    sumsq_out[...] = jnp.sum(r * r, 0, keepdims=True).reshape(1, 1, H)


def _ro2_body(r_in, sums, sumsqs, bnw, bnb, W2, b2r, locw, locb, sclw, sclb,
              out):
    cnt = float(B * T * N)
    nb = sums.shape[0]
    mean = jnp.sum(sums[...].reshape(nb, H), 0, keepdims=True) / cnt
    var = jnp.sum(sumsqs[...].reshape(nb, H), 0, keepdims=True) / cnt \
        - mean * mean
    rn = (r_in[...] - mean) * lax.rsqrt(var + 1e-5) * bnw[...] + bnb[...]
    rn = _silu(rn)
    r2 = jnp.dot(rn, W2[...], preferred_element_type=jnp.float32) + b2r[...]
    loc = jnp.sum(r2 * locw[...], -1, keepdims=True) + locb[...]
    sc = jnp.sum(r2 * sclw[...], -1, keepdims=True) + sclb[...]
    sp = jnp.maximum(sc, 0.0) + jnp.log1p(jnp.exp(-jnp.abs(sc)))
    out[...] = jnp.concatenate([loc, sp], -1)



def kernel(x, edge_index, params):
    p = params
    src, dst = edge_index[0], edge_index[1]
    f32 = jnp.float32

    def row2(a):
        return a.reshape(1, -1)

    pf, pb = p['fwd'], p['bwd']

    def projmat(dp):
        return jnp.concatenate([dp['msg_W1'][H:2 * H],
                                dp['msg_W1'][3 * H:4 * H],
                                dp['upd_W1'][2 * H:3 * H],
                                dp['skip_W'][H:2 * H]], axis=1)

    def projbias(dp):
        return jnp.concatenate([dp['msg_b1'], jnp.zeros((M1,), f32),
                                dp['upd_b1'], dp['skip_b']]).reshape(1, -1)

    def stk(fn):
        return jnp.stack([fn(pf), fn(pb)], 0)

    Uast = stk(lambda dp: dp['upd_W1'][0:H])
    Usst = stk(lambda dp: dp['upd_W1'][H:2 * H])
    U2st = stk(lambda dp: dp['upd_W2'])
    u2bst = stk(lambda dp: row2(dp['upd_b2']))
    Ssst = stk(lambda dp: dp['skip_W'][0:H])
    W1ast = stk(lambda dp: dp['msg_W1'][0:H])
    W1bst = stk(lambda dp: dp['msg_W1'][2 * H:3 * H])

    W2big = jnp.zeros((W1R, WMR), f32)
    b2big = jnp.zeros((1, WMR), f32)
    Gmat = jnp.zeros((WMR, S), f32)
    gb4 = jnp.zeros((1, S), f32)
    Rm = jnp.zeros((S, WMR), f32)
    for s in range(S):
        dp = pf if s < 2 else pb
        W2big = W2big.at[M1 * s:M1 * (s + 1), H * s:H * (s + 1)].set(dp['msg_W2'])
        b2big = b2big.at[0, H * s:H * (s + 1)].set(dp['msg_b2'])
        Gmat = Gmat.at[H * s:H * (s + 1), s].set(dp['gate_W'][:, 0])
        gb4 = gb4.at[0, s].set(dp['gate_b'][0])
        Rm = Rm.at[s, H * s:H * (s + 1)].set(1.0)
    W2big = W2big.astype(jnp.bfloat16)
    Gmat = Gmat.astype(jnp.bfloat16)

    xr = x.reshape(B * T, N, C)
    enc_call = pl.pallas_call(
        _enc_body,
        grid=(B * T,),
        in_specs=[pl.BlockSpec((1, N, C), lambda g: (g, 0, 0)),
                  _full(p['node_emb']), _full(p['enc_W']),
                  pl.BlockSpec((1, H), lambda g: (0, 0)),
                  _full(pf['in_W']), pl.BlockSpec((1, H), lambda g: (0, 0)),
                  pl.BlockSpec((H, 192), lambda g: (0, 0)),
                  pl.BlockSpec((1, 192), lambda g: (0, 0)),
                  _full(pb['in_W']), pl.BlockSpec((1, H), lambda g: (0, 0)),
                  pl.BlockSpec((H, 192), lambda g: (0, 0)),
                  pl.BlockSpec((1, 192), lambda g: (0, 0))],
        out_specs=[pl.BlockSpec((1, N, 192), lambda g: (g, 0, 0)),
                   pl.BlockSpec((1, N, 192), lambda g: (g, 0, 0))],
        out_shape=[jax.ShapeDtypeStruct((B * T, N, 192), f32),
                   jax.ShapeDtypeStruct((B * T, N, 192), f32)],
    )
    prf, prb = enc_call(xr, p['node_emb'], p['enc_W'], row2(p['enc_b']),
                        pf['in_W'], row2(pf['in_b']), projmat(pf), projbias(pf),
                        pb['in_W'], row2(pb['in_b']), projmat(pb), projbias(pb))
    prf = prf.reshape(B, T, N, 192)
    prb = prb.reshape(B, T, N, 192)

    def steps(sl):
        df, db = prf[..., sl], jnp.flip(prb[..., sl], 1)
        return jnp.concatenate([df[0], df[1], db[0], db[1]], axis=-1)

    stepA = steps(np.s_[:M1])
    stepB_ = steps(np.s_[M1:2 * M1])
    stepU = steps(np.s_[64:128])
    stepS = steps(np.s_[128:192])
    stepAn = jnp.concatenate([stepA[1:], stepA[-1:]], 0)
    stepBn = jnp.concatenate([stepB_[1:], stepB_[-1:]], 0)

    idxA = dst.reshape(NW, NCH, KC)
    idxB = src.reshape(NW, NCH, KC)
    idxD2 = idxA + N
    zz = jnp.zeros((N, W1R), f32)

    edge_call = pl.pallas_call(
        _edge_body,
        grid=(E // EC,),
        in_specs=[pl.BlockSpec((EC, W1R), lambda g: (g, 0)),
                  pl.BlockSpec((EC, W1R), lambda g: (g, 0)),
                  _full(W2big), _full(b2big), _full(Gmat), _full(gb4),
                  _full(Rm)],
        out_specs=[pl.BlockSpec((EC, W1R), lambda g: (g, 0)),
                   pl.BlockSpec((EC, W1R), lambda g: (g, 0))],
        out_shape=[jax.ShapeDtypeStruct((E, W1R), f32),
                   jax.ShapeDtypeStruct((E, W1R), f32)],
    )

    upd_call = pl.pallas_call(
        _upd_body,
        in_specs=[_full(jax.ShapeDtypeStruct((2, 2, N, W1R), f32)),
                  _full(jax.ShapeDtypeStruct((N, WMR), f32)),
                  _full(jax.ShapeDtypeStruct((N, WMR), f32)),
                  _full(jax.ShapeDtypeStruct((N, WMR), f32)),
                  _full(jax.ShapeDtypeStruct((N, W1R), f32)),
                  _full(jax.ShapeDtypeStruct((N, W1R), f32)),
                  _full(Uast), _full(Usst), _full(U2st),
                  _full(u2bst.reshape(2, 1, H)), _full(Ssst),
                  _full(W1ast), _full(W1bst)],
        out_specs=[pl.BlockSpec((N, WMR), lambda: (0, 0)),
                   pl.BlockSpec((N, W1R), lambda: (0, 0)),
                   pl.BlockSpec((N, W1R), lambda: (0, 0))],
        out_shape=[jax.ShapeDtypeStruct((N, WMR), f32),
                   jax.ShapeDtypeStruct((N, W1R), f32),
                   jax.ShapeDtypeStruct((N, W1R), f32)],
    )
    u2b3 = u2bst.reshape(2, 1, H)

    def body(carry, xs):
        state, tA, tB = carry
        pU_k, pS_k, pAn, pBn = xs
        gA, gB = _gather_impl(tA, tB, idxA, idxB)
        gm0, gm1 = edge_call(gA, gB, W2big, b2big, Gmat, gb4, Rm)
        agg2 = _scatter_impl(gm0, gm1, idxA, idxD2, zz)
        ns, tA2, tB2 = upd_call(agg2, state, pU_k, pS_k, pAn, pBn,
                                Uast, Usst, U2st, u2b3, Ssst, W1ast, W1bst)
        return (ns, tA2, tB2), ns

    state0 = jnp.zeros((N, WMR), f32)
    _, states = lax.scan(body, (state0, stepA[0], stepB_[0]),
                         (stepU, stepS, stepAn, stepBn))

    sfT = states[..., :D]
    sbT = jnp.flip(states[..., D:], 0)
    stall = jnp.stack([
        jnp.concatenate([sfT[..., 0:H], sbT[..., 0:H]], -1),
        jnp.concatenate([sfT[..., H:D], sbT[..., H:D]], -1)], 0)

    stin = stall.transpose(0, 2, 1, 3).reshape(B * N, T, D)
    x0r = x.transpose(0, 2, 1, 3).reshape(B * N, T, C)
    temporal_call = pl.pallas_call(
        _temporal_body,
        grid=(B * N // RT,),
        in_specs=[pl.BlockSpec((RT, T, D), lambda g: (g, 0, 0)),
                  pl.BlockSpec((RT, T, C), lambda g: (g, 0, 0)),
                  _full(p['skip_W']), pl.BlockSpec((1, D), lambda g: (0, 0)),
                  pl.BlockSpec((1, D), lambda g: (0, 0)),
                  pl.BlockSpec((1, D), lambda g: (0, 0)),
                  _full(p['ta_in_W']),
                  pl.BlockSpec((1, 3 * D), lambda g: (0, 0)),
                  _full(p['ta_out_W']),
                  pl.BlockSpec((1, D), lambda g: (0, 0)),
                  _full(p['gate_W']),
                  pl.BlockSpec((1, D), lambda g: (0, 0))],
        out_specs=pl.BlockSpec((RT, T, D), lambda g: (g, 0, 0)),
        out_shape=jax.ShapeDtypeStruct((B * N, T, D), f32),
    )
    st = temporal_call(stin, x0r, p['skip_W'], row2(p['skip_b']),
                       row2(p['tln_w']), row2(p['tln_b']),
                       p['ta_in_W'], row2(p['ta_in_b']),
                       p['ta_out_W'], row2(p['ta_out_b']),
                       p['gate_W'], row2(p['gate_b']))

    s2 = st.reshape(B, N, T, D).transpose(0, 2, 1, 3).reshape(B * T, N, D)
    station_call = pl.pallas_call(
        _station_body,
        grid=(B * T,),
        in_specs=[pl.BlockSpec((1, N, D), lambda g: (g, 0, 0)),
                  pl.BlockSpec((1, D), lambda g: (0, 0)),
                  pl.BlockSpec((1, D), lambda g: (0, 0)),
                  _full(p['sa_in_W']),
                  pl.BlockSpec((1, 3 * D), lambda g: (0, 0)),
                  _full(p['sa_out_W']),
                  pl.BlockSpec((1, D), lambda g: (0, 0))],
        out_specs=pl.BlockSpec((1, N, D), lambda g: (g, 0, 0)),
        out_shape=jax.ShapeDtypeStruct((B * T, N, D), f32),
    )
    stat = station_call(s2, row2(p['sln_w']), row2(p['sln_b']),
                        p['sa_in_W'], row2(p['sa_in_b']),
                        p['sa_out_W'], row2(p['sa_out_b']))

    st_btnd = st.reshape(B, N, T, D).transpose(0, 2, 1, 3).reshape(B * T * N, D)
    statf = stat.reshape(B * T * N, D)
    NB = B * T * N // RC
    ro1_call = pl.pallas_call(
        _ro1_body,
        grid=(NB,),
        in_specs=[pl.BlockSpec((RC, D), lambda g: (g, 0)),
                  pl.BlockSpec((RC, D), lambda g: (g, 0)),
                  _full(p['ro_W1']), pl.BlockSpec((1, H), lambda g: (0, 0))],
        out_specs=[pl.BlockSpec((RC, H), lambda g: (g, 0)),
                   pl.BlockSpec((1, 1, H), lambda g: (g, 0, 0)),
                   pl.BlockSpec((1, 1, H), lambda g: (g, 0, 0))],
        out_shape=[jax.ShapeDtypeStruct((B * T * N, H), f32),
                   jax.ShapeDtypeStruct((NB, 1, H), f32),
                   jax.ShapeDtypeStruct((NB, 1, H), f32)],
    )
    r, sums, sumsqs = ro1_call(st_btnd, statf, p['ro_W1'], row2(p['ro_b1']))

    ro2_call = pl.pallas_call(
        _ro2_body,
        grid=(NB,),
        in_specs=[pl.BlockSpec((RC, H), lambda g: (g, 0)),
                  _full(sums), _full(sumsqs),
                  pl.BlockSpec((1, H), lambda g: (0, 0)),
                  pl.BlockSpec((1, H), lambda g: (0, 0)),
                  _full(p['ro_W2']),
                  pl.BlockSpec((1, H), lambda g: (0, 0)),
                  pl.BlockSpec((1, H), lambda g: (0, 0)),
                  pl.BlockSpec((1, 1), lambda g: (0, 0)),
                  pl.BlockSpec((1, H), lambda g: (0, 0)),
                  pl.BlockSpec((1, 1), lambda g: (0, 0))],
        out_specs=pl.BlockSpec((RC, 2), lambda g: (g, 0)),
        out_shape=jax.ShapeDtypeStruct((B * T * N, 2), f32),
    )
    outf = ro2_call(r, sums, sumsqs, row2(p['bn_w']), row2(p['bn_b']),
                    p['ro_W2'], row2(p['ro_b2']),
                    p['loc_W'].reshape(1, H), p['loc_b'].reshape(1, 1),
                    p['scale_W'].reshape(1, H), p['scale_b'].reshape(1, 1))
    return outf.reshape(B, T, N, 2)

# --- scband reference (transcript-rebuilt; emitter-appended) ---
"""Pipeline reference for scband-enhanced-bi-directional-stgnn-22196390986377 (READ-ONLY COPY).

The authoritative reference and input builder live on the scoring server;
editing this copy changes nothing except your own understanding.
"""

import jax, jax.numpy as jnp
import numpy as np

B, T, N, C = 2, 8, 1000, 8
H = 64
D = 2 * H
E = 32000
EPS_TLN = 1e-4

def _lin(key, fan_in, fan_out):
    k1, k2 = jax.random.split(key)
    s = 1.0 / np.sqrt(fan_in)
    W = jax.random.uniform(k1, (fan_in, fan_out), minval=-s, maxval=s, dtype=jnp.float32)
    b = jax.random.uniform(k2, (fan_out,), minval=-s, maxval=s, dtype=jnp.float32)
    return W, b

def _ggn_params(key):
    ks = jax.random.split(key, 6)
    p = {}
    p['msg_W1'], p['msg_b1'] = _lin(ks[0], 4 * H, H // 2)
    p['msg_W2'], p['msg_b2'] = _lin(ks[1], H // 2, H)
    p['gate_W'], p['gate_b'] = _lin(ks[2], H, 1)
    p['upd_W1'], p['upd_b1'] = _lin(ks[3], 3 * H, H)
    p['upd_W2'], p['upd_b2'] = _lin(ks[4], H, H)
    p['skip_W'], p['skip_b'] = _lin(ks[5], 2 * H, H)
    return p

def _dir_params(key):
    k1, k2 = jax.random.split(key)
    p = _ggn_params(k2)
    p['in_W'], p['in_b'] = _lin(k1, H, H)
    return p

def _make_params(key):
    ks = jax.random.split(key, 16)
    p = {}
    p['enc_W'], p['enc_b'] = _lin(ks[0], C, H)
    bound = np.sqrt(6.0 / (N + H))
    p['node_emb'] = jax.random.uniform(ks[1], (N, H), minval=-bound, maxval=bound, dtype=jnp.float32)
    p['fwd'] = _dir_params(ks[2])
    p['bwd'] = _dir_params(ks[3])
    p['tln_w'] = jnp.ones((D,), jnp.float32)
    p['tln_b'] = jnp.zeros((D,), jnp.float32)
    p['ta_in_W'], p['ta_in_b'] = _lin(ks[4], D, 3 * D)
    p['ta_out_W'], p['ta_out_b'] = _lin(ks[5], D, D)
    p['gate_W'], p['gate_b'] = _lin(ks[6], D, D)
    p['skip_W'], p['skip_b'] = _lin(ks[7], C, D)
    p['sln_w'] = jnp.ones((D,), jnp.float32)
    p['sln_b'] = jnp.zeros((D,), jnp.float32)
    p['sa_in_W'], p['sa_in_b'] = _lin(ks[8], D, 3 * D)
    p['sa_out_W'], p['sa_out_b'] = _lin(ks[9], D, D)
    p['ro_W1'], p['ro_b1'] = _lin(ks[10], D, H)
    p['bn_w'] = jnp.ones((H,), jnp.float32)
    p['bn_b'] = jnp.zeros((H,), jnp.float32)
    p['ro_W2'], p['ro_b2'] = _lin(ks[11], H, H)
    p['loc_W'], p['loc_b'] = _lin(ks[12], H, 1)
    p['scale_W'], p['scale_b'] = _lin(ks[13], H, 1)
    return p

def _custom_ln(x, w, b):
    mean = jnp.mean(x, axis=-1, keepdims=True)
    std = jnp.sqrt(jnp.mean((x - mean) ** 2, axis=-1, keepdims=True))
    std = jnp.clip(std, 1e-8, 1e19)
    return (x - mean) / (std + EPS_TLN) * w + b

def _std_ln(x, w, b):
    mean = jnp.mean(x, axis=-1, keepdims=True)
    var = jnp.mean((x - mean) ** 2, axis=-1, keepdims=True)
    return (x - mean) / jnp.sqrt(var + 1e-5) * w + b

def _mha(x, Wi, bi, Wo, bo, nh):
    Bq, L, Dm = x.shape
    qkv = x @ Wi + bi
    q, k, v = jnp.split(qkv, 3, axis=-1)
    hd = Dm // nh
    q = q.reshape(Bq, L, nh, hd).transpose(0, 2, 1, 3)
    k = k.reshape(Bq, L, nh, hd).transpose(0, 2, 1, 3)
    v = v.reshape(Bq, L, nh, hd).transpose(0, 2, 1, 3)
    a = jax.nn.softmax(jnp.einsum('bhqd,bhkd->bhqk', q, k) / np.sqrt(hd), axis=-1)
    o = jnp.einsum('bhqk,bhkd->bhqd', a, v)
    o = o.transpose(0, 2, 1, 3).reshape(Bq, L, Dm)
    return o @ Wo + bo

def _ggn(x, src, dst, p):
    x_j = jnp.take(x, src, axis=1)
    x_i = jnp.take(x, dst, axis=1)
    m = jnp.concatenate([x_i, x_j], axis=-1)
    m = jax.nn.silu(m @ p['msg_W1'] + p['msg_b1'])
    m = jax.nn.silu(m @ p['msg_W2'] + p['msg_b2'])
    g = jax.nn.sigmoid(m @ p['gate_W'] + p['gate_b'])
    m = g * m
    agg = jnp.zeros((x.shape[0], x.shape[1], m.shape[-1]), x.dtype).at[:, dst].add(m)
    u = jnp.concatenate([agg, x], axis=-1)
    u = jax.nn.silu(u @ p['upd_W1'] + p['upd_b1'])
    u = u @ p['upd_W2'] + p['upd_b2']
    return u + (x @ p['skip_W'] + p['skip_b'])

def _rnn(h, src, dst, p, reverse):
    state = jnp.zeros((h.shape[0], h.shape[2], H), h.dtype)
    states = []
    ts = range(h.shape[1] - 1, -1, -1) if reverse else range(h.shape[1])
    for t in ts:
        xt = h[:, t] @ p['in_W'] + p['in_b']
        inp = jnp.concatenate([state, xt], axis=-1)
        out = _ggn(inp, src, dst, p)
        state = out + state
        states.append(state)
    if reverse:
        states = states[::-1]
    return jnp.stack(states, axis=1)

def _forward(x, edge_index, params):
    src, dst = edge_index[0], edge_index[1]
    x0 = x
    h = x @ params['enc_W'] + params['enc_b']
    h = h + params['node_emb']
    sf = _rnn(h, src, dst, params['fwd'], False)
    sb = _rnn(h, src, dst, params['bwd'], True)
    states = jnp.concatenate([sf, sb], axis=-1)
    states = states + (x0 @ params['skip_W'] + params['skip_b'])
    st = states.transpose(0, 2, 1, 3).reshape(B * N, T, D)
    st = _custom_ln(st, params['tln_w'], params['tln_b'])
    st = st + _mha(st, params['ta_in_W'], params['ta_in_b'], params['ta_out_W'], params['ta_out_b'], 4)
    gate = jax.nn.sigmoid(st @ params['gate_W'] + params['gate_b'])
    skip = x0.transpose(0, 2, 1, 3).reshape(B * N, T, C) @ params['skip_W'] + params['skip_b']
    st = gate * st + (1.0 - gate) * skip
    s2 = st.reshape(B, N, T, D).transpose(0, 2, 1, 3).reshape(B * T, N, D)
    s2 = _std_ln(s2, params['sln_w'], params['sln_b'])
    stat = _mha(s2, params['sa_in_W'], params['sa_in_b'], params['sa_out_W'], params['sa_out_b'], 2)
    stat = stat.reshape(B, T, N, D)
    st = st.reshape(B, N, T, D).transpose(0, 2, 1, 3) + stat
    r = st @ params['ro_W1'] + params['ro_b1']
    mean = jnp.mean(r, axis=(0, 1, 2), keepdims=True)
    var = jnp.mean((r - mean) ** 2, axis=(0, 1, 2), keepdims=True)
    r = (r - mean) / jnp.sqrt(var + 1e-5) * params['bn_w'] + params['bn_b']
    r = jax.nn.silu(r)
    r = r @ params['ro_W2'] + params['ro_b2']
    loc = r @ params['loc_W'] + params['loc_b']
    scale = jax.nn.softplus(r @ params['scale_W'] + params['scale_b'])
    return jnp.concatenate([loc, scale], axis=-1)

def setup_inputs(seed: int = 0):
    key = jax.random.key(seed)
    kx, ke, kp = jax.random.split(key, 3)
    x = jax.random.normal(kx, (B, T, N, C), dtype=jnp.float32)
    edge_index = jax.random.randint(ke, (2, E), 0, N, dtype=jnp.int32)
    params = _make_params(kp)
    return {'x': x, 'edge_index': edge_index, 'params': params}

def reference(x, edge_index, params):
    return _forward(x, edge_index, params)

if __name__ == "__main__":
    import jax
    _d = setup_inputs()
    print(jax.jit(kernel)(*tuple(_d.values())))

</pallas_src>

<mosaic_0001>
#map = affine_map<(d0, d1) -> (0, 0)>
#map1 = affine_map<(d0, d1) -> (0, 0, 0)>
#map2 = affine_map<(d0, d1) -> (0, 0, 0, 0)>
module attributes {stable_mosaic.version = 14 : i64} {
  func.func @_sc_scatter(%arg0: i32, %arg1: i32, %arg2: memref<32000x128xf32, #tpu.memory_space<hbm>>, %arg3: memref<32000x128xf32, #tpu.memory_space<hbm>>, %arg4: memref<32x25x40xi32, #tpu.memory_space<hbm>>, %arg5: memref<32x25x40xi32, #tpu.memory_space<hbm>>, %arg6: memref<1000x128xf32, #tpu.memory_space<hbm>>, %arg7: memref<2x2x1000x128xf32, #tpu.memory_space<hbm>>, %arg8: memref<25x40xi32, #tpu.memory_space<vmem>>, %arg9: memref<25x40xi32, #tpu.memory_space<vmem>>, %arg10: memref<40x128xf32, #tpu.memory_space<vmem>>, %arg11: memref<40x128xf32, #tpu.memory_space<vmem>>, %arg12: memref<40x128xf32, #tpu.memory_space<vmem>>, %arg13: memref<40x128xf32, #tpu.memory_space<vmem>>, %arg14: memref<40x128xf32, #tpu.memory_space<vmem>>, %arg15: memref<40x128xf32, #tpu.memory_space<vmem>>, %arg16: memref<!tpu.dma_semaphore, #tpu.memory_space<semaphore_mem>>, %arg17: memref<!tpu.dma_semaphore, #tpu.memory_space<semaphore_mem>>, %arg18: memref<!tpu.dma_semaphore, #tpu.memory_space<semaphore_mem>>, %arg19: memref<!tpu.dma_semaphore, #tpu.memory_space<semaphore_mem>>, %arg20: memref<!tpu.dma_semaphore, #tpu.memory_space<semaphore_mem>>, %arg21: memref<!tpu.dma_semaphore, #tpu.memory_space<semaphore_mem>>, %arg22: memref<2000x128xf32, #tpu.memory_space<vmem_shared>>) attributes {dimension_semantics = [#tpu.dimension_semantics<core_parallel>, #tpu.dimension_semantics<subcore_parallel>], iteration_bounds = array<i64: 2, 16>, scalar_prefetch = 0 : i64, scratch_operands = 15 : i64, tpu.core_type = #tpu.core_type<sc_vector_subcore>, window_params = [{transform_indices = #map}, {transform_indices = #map}, {transform_indices = #map1}, {transform_indices = #map1}, {transform_indices = #map}, {transform_indices = #map2}]} {
    %mul3A = arith.constant 16 : i32
    %mul3A_0 = arith.muli %arg0, %mul3A : i32
    %add3A = arith.addi %mul3A_0, %arg1 : i32
    %mul3A_1 = arith.constant 1000 : i32
    %mul3A_2 = arith.muli %add3A, %mul3A_1 : i32
    %lt3A = arith.constant 5 : i32
    %lt3A_3 = arith.cmpi slt, %arg1, %lt3A : i32
    %convert_element_type3A = arith.extui %lt3A_3 : i1 to i32
    %cond3A = arith.constant 0 : i32
    %cond3A_4 = arith.cmpi ne, %convert_element_type3A, %cond3A : i32
    scf.if %cond3A_4 {
      %mul3A_101 = arith.constant 200 : i32
      %mul3A_102 = arith.muli %arg1, %mul3A_101 : i32
      %mul3A_103 = arith.constant 200 : i32
      %mul3A_104 = arith.muli %arg1, %mul3A_103 : i32
      "tpu.region"() ({
        %run_scoped3A = tpu.sem_alloc : memref<!tpu.dma_semaphore, #tpu.memory_space<semaphore_mem>>
        %dma_start3A_105 = arith.constant 0 : i32
        %dma_start3A_106 = tpu.memref_slice %arg22[%mul3A_104, %dma_start3A_105] : memref<2000x128xf32, #tpu.memory_space<vmem_shared>> -> memref<200x128xf32, #tpu.memory_space<vmem_shared>>
        %dma_start3A_107 = arith.constant 0 : i32
        %dma_start3A_108 = tpu.memref_slice %arg6[%mul3A_102, %dma_start3A_107] : memref<1000x128xf32, #tpu.memory_space<hbm>> -> memref<200x128xf32, #tpu.memory_space<hbm>>
        tpu.enqueue_dma source(%dma_start3A_108 : memref<200x128xf32, #tpu.memory_space<hbm>>) target(%dma_start3A_106 : memref<200x128xf32, #tpu.memory_space<vmem_shared>>) target_semaphore(%run_scoped3A : memref<!tpu.dma_semaphore, #tpu.memory_space<semaphore_mem>>)
        %dma_wait3A_109 = arith.constant 0 : i32
        %dma_wait3A_110 = tpu.memref_slice %arg22[%mul3A_104, %dma_wait3A_109] : memref<2000x128xf32, #tpu.memory_space<vmem_shared>> -> memref<200x128xf32, #tpu.memory_space<vmem_shared>>
        %dma_wait3A_111 = arith.constant 0 : i32
        %dma_wait3A_112 = tpu.memref_slice %arg6[%mul3A_102, %dma_wait3A_111] : memref<1000x128xf32, #tpu.memory_space<hbm>> -> memref<200x128xf32, #tpu.memory_space<hbm>>
        tpu.wait_dma2 semaphore(%run_scoped3A : memref<!tpu.dma_semaphore, #tpu.memory_space<semaphore_mem>>) src(%dma_wait3A_112 : memref<200x128xf32, #tpu.memory_space<hbm>>) dst(%dma_wait3A_110 : memref<200x128xf32, #tpu.memory_space<vmem_shared>>)
        tpu.yield
      }) : () -> ()
    } else {
    }
    %ge3A = arith.constant 5 : i32
    %ge3A_5 = arith.cmpi sge, %arg1, %ge3A : i32
    %lt3A_6 = arith.constant 10 : i32
    %lt3A_7 = arith.cmpi slt, %arg1, %lt3A_6 : i32
    %and3A = arith.andi %ge3A_5, %lt3A_7 : i1
    %convert_element_type3A_8 = arith.extui %and3A : i1 to i32
    %cond3A_9 = arith.constant 0 : i32
    %cond3A_10 = arith.cmpi ne, %convert_element_type3A_8, %cond3A_9 : i32
    scf.if %cond3A_10 {
      %sub3A = arith.constant 5 : i32
      %sub3A_101 = arith.subi %arg1, %sub3A : i32
      %mul3A_102 = arith.constant 200 : i32
      %mul3A_103 = arith.muli %sub3A_101, %mul3A_102 : i32
      %sub3A_104 = arith.constant 5 : i32
      %sub3A_105 = arith.subi %arg1, %sub3A_104 : i32
      %mul3A_106 = arith.constant 200 : i32
      %mul3A_107 = arith.muli %sub3A_105, %mul3A_106 : i32
      %add3A_108 = arith.constant 1000 : i32
      %add3A_109 = arith.addi %add3A_108, %mul3A_107 : i32
      "tpu.region"() ({
        %run_scoped3A = tpu.sem_alloc : memref<!tpu.dma_semaphore, #tpu.memory_space<semaphore_mem>>
        %dma_start3A_110 = arith.constant 0 : i32
        %dma_start3A_111 = tpu.memref_slice %arg22[%add3A_109, %dma_start3A_110] : memref<2000x128xf32, #tpu.memory_space<vmem_shared>> -> memref<200x128xf32, #tpu.memory_space<vmem_shared>>
        %dma_start3A_112 = arith.constant 0 : i32
        %dma_start3A_113 = tpu.memref_slice %arg6[%mul3A_103, %dma_start3A_112] : memref<1000x128xf32, #tpu.memory_space<hbm>> -> memref<200x128xf32, #tpu.memory_space<hbm>>
        tpu.enqueue_dma source(%dma_start3A_113 : memref<200x128xf32, #tpu.memory_space<hbm>>) target(%dma_start3A_111 : memref<200x128xf32, #tpu.memory_space<vmem_shared>>) target_semaphore(%run_scoped3A : memref<!tpu.dma_semaphore, #tpu.memory_space<semaphore_mem>>)
        %dma_wait3A_114 = arith.constant 0 : i32
        %dma_wait3A_115 = tpu.memref_slice %arg22[%add3A_109, %dma_wait3A_114] : memref<2000x128xf32, #tpu.memory_space<vmem_shared>> -> memref<200x128xf32, #tpu.memory_space<vmem_shared>>
        %dma_wait3A_116 = arith.constant 0 : i32
        %dma_wait3A_117 = tpu.memref_slice %arg6[%mul3A_103, %dma_wait3A_116] : memref<1000x128xf32, #tpu.memory_space<hbm>> -> memref<200x128xf32, #tpu.memory_space<hbm>>
        tpu.wait_dma2 semaphore(%run_scoped3A : memref<!tpu.dma_semaphore, #tpu.memory_space<semaphore_mem>>) src(%dma_wait3A_117 : memref<200x128xf32, #tpu.memory_space<hbm>>) dst(%dma_wait3A_115 : memref<200x128xf32, #tpu.memory_space<vmem_shared>>)
        tpu.yield
      }) : () -> ()
    } else {
    }
    "tpu.region"() ({
      %run_scoped3A = tpu.sem_alloc : memref<!tpu.dma_semaphore, #tpu.memory_space<semaphore_mem>>
      %dma_start3A_101 = arith.constant 0 : i32
      %dma_start3A_102 = arith.constant 0 : i32
      %dma_start3A_103 = tpu.memref_slice %arg4[%add3A, %dma_start3A_101, %dma_start3A_102] : memref<32x25x40xi32, #tpu.memory_space<hbm>> -> memref<1x25x40xi32, #tpu.memory_space<hbm>>
      %dma_start3A_104 = tpu.memref_squeeze %dma_start3A_103 : memref<1x25x40xi32, #tpu.memory_space<hbm>> -> memref<25x40xi32, #tpu.memory_space<hbm>>
      %dma_start3A_105 = arith.constant 0 : i32
      %dma_start3A_106 = arith.constant 0 : i32
      %dma_start3A_107 = tpu.memref_slice %arg4[%add3A, %dma_start3A_105, %dma_start3A_106] : memref<32x25x40xi32, #tpu.memory_space<hbm>> -> memref<1x25x40xi32, #tpu.memory_space<hbm>>
      %dma_start3A_108 = tpu.memref_squeeze %dma_start3A_107 : memref<1x25x40xi32, #tpu.memory_space<hbm>> -> memref<25x40xi32, #tpu.memory_space<hbm>>
      tpu.enqueue_dma source(%dma_start3A_108 : memref<25x40xi32, #tpu.memory_space<hbm>>) target(%arg8 : memref<25x40xi32, #tpu.memory_space<vmem>>) target_semaphore(%run_scoped3A : memref<!tpu.dma_semaphore, #tpu.memory_space<semaphore_mem>>)
      %dma_wait3A_109 = arith.constant 0 : i32
      %dma_wait3A_110 = arith.constant 0 : i32
      %dma_wait3A_111 = tpu.memref_slice %arg4[%add3A, %dma_wait3A_109, %dma_wait3A_110] : memref<32x25x40xi32, #tpu.memory_space<hbm>> -> memref<1x25x40xi32, #tpu.memory_space<hbm>>
      %dma_wait3A_112 = tpu.memref_squeeze %dma_wait3A_111 : memref<1x25x40xi32, #tpu.memory_space<hbm>> -> memref<25x40xi32, #tpu.memory_space<hbm>>
      %dma_wait3A_113 = arith.constant 0 : i32
      %dma_wait3A_114 = arith.constant 0 : i32
      %dma_wait3A_115 = tpu.memref_slice %arg4[%add3A, %dma_wait3A_113, %dma_wait3A_114] : memref<32x25x40xi32, #tpu.memory_space<hbm>> -> memref<1x25x40xi32, #tpu.memory_space<hbm>>
      %dma_wait3A_116 = tpu.memref_squeeze %dma_wait3A_115 : memref<1x25x40xi32, #tpu.memory_space<hbm>> -> memref<25x40xi32, #tpu.memory_space<hbm>>
      tpu.wait_dma2 semaphore(%run_scoped3A : memref<!tpu.dma_semaphore, #tpu.memory_space<semaphore_mem>>) src(%dma_wait3A_116 : memref<25x40xi32, #tpu.memory_space<hbm>>) dst(%arg8 : memref<25x40xi32, #tpu.memory_space<vmem>>)
      tpu.yield
    }) : () -> ()
    "tpu.region"() ({
      %run_scoped3A = tpu.sem_alloc : memref<!tpu.dma_semaphore, #tpu.memory_space<semaphore_mem>>
      %dma_start3A_101 = arith.constant 0 : i32
      %dma_start3A_102 = arith.constant 0 : i32
      %dma_start3A_103 = tpu.memref_slice %arg5[%add3A, %dma_start3A_101, %dma_start3A_102] : memref<32x25x40xi32, #tpu.memory_space<hbm>> -> memref<1x25x40xi32, #tpu.memory_space<hbm>>
      %dma_start3A_104 = tpu.memref_squeeze %dma_start3A_103 : memref<1x25x40xi32, #tpu.memory_space<hbm>> -> memref<25x40xi32, #tpu.memory_space<hbm>>
      %dma_start3A_105 = arith.constant 0 : i32
      %dma_start3A_106 = arith.constant 0 : i32
      %dma_start3A_107 = tpu.memref_slice %arg5[%add3A, %dma_start3A_105, %dma_start3A_106] : memref<32x25x40xi32, #tpu.memory_space<hbm>> -> memref<1x25x40xi32, #tpu.memory_space<hbm>>
      %dma_start3A_108 = tpu.memref_squeeze %dma_start3A_107 : memref<1x25x40xi32, #tpu.memory_space<hbm>> -> memref<25x40xi32, #tpu.memory_space<hbm>>
      tpu.enqueue_dma source(%dma_start3A_108 : memref<25x40xi32, #tpu.memory_space<hbm>>) target(%arg9 : memref<25x40xi32, #tpu.memory_space<vmem>>) target_semaphore(%run_scoped3A : memref<!tpu.dma_semaphore, #tpu.memory_space<semaphore_mem>>)
      %dma_wait3A_109 = arith.constant 0 : i32
      %dma_wait3A_110 = arith.constant 0 : i32
      %dma_wait3A_111 = tpu.memref_slice %arg5[%add3A, %dma_wait3A_109, %dma_wait3A_110] : memref<32x25x40xi32, #tpu.memory_space<hbm>> -> memref<1x25x40xi32, #tpu.memory_space<hbm>>
      %dma_wait3A_112 = tpu.memref_squeeze %dma_wait3A_111 : memref<1x25x40xi32, #tpu.memory_space<hbm>> -> memref<25x40xi32, #tpu.memory_space<hbm>>
      %dma_wait3A_113 = arith.constant 0 : i32
      %dma_wait3A_114 = arith.constant 0 : i32
      %dma_wait3A_115 = tpu.memref_slice %arg5[%add3A, %dma_wait3A_113, %dma_wait3A_114] : memref<32x25x40xi32, #tpu.memory_space<hbm>> -> memref<1x25x40xi32, #tpu.memory_space<hbm>>
      %dma_wait3A_116 = tpu.memref_squeeze %dma_wait3A_115 : memref<1x25x40xi32, #tpu.memory_space<hbm>> -> memref<25x40xi32, #tpu.memory_space<hbm>>
      tpu.wait_dma2 semaphore(%run_scoped3A : memref<!tpu.dma_semaphore, #tpu.memory_space<semaphore_mem>>) src(%dma_wait3A_116 : memref<25x40xi32, #tpu.memory_space<hbm>>) dst(%arg9 : memref<25x40xi32, #tpu.memory_space<vmem>>)
      tpu.yield
    }) : () -> ()
    %add3A_11 = arith.constant 0 : i32
    %add3A_12 = arith.addi %mul3A_2, %add3A_11 : i32
    %dma_start3A = arith.constant 0 : i32
    %dma_start3A_13 = tpu.memref_slice %arg2[%add3A_12, %dma_start3A] : memref<32000x128xf32, #tpu.memory_space<hbm>> -> memref<40x128xf32, #tpu.memory_space<hbm>>
    %dma_start3A_14 = arith.constant 0 : i32
    %dma_start3A_15 = tpu.memref_slice %arg2[%add3A_12, %dma_start3A_14] : memref<32000x128xf32, #tpu.memory_space<hbm>> -> memref<40x128xf32, #tpu.memory_space<hbm>>
    tpu.enqueue_dma source(%dma_start3A_15 : memref<40x128xf32, #tpu.memory_space<hbm>>) target(%arg10 : memref<40x128xf32, #tpu.memory_space<vmem>>) target_semaphore(%arg16 : memref<!tpu.dma_semaphore, #tpu.memory_space<semaphore_mem>>)
    %add3A_16 = arith.constant 0 : i32
    %add3A_17 = arith.addi %mul3A_2, %add3A_16 : i32
    %dma_start3A_18 = arith.constant 0 : i32
    %dma_start3A_19 = tpu.memref_slice %arg3[%add3A_17, %dma_start3A_18] : memref<32000x128xf32, #tpu.memory_space<hbm>> -> memref<40x128xf32, #tpu.memory_space<hbm>>
    %dma_start3A_20 = arith.constant 0 : i32
    %dma_start3A_21 = tpu.memref_slice %arg3[%add3A_17, %dma_start3A_20] : memref<32000x128xf32, #tpu.memory_space<hbm>> -> memref<40x128xf32, #tpu.memory_space<hbm>>
    tpu.enqueue_dma source(%dma_start3A_21 : memref<40x128xf32, #tpu.memory_space<hbm>>) target(%arg13 : memref<40x128xf32, #tpu.memory_space<vmem>>) target_semaphore(%arg16 : memref<!tpu.dma_semaphore, #tpu.memory_space<semaphore_mem>>)
    %add3A_22 = arith.constant 40 : i32
    %add3A_23 = arith.addi %mul3A_2, %add3A_22 : i32
    %dma_start3A_24 = arith.constant 0 : i32
    %dma_start3A_25 = tpu.memref_slice %arg2[%add3A_23, %dma_start3A_24] : memref<32000x128xf32, #tpu.memory_space<hbm>> -> memref<40x128xf32, #tpu.memory_space<hbm>>
    %dma_start3A_26 = arith.constant 0 : i32
    %dma_start3A_27 = tpu.memref_slice %arg2[%add3A_23, %dma_start3A_26] : memref<32000x128xf32, #tpu.memory_space<hbm>> -> memref<40x128xf32, #tpu.memory_space<hbm>>
    tpu.enqueue_dma source(%dma_start3A_27 : memref<40x128xf32, #tpu.memory_space<hbm>>) target(%arg11 : memref<40x128xf32, #tpu.memory_space<vmem>>) target_semaphore(%arg17 : memref<!tpu.dma_semaphore, #tpu.memory_space<semaphore_mem>>)
    %add3A_28 = arith.constant 40 : i32
    %add3A_29 = arith.addi %mul3A_2, %add3A_28 : i32
    %dma_start3A_30 = arith.constant 0 : i32
    %dma_start3A_31 = tpu.memref_slice %arg3[%add3A_29, %dma_start3A_30] : memref<32000x128xf32, #tpu.memory_space<hbm>> -> memref<40x128xf32, #tpu.memory_space<hbm>>
    %dma_start3A_32 = arith.constant 0 : i32
    %dma_start3A_33 = tpu.memref_slice %arg3[%add3A_29, %dma_start3A_32] : memref<32000x128xf32, #tpu.memory_space<hbm>> -> memref<40x128xf32, #tpu.memory_space<hbm>>
    tpu.enqueue_dma source(%dma_start3A_33 : memref<40x128xf32, #tpu.memory_space<hbm>>) target(%arg14 : memref<40x128xf32, #tpu.memory_space<vmem>>) target_semaphore(%arg17 : memref<!tpu.dma_semaphore, #tpu.memory_space<semaphore_mem>>)
    %add3A_34 = arith.constant 80 : i32
    %add3A_35 = arith.addi %mul3A_2, %add3A_34 : i32
    %dma_start3A_36 = arith.constant 0 : i32
    %dma_start3A_37 = tpu.memref_slice %arg2[%add3A_35, %dma_start3A_36] : memref<32000x128xf32, #tpu.memory_space<hbm>> -> memref<40x128xf32, #tpu.memory_space<hbm>>
    %dma_start3A_38 = arith.constant 0 : i32
    %dma_start3A_39 = tpu.memref_slice %arg2[%add3A_35, %dma_start3A_38] : memref<32000x128xf32, #tpu.memory_space<hbm>> -> memref<40x128xf32, #tpu.memory_space<hbm>>
    tpu.enqueue_dma source(%dma_start3A_39 : memref<40x128xf32, #tpu.memory_space<hbm>>) target(%arg12 : memref<40x128xf32, #tpu.memory_space<vmem>>) target_semaphore(%arg18 : memref<!tpu.dma_semaphore, #tpu.memory_space<semaphore_mem>>)
    %add3A_40 = arith.constant 80 : i32
    %add3A_41 = arith.addi %mul3A_2, %add3A_40 : i32
    %dma_start3A_42 = arith.constant 0 : i32
    %dma_start3A_43 = tpu.memref_slice %arg3[%add3A_41, %dma_start3A_42] : memref<32000x128xf32, #tpu.memory_space<hbm>> -> memref<40x128xf32, #tpu.memory_space<hbm>>
    %dma_start3A_44 = arith.constant 0 : i32
    %dma_start3A_45 = tpu.memref_slice %arg3[%add3A_41, %dma_start3A_44] : memref<32000x128xf32, #tpu.memory_space<hbm>> -> memref<40x128xf32, #tpu.memory_space<hbm>>
    tpu.enqueue_dma source(%dma_start3A_45 : memref<40x128xf32, #tpu.memory_space<hbm>>) target(%arg15 : memref<40x128xf32, #tpu.memory_space<vmem>>) target_semaphore(%arg18 : memref<!tpu.dma_semaphore, #tpu.memory_space<semaphore_mem>>)
    %barrier3A = arith.constant 0 : index
    tpu.barrier barrier_id(%barrier3A)
    %scan3A = arith.constant 0 : i32
    %scan3A_46 = arith.constant 0 : i32
    %scan3A_47 = arith.constant 9 : i32
    %scan3A_48 = arith.addi %scan3A_46, %scan3A_47 : i32
    %scan3A_49 = arith.constant 1 : i32
    %scan3A_50 = scf.for %scan3A_101 = %scan3A_46 to %scan3A_48 step %scan3A_49 iter_args(%scan3A_102 = %scan3A) -> (i32)  : i32 {
      %mul3A_103 = arith.constant 3 : i32
      %mul3A_104 = arith.muli %scan3A_101, %mul3A_103 : i32
      %add3A_105 = arith.constant 0 : i32
      %add3A_106 = arith.addi %mul3A_104, %add3A_105 : i32
      %lt3A_107 = arith.constant 25 : i32
      %lt3A_108 = arith.cmpi slt, %add3A_106, %lt3A_107 : i32
      %convert_element_type3A_109 = arith.extui %lt3A_108 : i1 to i32
      %cond3A_110 = arith.constant 0 : i32
      %cond3A_111 = arith.cmpi ne, %convert_element_type3A_109, %cond3A_110 : i32
      scf.if %cond3A_111 {
        %ge3A_131 = arith.constant 3 : i32
        %ge3A_132 = arith.cmpi sge, %add3A_106, %ge3A_131 : i32
        %convert_element_type3A_133 = arith.extui %ge3A_132 : i1 to i32
        %cond3A_134 = arith.constant 0 : i32
        %cond3A_135 = arith.cmpi ne, %convert_element_type3A_133, %cond3A_134 : i32
        scf.if %cond3A_135 {
          %dma_wait3A_167 = arith.constant 0 : i32
          %dma_wait3A_168 = arith.constant 0 : i32
          %dma_wait3A_169 = tpu.memref_slice %arg2[%dma_wait3A_167, %dma_wait3A_168] : memref<32000x128xf32, #tpu.memory_space<hbm>> -> memref<40x128xf32, #tpu.memory_space<hbm>>
          %dma_wait3A_170 = arith.constant 0 : i32
          %dma_wait3A_171 = arith.constant 0 : i32
          %dma_wait3A_172 = tpu.memref_slice %arg2[%dma_wait3A_170, %dma_wait3A_171] : memref<32000x128xf32, #tpu.memory_space<hbm>> -> memref<40x128xf32, #tpu.memory_space<hbm>>
          tpu.wait_dma2 semaphore(%arg19 : memref<!tpu.dma_semaphore, #tpu.memory_space<semaphore_mem>>) src(%dma_wait3A_172 : memref<40x128xf32, #tpu.memory_space<hbm>>) dst(%arg10 : memref<40x128xf32, #tpu.memory_space<vmem>>)
          %dma_wait3A_173 = arith.constant 0 : i32
          %dma_wait3A_174 = arith.constant 0 : i32
          %dma_wait3A_175 = tpu.memref_slice %arg2[%dma_wait3A_173, %dma_wait3A_174] : memref<32000x128xf32, #tpu.memory_space<hbm>> -> memref<40x128xf32, #tpu.memory_space<hbm>>
          %dma_wait3A_176 = arith.constant 0 : i32
          %dma_wait3A_177 = arith.constant 0 : i32
          %dma_wait3A_178 = tpu.memref_slice %arg2[%dma_wait3A_176, %dma_wait3A_177] : memref<32000x128xf32, #tpu.memory_space<hbm>> -> memref<40x128xf32, #tpu.memory_space<hbm>>
          tpu.wait_dma2 semaphore(%arg19 : memref<!tpu.dma_semaphore, #tpu.memory_space<semaphore_mem>>) src(%dma_wait3A_178 : memref<40x128xf32, #tpu.memory_space<hbm>>) dst(%arg13 : memref<40x128xf32, #tpu.memory_space<vmem>>)
        } else {
        }
        %dma_wait3A_136 = arith.constant 0 : i32
        %dma_wait3A_137 = arith.constant 0 : i32
        %dma_wait3A_138 = tpu.memref_slice %arg2[%dma_wait3A_136, %dma_wait3A_137] : memref<32000x128xf32, #tpu.memory_space<hbm>> -> memref<40x128xf32, #tpu.memory_space<hbm>>
        %dma_wait3A_139 = arith.constant 0 : i32
        %dma_wait3A_140 = arith.constant 0 : i32
        %dma_wait3A_141 = tpu.memref_slice %arg2[%dma_wait3A_139, %dma_wait3A_140] : memref<32000x128xf32, #tpu.memory_space<hbm>> -> memref<40x128xf32, #tpu.memory_space<hbm>>
        tpu.wait_dma2 semaphore(%arg16 : memref<!tpu.dma_semaphore, #tpu.memory_space<semaphore_mem>>) src(%dma_wait3A_141 : memref<40x128xf32, #tpu.memory_space<hbm>>) dst(%arg10 : memref<40x128xf32, #tpu.memory_space<vmem>>)
        %dma_wait3A_142 = arith.constant 0 : i32
        %dma_wait3A_143 = arith.constant 0 : i32
        %dma_wait3A_144 = tpu.memref_slice %arg2[%dma_wait3A_142, %dma_wait3A_143] : memref<32000x128xf32, #tpu.memory_space<hbm>> -> memref<40x128xf32, #tpu.memory_space<hbm>>
        %dma_wait3A_145 = arith.constant 0 : i32
        %dma_wait3A_146 = arith.constant 0 : i32
        %dma_wait3A_147 = tpu.memref_slice %arg2[%dma_wait3A_145, %dma_wait3A_146] : memref<32000x128xf32, #tpu.memory_space<hbm>> -> memref<40x128xf32, #tpu.memory_space<hbm>>
        tpu.wait_dma2 semaphore(%arg16 : memref<!tpu.dma_semaphore, #tpu.memory_space<semaphore_mem>>) src(%dma_wait3A_147 : memref<40x128xf32, #tpu.memory_space<hbm>>) dst(%arg13 : memref<40x128xf32, #tpu.memory_space<vmem>>)
        %dma_start3A_148 = arith.constant 0 : i32
        %dma_start3A_149 = tpu.memref_slice %arg8[%add3A_106, %dma_start3A_148] : memref<25x40xi32, #tpu.memory_space<vmem>> -> memref<1x40xi32, #tpu.memory_space<vmem>>
        %dma_start3A_150 = tpu.memref_squeeze %dma_start3A_149 : memref<1x40xi32, #tpu.memory_space<vmem>> -> memref<40xi32, #tpu.memory_space<vmem>>
        %dma_start3A_151 = arith.constant 0 : i32
        %dma_start3A_152 = arith.constant 0 : i32
        %dma_start3A_153 = tpu.memref_slice %arg22[%dma_start3A_151, %dma_start3A_152] : memref<2000x128xf32, #tpu.memory_space<vmem_shared>> -> memref<2000x128xf32, #tpu.memory_space<vmem_shared>>
        tpu.enqueue_indirect_dma source(%arg10 : memref<40x128xf32, #tpu.memory_space<vmem>>) target(%dma_start3A_153 : memref<2000x128xf32, #tpu.memory_space<vmem_shared>>) offsets(%dma_start3A_150 : memref<40xi32, #tpu.memory_space<vmem>>) semaphore(%arg19 : memref<!tpu.dma_semaphore, #tpu.memory_space<semaphore_mem>>) {add = true}
        %dma_start3A_154 = arith.constant 0 : i32
        %dma_start3A_155 = tpu.memref_slice %arg9[%add3A_106, %dma_start3A_154] : memref<25x40xi32, #tpu.memory_space<vmem>> -> memref<1x40xi32, #tpu.memory_space<vmem>>
        %dma_start3A_156 = tpu.memref_squeeze %dma_start3A_155 : memref<1x40xi32, #tpu.memory_space<vmem>> -> memref<40xi32, #tpu.memory_space<vmem>>
        %dma_start3A_157 = arith.constant 0 : i32
        %dma_start3A_158 = arith.constant 0 : i32
        %dma_start3A_159 = tpu.memref_slice %arg22[%dma_start3A_157, %dma_start3A_158] : memref<2000x128xf32, #tpu.memory_space<vmem_shared>> -> memref<2000x128xf32, #tpu.memory_space<vmem_shared>>
        tpu.enqueue_indirect_dma source(%arg13 : memref<40x128xf32, #tpu.memory_space<vmem>>) target(%dma_start3A_159 : memref<2000x128xf32, #tpu.memory_space<vmem_shared>>) offsets(%dma_start3A_156 : memref<40xi32, #tpu.memory_space<vmem>>) semaphore(%arg19 : memref<!tpu.dma_semaphore, #tpu.memory_space<semaphore_mem>>) {add = true}
        %add3A_160 = arith.constant 3 : i32
        %add3A_161 = arith.addi %add3A_106, %add3A_160 : i32
        %lt3A_162 = arith.constant 25 : i32
        %lt3A_163 = arith.cmpi slt, %add3A_161, %lt3A_162 : i32
        %convert_element_type3A_164 = arith.extui %lt3A_163 : i1 to i32
        %cond3A_165 = arith.constant 0 : i32
        %cond3A_166 = arith.cmpi ne, %convert_element_type3A_164, %cond3A_165 : i32
        scf.if %cond3A_166 {
          %add3A_167 = arith.constant 3 : i32
          %add3A_168 = arith.addi %add3A_106, %add3A_167 : i32
          %mul3A_169 = arith.constant 40 : i32
          %mul3A_170 = arith.muli %add3A_168, %mul3A_169 : i32
          %add3A_171 = arith.addi %mul3A_2, %mul3A_170 : i32
          %dma_start3A_172 = arith.constant 0 : i32
          %dma_start3A_173 = tpu.memref_slice %arg2[%add3A_171, %dma_start3A_172] : memref<32000x128xf32, #tpu.memory_space<hbm>> -> memref<40x128xf32, #tpu.memory_space<hbm>>
          %dma_start3A_174 = arith.constant 0 : i32
          %dma_start3A_175 = tpu.memref_slice %arg2[%add3A_171, %dma_start3A_174] : memref<32000x128xf32, #tpu.memory_space<hbm>> -> memref<40x128xf32, #tpu.memory_space<hbm>>
          tpu.enqueue_dma source(%dma_start3A_175 : memref<40x128xf32, #tpu.memory_space<hbm>>) target(%arg10 : memref<40x128xf32, #tpu.memory_space<vmem>>) target_semaphore(%arg16 : memref<!tpu.dma_semaphore, #tpu.memory_space<semaphore_mem>>)
          %mul3A_176 = arith.constant 40 : i32
          %mul3A_177 = arith.muli %add3A_168, %mul3A_176 : i32
          %add3A_178 = arith.addi %mul3A_2, %mul3A_177 : i32
          %dma_start3A_179 = arith.constant 0 : i32
          %dma_start3A_180 = tpu.memref_slice %arg3[%add3A_178, %dma_start3A_179] : memref<32000x128xf32, #tpu.memory_space<hbm>> -> memref<40x128xf32, #tpu.memory_space<hbm>>
          %dma_start3A_181 = arith.constant 0 : i32
          %dma_start3A_182 = tpu.memref_slice %arg3[%add3A_178, %dma_start3A_181] : memref<32000x128xf32, #tpu.memory_space<hbm>> -> memref<40x128xf32, #tpu.memory_space<hbm>>
          tpu.enqueue_dma source(%dma_start3A_182 : memref<40x128xf32, #tpu.memory_space<hbm>>) target(%arg13 : memref<40x128xf32, #tpu.memory_space<vmem>>) target_semaphore(%arg16 : memref<!tpu.dma_semaphore, #tpu.memory_space<semaphore_mem>>)
        } else {
        }
      } else {
      }
      %mul3A_112 = arith.constant 3 : i32
      %mul3A_113 = arith.muli %scan3A_101, %mul3A_112 : i32
      %add3A_114 = arith.constant 1 : i32
      %add3A_115 = arith.addi %mul3A_113, %add3A_114 : i32
      %lt3A_116 = arith.constant 25 : i32
      %lt3A_117 = arith.cmpi slt, %add3A_115, %lt3A_116 : i32
      %convert_element_type3A_118 = arith.extui %lt3A_117 : i1 to i32
      %cond3A_119 = arith.constant 0 : i32
      %cond3A_120 = arith.cmpi ne, %convert_element_type3A_118, %cond3A_119 : i32
      scf.if %cond3A_120 {
        %ge3A_131 = arith.constant 3 : i32
        %ge3A_132 = arith.cmpi sge, %add3A_115, %ge3A_131 : i32
        %convert_element_type3A_133 = arith.extui %ge3A_132 : i1 to i32
        %cond3A_134 = arith.constant 0 : i32
        %cond3A_135 = arith.cmpi ne, %convert_element_type3A_133, %cond3A_134 : i32
        scf.if %cond3A_135 {
          %dma_wait3A_167 = arith.constant 0 : i32
          %dma_wait3A_168 = arith.constant 0 : i32
          %dma_wait3A_169 = tpu.memref_slice %arg2[%dma_wait3A_167, %dma_wait3A_168] : memref<32000x128xf32, #tpu.memory_space<hbm>> -> memref<40x128xf32, #tpu.memory_space<hbm>>
          %dma_wait3A_170 = arith.constant 0 : i32
          %dma_wait3A_171 = arith.constant 0 : i32
          %dma_wait3A_172 = tpu.memref_slice %arg2[%dma_wait3A_170, %dma_wait3A_171] : memref<32000x128xf32, #tpu.memory_space<hbm>> -> memref<40x128xf32, #tpu.memory_space<hbm>>
          tpu.wait_dma2 semaphore(%arg20 : memref<!tpu.dma_semaphore, #tpu.memory_space<semaphore_mem>>) src(%dma_wait3A_172 : memref<40x128xf32, #tpu.memory_space<hbm>>) dst(%arg11 : memref<40x128xf32, #tpu.memory_space<vmem>>)
          %dma_wait3A_173 = arith.constant 0 : i32
          %dma_wait3A_174 = arith.constant 0 : i32
          %dma_wait3A_175 = tpu.memref_slice %arg2[%dma_wait3A_173, %dma_wait3A_174] : memref<32000x128xf32, #tpu.memory_space<hbm>> -> memref<40x128xf32, #tpu.memory_space<hbm>>
          %dma_wait3A_176 = arith.constant 0 : i32
          %dma_wait3A_177 = arith.constant 0 : i32
          %dma_wait3A_178 = tpu.memref_slice %arg2[%dma_wait3A_176, %dma_wait3A_177] : memref<32000x128xf32, #tpu.memory_space<hbm>> -> memref<40x128xf32, #tpu.memory_space<hbm>>
          tpu.wait_dma2 semaphore(%arg20 : memref<!tpu.dma_semaphore, #tpu.memory_space<semaphore_mem>>) src(%dma_wait3A_178 : memref<40x128xf32, #tpu.memory_space<hbm>>) dst(%arg14 : memref<40x128xf32, #tpu.memory_space<vmem>>)
        } else {
        }
        %dma_wait3A_136 = arith.constant 0 : i32
        %dma_wait3A_137 = arith.constant 0 : i32
        %dma_wait3A_138 = tpu.memref_slice %arg2[%dma_wait3A_136, %dma_wait3A_137] : memref<32000x128xf32, #tpu.memory_space<hbm>> -> memref<40x128xf32, #tpu.memory_space<hbm>>
        %dma_wait3A_139 = arith.constant 0 : i32
        %dma_wait3A_140 = arith.constant 0 : i32
        %dma_wait3A_141 = tpu.memref_slice %arg2[%dma_wait3A_139, %dma_wait3A_140] : memref<32000x128xf32, #tpu.memory_space<hbm>> -> memref<40x128xf32, #tpu.memory_space<hbm>>
        tpu.wait_dma2 semaphore(%arg17 : memref<!tpu.dma_semaphore, #tpu.memory_space<semaphore_mem>>) src(%dma_wait3A_141 : memref<40x128xf32, #tpu.memory_space<hbm>>) dst(%arg11 : memref<40x128xf32, #tpu.memory_space<vmem>>)
        %dma_wait3A_142 = arith.constant 0 : i32
        %dma_wait3A_143 = arith.constant 0 : i32
        %dma_wait3A_144 = tpu.memref_slice %arg2[%dma_wait3A_142, %dma_wait3A_143] : memref<32000x128xf32, #tpu.memory_space<hbm>> -> memref<40x128xf32, #tpu.memory_space<hbm>>
        %dma_wait3A_145 = arith.constant 0 : i32
        %dma_wait3A_146 = arith.constant 0 : i32
        %dma_wait3A_147 = tpu.memref_slice %arg2[%dma_wait3A_145, %dma_wait3A_146] : memref<32000x128xf32, #tpu.memory_space<hbm>> -> memref<40x128xf32, #tpu.memory_space<hbm>>
        tpu.wait_dma2 semaphore(%arg17 : memref<!tpu.dma_semaphore, #tpu.memory_space<semaphore_mem>>) src(%dma_wait3A_147 : memref<40x128xf32, #tpu.memory_space<hbm>>) dst(%arg14 : memref<40x128xf32, #tpu.memory_space<vmem>>)
        %dma_start3A_148 = arith.constant 0 : i32
        %dma_start3A_149 = tpu.memref_slice %arg8[%add3A_115, %dma_start3A_148] : memref<25x40xi32, #tpu.memory_space<vmem>> -> memref<1x40xi32, #tpu.memory_space<vmem>>
        %dma_start3A_150 = tpu.memref_squeeze %dma_start3A_149 : memref<1x40xi32, #tpu.memory_space<vmem>> -> memref<40xi32, #tpu.memory_space<vmem>>
        %dma_start3A_151 = arith.constant 0 : i32
        %dma_start3A_152 = arith.constant 0 : i32
        %dma_start3A_153 = tpu.memref_slice %arg22[%dma_start3A_151, %dma_start3A_152] : memref<2000x128xf32, #tpu.memory_space<vmem_shared>> -> memref<2000x128xf32, #tpu.memory_space<vmem_shared>>
        tpu.enqueue_indirect_dma source(%arg11 : memref<40x128xf32, #tpu.memory_space<vmem>>) target(%dma_start3A_153 : memref<2000x128xf32, #tpu.memory_space<vmem_shared>>) offsets(%dma_start3A_150 : memref<40xi32, #tpu.memory_space<vmem>>) semaphore(%arg20 : memref<!tpu.dma_semaphore, #tpu.memory_space<semaphore_mem>>) {add = true}
        %dma_start3A_154 = arith.constant 0 : i32
        %dma_start3A_155 = tpu.memref_slice %arg9[%add3A_115, %dma_start3A_154] : memref<25x40xi32, #tpu.memory_space<vmem>> -> memref<1x40xi32, #tpu.memory_space<vmem>>
        %dma_start3A_156 = tpu.memref_squeeze %dma_start3A_155 : memref<1x40xi32, #tpu.memory_space<vmem>> -> memref<40xi32, #tpu.memory_space<vmem>>
        %dma_start3A_157 = arith.constant 0 : i32
        %dma_start3A_158 = arith.constant 0 : i32
        %dma_start3A_159 = tpu.memref_slice %arg22[%dma_start3A_157, %dma_start3A_158] : memref<2000x128xf32, #tpu.memory_space<vmem_shared>> -> memref<2000x128xf32, #tpu.memory_space<vmem_shared>>
        tpu.enqueue_indirect_dma source(%arg14 : memref<40x128xf32, #tpu.memory_space<vmem>>) target(%dma_start3A_159 : memref<2000x128xf32, #tpu.memory_space<vmem_shared>>) offsets(%dma_start3A_156 : memref<40xi32, #tpu.memory_space<vmem>>) semaphore(%arg20 : memref<!tpu.dma_semaphore, #tpu.memory_space<semaphore_mem>>) {add = true}
        %add3A_160 = arith.constant 3 : i32
        %add3A_161 = arith.addi %add3A_115, %add3A_160 : i32
        %lt3A_162 = arith.constant 25 : i32
        %lt3A_163 = arith.cmpi slt, %add3A_161, %lt3A_162 : i32
        %convert_element_type3A_164 = arith.extui %lt3A_163 : i1 to i32
        %cond3A_165 = arith.constant 0 : i32
        %cond3A_166 = arith.cmpi ne, %convert_element_type3A_164, %cond3A_165 : i32
        scf.if %cond3A_166 {
          %add3A_167 = arith.constant 3 : i32
          %add3A_168 = arith.addi %add3A_115, %add3A_167 : i32
          %mul3A_169 = arith.constant 40 : i32
          %mul3A_170 = arith.muli %add3A_168, %mul3A_169 : i32
          %add3A_171 = arith.addi %mul3A_2, %mul3A_170 : i32
          %dma_start3A_172 = arith.constant 0 : i32
          %dma_start3A_173 = tpu.memref_slice %arg2[%add3A_171, %dma_start3A_172] : memref<32000x128xf32, #tpu.memory_space<hbm>> -> memref<40x128xf32, #tpu.memory_space<hbm>>
          %dma_start3A_174 = arith.constant 0 : i32
          %dma_start3A_175 = tpu.memref_slice %arg2[%add3A_171, %dma_start3A_174] : memref<32000x128xf32, #tpu.memory_space<hbm>> -> memref<40x128xf32, #tpu.memory_space<hbm>>
          tpu.enqueue_dma source(%dma_start3A_175 : memref<40x128xf32, #tpu.memory_space<hbm>>) target(%arg11 : memref<40x128xf32, #tpu.memory_space<vmem>>) target_semaphore(%arg17 : memref<!tpu.dma_semaphore, #tpu.memory_space<semaphore_mem>>)
          %mul3A_176 = arith.constant 40 : i32
          %mul3A_177 = arith.muli %add3A_168, %mul3A_176 : i32
          %add3A_178 = arith.addi %mul3A_2, %mul3A_177 : i32
          %dma_start3A_179 = arith.constant 0 : i32
          %dma_start3A_180 = tpu.memref_slice %arg3[%add3A_178, %dma_start3A_179] : memref<32000x128xf32, #tpu.memory_space<hbm>> -> memref<40x128xf32, #tpu.memory_space<hbm>>
          %dma_start3A_181 = arith.constant 0 : i32
          %dma_start3A_182 = tpu.memref_slice %arg3[%add3A_178, %dma_start3A_181] : memref<32000x128xf32, #tpu.memory_space<hbm>> -> memref<40x128xf32, #tpu.memory_space<hbm>>
          tpu.enqueue_dma source(%dma_start3A_182 : memref<40x128xf32, #tpu.memory_space<hbm>>) target(%arg14 : memref<40x128xf32, #tpu.memory_space<vmem>>) target_semaphore(%arg17 : memref<!tpu.dma_semaphore, #tpu.memory_space<semaphore_mem>>)
        } else {
        }
      } else {
      }
      %mul3A_121 = arith.constant 3 : i32
      %mul3A_122 = arith.muli %scan3A_101, %mul3A_121 : i32
      %add3A_123 = arith.constant 2 : i32
      %add3A_124 = arith.addi %mul3A_122, %add3A_123 : i32
      %lt3A_125 = arith.constant 25 : i32
      %lt3A_126 = arith.cmpi slt, %add3A_124, %lt3A_125 : i32
      %convert_element_type3A_127 = arith.extui %lt3A_126 : i1 to i32
      %cond3A_128 = arith.constant 0 : i32
      %cond3A_129 = arith.cmpi ne, %convert_element_type3A_127, %cond3A_128 : i32
      scf.if %cond3A_129 {
        %ge3A_131 = arith.constant 3 : i32
        %ge3A_132 = arith.cmpi sge, %add3A_124, %ge3A_131 : i32
        %convert_element_type3A_133 = arith.extui %ge3A_132 : i1 to i32
        %cond3A_134 = arith.constant 0 : i32
        %cond3A_135 = arith.cmpi ne, %convert_element_type3A_133, %cond3A_134 : i32
        scf.if %cond3A_135 {
          %dma_wait3A_167 = arith.constant 0 : i32
          %dma_wait3A_168 = arith.constant 0 : i32
          %dma_wait3A_169 = tpu.memref_slice %arg2[%dma_wait3A_167, %dma_wait3A_168] : memref<32000x128xf32, #tpu.memory_space<hbm>> -> memref<40x128xf32, #tpu.memory_space<hbm>>
          %dma_wait3A_170 = arith.constant 0 : i32
          %dma_wait3A_171 = arith.constant 0 : i32
          %dma_wait3A_172 = tpu.memref_slice %arg2[%dma_wait3A_170, %dma_wait3A_171] : memref<32000x128xf32, #tpu.memory_space<hbm>> -> memref<40x128xf32, #tpu.memory_space<hbm>>
          tpu.wait_dma2 semaphore(%arg21 : memref<!tpu.dma_semaphore, #tpu.memory_space<semaphore_mem>>) src(%dma_wait3A_172 : memref<40x128xf32, #tpu.memory_space<hbm>>) dst(%arg12 : memref<40x128xf32, #tpu.memory_space<vmem>>)
          %dma_wait3A_173 = arith.constant 0 : i32
          %dma_wait3A_174 = arith.constant 0 : i32
          %dma_wait3A_175 = tpu.memref_slice %arg2[%dma_wait3A_173, %dma_wait3A_174] : memref<32000x128xf32, #tpu.memory_space<hbm>> -> memref<40x128xf32, #tpu.memory_space<hbm>>
          %dma_wait3A_176 = arith.constant 0 : i32
          %dma_wait3A_177 = arith.constant 0 : i32
          %dma_wait3A_178 = tpu.memref_slice %arg2[%dma_wait3A_176, %dma_wait3A_177] : memref<32000x128xf32, #tpu.memory_space<hbm>> -> memref<40x128xf32, #tpu.memory_space<hbm>>
          tpu.wait_dma2 semaphore(%arg21 : memref<!tpu.dma_semaphore, #tpu.memory_space<semaphore_mem>>) src(%dma_wait3A_178 : memref<40x128xf32, #tpu.memory_space<hbm>>) dst(%arg15 : memref<40x128xf32, #tpu.memory_space<vmem>>)
        } else {
        }
        %dma_wait3A_136 = arith.constant 0 : i32
        %dma_wait3A_137 = arith.constant 0 : i32
        %dma_wait3A_138 = tpu.memref_slice %arg2[%dma_wait3A_136, %dma_wait3A_137] : memref<32000x128xf32, #tpu.memory_space<hbm>> -> memref<40x128xf32, #tpu.memory_space<hbm>>
        %dma_wait3A_139 = arith.constant 0 : i32
        %dma_wait3A_140 = arith.constant 0 : i32
        %dma_wait3A_141 = tpu.memref_slice %arg2[%dma_wait3A_139, %dma_wait3A_140] : memref<32000x128xf32, #tpu.memory_space<hbm>> -> memref<40x128xf32, #tpu.memory_space<hbm>>
        tpu.wait_dma2 semaphore(%arg18 : memref<!tpu.dma_semaphore, #tpu.memory_space<semaphore_mem>>) src(%dma_wait3A_141 : memref<40x128xf32, #tpu.memory_space<hbm>>) dst(%arg12 : memref<40x128xf32, #tpu.memory_space<vmem>>)
        %dma_wait3A_142 = arith.constant 0 : i32
        %dma_wait3A_143 = arith.constant 0 : i32
        %dma_wait3A_144 = tpu.memref_slice %arg2[%dma_wait3A_142, %dma_wait3A_143] : memref<32000x128xf32, #tpu.memory_space<hbm>> -> memref<40x128xf32, #tpu.memory_space<hbm>>
        %dma_wait3A_145 = arith.constant 0 : i32
        %dma_wait3A_146 = arith.constant 0 : i32
        %dma_wait3A_147 = tpu.memref_slice %arg2[%dma_wait3A_145, %dma_wait3A_146] : memref<32000x128xf32, #tpu.memory_space<hbm>> -> memref<40x128xf32, #tpu.memory_space<hbm>>
        tpu.wait_dma2 semaphore(%arg18 : memref<!tpu.dma_semaphore, #tpu.memory_space<semaphore_mem>>) src(%dma_wait3A_147 : memref<40x128xf32, #tpu.memory_space<hbm>>) dst(%arg15 : memref<40x128xf32, #tpu.memory_space<vmem>>)
        %dma_start3A_148 = arith.constant 0 : i32
        %dma_start3A_149 = tpu.memref_slice %arg8[%add3A_124, %dma_start3A_148] : memref<25x40xi32, #tpu.memory_space<vmem>> -> memref<1x40xi32, #tpu.memory_space<vmem>>
        %dma_start3A_150 = tpu.memref_squeeze %dma_start3A_149 : memref<1x40xi32, #tpu.memory_space<vmem>> -> memref<40xi32, #tpu.memory_space<vmem>>
        %dma_start3A_151 = arith.constant 0 : i32
        %dma_start3A_152 = arith.constant 0 : i32
        %dma_start3A_153 = tpu.memref_slice %arg22[%dma_start3A_151, %dma_start3A_152] : memref<2000x128xf32, #tpu.memory_space<vmem_shared>> -> memref<2000x128xf32, #tpu.memory_space<vmem_shared>>
        tpu.enqueue_indirect_dma source(%arg12 : memref<40x128xf32, #tpu.memory_space<vmem>>) target(%dma_start3A_153 : memref<2000x128xf32, #tpu.memory_space<vmem_shared>>) offsets(%dma_start3A_150 : memref<40xi32, #tpu.memory_space<vmem>>) semaphore(%arg21 : memref<!tpu.dma_semaphore, #tpu.memory_space<semaphore_mem>>) {add = true}
        %dma_start3A_154 = arith.constant 0 : i32
        %dma_start3A_155 = tpu.memref_slice %arg9[%add3A_124, %dma_start3A_154] : memref<25x40xi32, #tpu.memory_space<vmem>> -> memref<1x40xi32, #tpu.memory_space<vmem>>
        %dma_start3A_156 = tpu.memref_squeeze %dma_start3A_155 : memref<1x40xi32, #tpu.memory_space<vmem>> -> memref<40xi32, #tpu.memory_space<vmem>>
        %dma_start3A_157 = arith.constant 0 : i32
        %dma_start3A_158 = arith.constant 0 : i32
        %dma_start3A_159 = tpu.memref_slice %arg22[%dma_start3A_157, %dma_start3A_158] : memref<2000x128xf32, #tpu.memory_space<vmem_shared>> -> memref<2000x128xf32, #tpu.memory_space<vmem_shared>>
        tpu.enqueue_indirect_dma source(%arg15 : memref<40x128xf32, #tpu.memory_space<vmem>>) target(%dma_start3A_159 : memref<2000x128xf32, #tpu.memory_space<vmem_shared>>) offsets(%dma_start3A_156 : memref<40xi32, #tpu.memory_space<vmem>>) semaphore(%arg21 : memref<!tpu.dma_semaphore, #tpu.memory_space<semaphore_mem>>) {add = true}
        %add3A_160 = arith.constant 3 : i32
        %add3A_161 = arith.addi %add3A_124, %add3A_160 : i32
        %lt3A_162 = arith.constant 25 : i32
        %lt3A_163 = arith.cmpi slt, %add3A_161, %lt3A_162 : i32
        %convert_element_type3A_164 = arith.extui %lt3A_163 : i1 to i32
        %cond3A_165 = arith.constant 0 : i32
        %cond3A_166 = arith.cmpi ne, %convert_element_type3A_164, %cond3A_165 : i32
        scf.if %cond3A_166 {
          %add3A_167 = arith.constant 3 : i32
          %add3A_168 = arith.addi %add3A_124, %add3A_167 : i32
          %mul3A_169 = arith.constant 40 : i32
          %mul3A_170 = arith.muli %add3A_168, %mul3A_169 : i32
          %add3A_171 = arith.addi %mul3A_2, %mul3A_170 : i32
          %dma_start3A_172 = arith.constant 0 : i32
          %dma_start3A_173 = tpu.memref_slice %arg2[%add3A_171, %dma_start3A_172] : memref<32000x128xf32, #tpu.memory_space<hbm>> -> memref<40x128xf32, #tpu.memory_space<hbm>>
          %dma_start3A_174 = arith.constant 0 : i32
          %dma_start3A_175 = tpu.memref_slice %arg2[%add3A_171, %dma_start3A_174] : memref<32000x128xf32, #tpu.memory_space<hbm>> -> memref<40x128xf32, #tpu.memory_space<hbm>>
          tpu.enqueue_dma source(%dma_start3A_175 : memref<40x128xf32, #tpu.memory_space<hbm>>) target(%arg12 : memref<40x128xf32, #tpu.memory_space<vmem>>) target_semaphore(%arg18 : memref<!tpu.dma_semaphore, #tpu.memory_space<semaphore_mem>>)
          %mul3A_176 = arith.constant 40 : i32
          %mul3A_177 = arith.muli %add3A_168, %mul3A_176 : i32
          %add3A_178 = arith.addi %mul3A_2, %mul3A_177 : i32
          %dma_start3A_179 = arith.constant 0 : i32
          %dma_start3A_180 = tpu.memref_slice %arg3[%add3A_178, %dma_start3A_179] : memref<32000x128xf32, #tpu.memory_space<hbm>> -> memref<40x128xf32, #tpu.memory_space<hbm>>
          %dma_start3A_181 = arith.constant 0 : i32
          %dma_start3A_182 = tpu.memref_slice %arg3[%add3A_178, %dma_start3A_181] : memref<32000x128xf32, #tpu.memory_space<hbm>> -> memref<40x128xf32, #tpu.memory_space<hbm>>
          tpu.enqueue_dma source(%dma_start3A_182 : memref<40x128xf32, #tpu.memory_space<hbm>>) target(%arg15 : memref<40x128xf32, #tpu.memory_space<vmem>>) target_semaphore(%arg18 : memref<!tpu.dma_semaphore, #tpu.memory_space<semaphore_mem>>)
        } else {
        }
      } else {
      }
      %scan3A_130 = arith.constant 0 : i32
      scf.yield %scan3A_130 : i32
    }
    %scan3A_51 = arith.constant 9 : i32
    %dma_wait3A = arith.constant 0 : i32
    %dma_wait3A_52 = arith.constant 0 : i32
    %dma_wait3A_53 = tpu.memref_slice %arg2[%dma_wait3A, %dma_wait3A_52] : memref<32000x128xf32, #tpu.memory_space<hbm>> -> memref<40x128xf32, #tpu.memory_space<hbm>>
    %dma_wait3A_54 = arith.constant 0 : i32
    %dma_wait3A_55 = arith.constant 0 : i32
    %dma_wait3A_56 = tpu.memref_slice %arg2[%dma_wait3A_54, %dma_wait3A_55] : memref<32000x128xf32, #tpu.memory_space<hbm>> -> memref<40x128xf32, #tpu.memory_space<hbm>>
    tpu.wait_dma2 semaphore(%arg19 : memref<!tpu.dma_semaphore, #tpu.memory_space<semaphore_mem>>) src(%dma_wait3A_56 : memref<40x128xf32, #tpu.memory_space<hbm>>) dst(%arg10 : memref<40x128xf32, #tpu.memory_space<vmem>>)
    %dma_wait3A_57 = arith.constant 0 : i32
    %dma_wait3A_58 = arith.constant 0 : i32
    %dma_wait3A_59 = tpu.memref_slice %arg2[%dma_wait3A_57, %dma_wait3A_58] : memref<32000x128xf32, #tpu.memory_space<hbm>> -> memref<40x128xf32, #tpu.memory_space<hbm>>
    %dma_wait3A_60 = arith.constant 0 : i32
    %dma_wait3A_61 = arith.constant 0 : i32
    %dma_wait3A_62 = tpu.memref_slice %arg2[%dma_wait3A_60, %dma_wait3A_61] : memref<32000x128xf32, #tpu.memory_space<hbm>> -> memref<40x128xf32, #tpu.memory_space<hbm>>
    tpu.wait_dma2 semaphore(%arg19 : memref<!tpu.dma_semaphore, #tpu.memory_space<semaphore_mem>>) src(%dma_wait3A_62 : memref<40x128xf32, #tpu.memory_space<hbm>>) dst(%arg13 : memref<40x128xf32, #tpu.memory_space<vmem>>)
    %dma_wait3A_63 = arith.constant 0 : i32
    %dma_wait3A_64 = arith.constant 0 : i32
    %dma_wait3A_65 = tpu.memref_slice %arg2[%dma_wait3A_63, %dma_wait3A_64] : memref<32000x128xf32, #tpu.memory_space<hbm>> -> memref<40x128xf32, #tpu.memory_space<hbm>>
    %dma_wait3A_66 = arith.constant 0 : i32
    %dma_wait3A_67 = arith.constant 0 : i32
    %dma_wait3A_68 = tpu.memref_slice %arg2[%dma_wait3A_66, %dma_wait3A_67] : memref<32000x128xf32, #tpu.memory_space<hbm>> -> memref<40x128xf32, #tpu.memory_space<hbm>>
    tpu.wait_dma2 semaphore(%arg20 : memref<!tpu.dma_semaphore, #tpu.memory_space<semaphore_mem>>) src(%dma_wait3A_68 : memref<40x128xf32, #tpu.memory_space<hbm>>) dst(%arg11 : memref<40x128xf32, #tpu.memory_space<vmem>>)
    %dma_wait3A_69 = arith.constant 0 : i32
    %dma_wait3A_70 = arith.constant 0 : i32
    %dma_wait3A_71 = tpu.memref_slice %arg2[%dma_wait3A_69, %dma_wait3A_70] : memref<32000x128xf32, #tpu.memory_space<hbm>> -> memref<40x128xf32, #tpu.memory_space<hbm>>
    %dma_wait3A_72 = arith.constant 0 : i32
    %dma_wait3A_73 = arith.constant 0 : i32
    %dma_wait3A_74 = tpu.memref_slice %arg2[%dma_wait3A_72, %dma_wait3A_73] : memref<32000x128xf32, #tpu.memory_space<hbm>> -> memref<40x128xf32, #tpu.memory_space<hbm>>
    tpu.wait_dma2 semaphore(%arg20 : memref<!tpu.dma_semaphore, #tpu.memory_space<semaphore_mem>>) src(%dma_wait3A_74 : memref<40x128xf32, #tpu.memory_space<hbm>>) dst(%arg14 : memref<40x128xf32, #tpu.memory_space<vmem>>)
    %dma_wait3A_75 = arith.constant 0 : i32
    %dma_wait3A_76 = arith.constant 0 : i32
    %dma_wait3A_77 = tpu.memref_slice %arg2[%dma_wait3A_75, %dma_wait3A_76] : memref<32000x128xf32, #tpu.memory_space<hbm>> -> memref<40x128xf32, #tpu.memory_space<hbm>>
    %dma_wait3A_78 = arith.constant 0 : i32
    %dma_wait3A_79 = arith.constant 0 : i32
    %dma_wait3A_80 = tpu.memref_slice %arg2[%dma_wait3A_78, %dma_wait3A_79] : memref<32000x128xf32, #tpu.memory_space<hbm>> -> memref<40x128xf32, #tpu.memory_space<hbm>>
    tpu.wait_dma2 semaphore(%arg21 : memref<!tpu.dma_semaphore, #tpu.memory_space<semaphore_mem>>) src(%dma_wait3A_80 : memref<40x128xf32, #tpu.memory_space<hbm>>) dst(%arg12 : memref<40x128xf32, #tpu.memory_space<vmem>>)
    %dma_wait3A_81 = arith.constant 0 : i32
    %dma_wait3A_82 = arith.constant 0 : i32
    %dma_wait3A_83 = tpu.memref_slice %arg2[%dma_wait3A_81, %dma_wait3A_82] : memref<32000x128xf32, #tpu.memory_space<hbm>> -> memref<40x128xf32, #tpu.memory_space<hbm>>
    %dma_wait3A_84 = arith.constant 0 : i32
    %dma_wait3A_85 = arith.constant 0 : i32
    %dma_wait3A_86 = tpu.memref_slice %arg2[%dma_wait3A_84, %dma_wait3A_85] : memref<32000x128xf32, #tpu.memory_space<hbm>> -> memref<40x128xf32, #tpu.memory_space<hbm>>
    tpu.wait_dma2 semaphore(%arg21 : memref<!tpu.dma_semaphore, #tpu.memory_space<semaphore_mem>>) src(%dma_wait3A_86 : memref<40x128xf32, #tpu.memory_space<hbm>>) dst(%arg15 : memref<40x128xf32, #tpu.memory_space<vmem>>)
    %barrier3A_87 = arith.constant 0 : index
    tpu.barrier barrier_id(%barrier3A_87)
    %lt3A_88 = arith.constant 5 : i32
    %lt3A_89 = arith.cmpi slt, %arg1, %lt3A_88 : i32
    %convert_element_type3A_90 = arith.extui %lt3A_89 : i1 to i32
    %cond3A_91 = arith.constant 0 : i32
    %cond3A_92 = arith.cmpi ne, %convert_element_type3A_90, %cond3A_91 : i32
    scf.if %cond3A_92 {
      %mul3A_101 = arith.constant 200 : i32
      %mul3A_102 = arith.muli %arg1, %mul3A_101 : i32
      %mul3A_103 = arith.constant 200 : i32
      %mul3A_104 = arith.muli %arg1, %mul3A_103 : i32
      %run_scoped3A = arith.constant 0 : i32
      "tpu.region"() ({
        %run_scoped3A_105 = tpu.sem_alloc : memref<!tpu.dma_semaphore, #tpu.memory_space<semaphore_mem>>
        %dma_start3A_106 = arith.constant 0 : i32
        %dma_start3A_107 = tpu.memref_slice %arg7[%arg0, %run_scoped3A, %mul3A_104, %dma_start3A_106] : memref<2x2x1000x128xf32, #tpu.memory_space<hbm>> -> memref<1x1x200x128xf32, #tpu.memory_space<hbm>>
        %dma_start3A_108 = tpu.memref_squeeze %dma_start3A_107 : memref<1x1x200x128xf32, #tpu.memory_space<hbm>> -> memref<200x128xf32, #tpu.memory_space<hbm>>
        %dma_start3A_109 = arith.constant 0 : i32
        %dma_start3A_110 = tpu.memref_slice %arg22[%mul3A_102, %dma_start3A_109] : memref<2000x128xf32, #tpu.memory_space<vmem_shared>> -> memref<200x128xf32, #tpu.memory_space<vmem_shared>>
        tpu.enqueue_dma source(%dma_start3A_110 : memref<200x128xf32, #tpu.memory_space<vmem_shared>>) target(%dma_start3A_108 : memref<200x128xf32, #tpu.memory_space<hbm>>) target_semaphore(%run_scoped3A_105 : memref<!tpu.dma_semaphore, #tpu.memory_space<semaphore_mem>>)
        %dma_wait3A_111 = arith.constant 0 : i32
        %dma_wait3A_112 = tpu.memref_slice %arg7[%arg0, %run_scoped3A, %mul3A_104, %dma_wait3A_111] : memref<2x2x1000x128xf32, #tpu.memory_space<hbm>> -> memref<1x1x200x128xf32, #tpu.memory_space<hbm>>
        %dma_wait3A_113 = tpu.memref_squeeze %dma_wait3A_112 : memref<1x1x200x128xf32, #tpu.memory_space<hbm>> -> memref<200x128xf32, #tpu.memory_space<hbm>>
        %dma_wait3A_114 = arith.constant 0 : i32
        %dma_wait3A_115 = tpu.memref_slice %arg22[%mul3A_102, %dma_wait3A_114] : memref<2000x128xf32, #tpu.memory_space<vmem_shared>> -> memref<200x128xf32, #tpu.memory_space<vmem_shared>>
        tpu.wait_dma2 semaphore(%run_scoped3A_105 : memref<!tpu.dma_semaphore, #tpu.memory_space<semaphore_mem>>) src(%dma_wait3A_115 : memref<200x128xf32, #tpu.memory_space<vmem_shared>>) dst(%dma_wait3A_113 : memref<200x128xf32, #tpu.memory_space<hbm>>)
        tpu.yield
      }) : () -> ()
    } else {
    }
    %ge3A_93 = arith.constant 5 : i32
    %ge3A_94 = arith.cmpi sge, %arg1, %ge3A_93 : i32
    %lt3A_95 = arith.constant 10 : i32
    %lt3A_96 = arith.cmpi slt, %arg1, %lt3A_95 : i32
    %and3A_97 = arith.andi %ge3A_94, %lt3A_96 : i1
    %convert_element_type3A_98 = arith.extui %and3A_97 : i1 to i32
    %cond3A_99 = arith.constant 0 : i32
    %cond3A_100 = arith.cmpi ne, %convert_element_type3A_98, %cond3A_99 : i32
    scf.if %cond3A_100 {
      %sub3A = arith.constant 5 : i32
      %sub3A_101 = arith.subi %arg1, %sub3A : i32
      %mul3A_102 = arith.constant 200 : i32
      %mul3A_103 = arith.muli %sub3A_101, %mul3A_102 : i32
      %add3A_104 = arith.constant 1000 : i32
      %add3A_105 = arith.addi %add3A_104, %mul3A_103 : i32
      %sub3A_106 = arith.constant 5 : i32
      %sub3A_107 = arith.subi %arg1, %sub3A_106 : i32
      %mul3A_108 = arith.constant 200 : i32
      %mul3A_109 = arith.muli %sub3A_107, %mul3A_108 : i32
      %run_scoped3A = arith.constant 1 : i32
      "tpu.region"() ({
        %run_scoped3A_110 = tpu.sem_alloc : memref<!tpu.dma_semaphore, #tpu.memory_space<semaphore_mem>>
        %dma_start3A_111 = arith.constant 0 : i32
        %dma_start3A_112 = tpu.memref_slice %arg7[%arg0, %run_scoped3A, %mul3A_109, %dma_start3A_111] : memref<2x2x1000x128xf32, #tpu.memory_space<hbm>> -> memref<1x1x200x128xf32, #tpu.memory_space<hbm>>
        %dma_start3A_113 = tpu.memref_squeeze %dma_start3A_112 : memref<1x1x200x128xf32, #tpu.memory_space<hbm>> -> memref<200x128xf32, #tpu.memory_space<hbm>>
        %dma_start3A_114 = arith.constant 0 : i32
        %dma_start3A_115 = tpu.memref_slice %arg22[%add3A_105, %dma_start3A_114] : memref<2000x128xf32, #tpu.memory_space<vmem_shared>> -> memref<200x128xf32, #tpu.memory_space<vmem_shared>>
        tpu.enqueue_dma source(%dma_start3A_115 : memref<200x128xf32, #tpu.memory_space<vmem_shared>>) target(%dma_start3A_113 : memref<200x128xf32, #tpu.memory_space<hbm>>) target_semaphore(%run_scoped3A_110 : memref<!tpu.dma_semaphore, #tpu.memory_space<semaphore_mem>>)
        %dma_wait3A_116 = arith.constant 0 : i32
        %dma_wait3A_117 = tpu.memref_slice %arg7[%arg0, %run_scoped3A, %mul3A_109, %dma_wait3A_116] : memref<2x2x1000x128xf32, #tpu.memory_space<hbm>> -> memref<1x1x200x128xf32, #tpu.memory_space<hbm>>
        %dma_wait3A_118 = tpu.memref_squeeze %dma_wait3A_117 : memref<1x1x200x128xf32, #tpu.memory_space<hbm>> -> memref<200x128xf32, #tpu.memory_space<hbm>>
        %dma_wait3A_119 = arith.constant 0 : i32
        %dma_wait3A_120 = tpu.memref_slice %arg22[%add3A_105, %dma_wait3A_119] : memref<2000x128xf32, #tpu.memory_space<vmem_shared>> -> memref<200x128xf32, #tpu.memory_space<vmem_shared>>
        tpu.wait_dma2 semaphore(%run_scoped3A_110 : memref<!tpu.dma_semaphore, #tpu.memory_space<semaphore_mem>>) src(%dma_wait3A_120 : memref<200x128xf32, #tpu.memory_space<vmem_shared>>) dst(%dma_wait3A_118 : memref<200x128xf32, #tpu.memory_space<hbm>>)
        tpu.yield
      }) : () -> ()
    } else {
    }
    return
  }
}

#map = affine_map<(d0, d1) -> (0, 0)>
#map1 = affine_map<(d0, d1) -> (0, 0, 0)>
module attributes {stable_mosaic.version = 14 : i64} {
  func.func @_sc_gather(%arg0: i32, %arg1: i32, %arg2: memref<1000x128xf32, #tpu.memory_space<hbm>>, %arg3: memref<1000x128xf32, #tpu.memory_space<hbm>>, %arg4: memref<32x25x40xi32, #tpu.memory_space<hbm>>, %arg5: memref<32x25x40xi32, #tpu.memory_space<hbm>>, %arg6: memref<32000x128xf32, #tpu.memory_space<hbm>>, %arg7: memref<32000x128xf32, #tpu.memory_space<hbm>>, %arg8: memref<25x40xi32, #tpu.memory_space<vmem>>, %arg9: memref<25x40xi32, #tpu.memory_space<vmem>>, %arg10: memref<40x128xf32, #tpu.memory_space<vmem>>, %arg11: memref<40x128xf32, #tpu.memory_space<vmem>>, %arg12: memref<40x128xf32, #tpu.memory_space<vmem>>, %arg13: memref<40x128xf32, #tpu.memory_space<vmem>>, %arg14: memref<40x128xf32, #tpu.memory_space<vmem>>, %arg15: memref<40x128xf32, #tpu.memory_space<vmem>>, %arg16: memref<!tpu.dma_semaphore, #tpu.memory_space<semaphore_mem>>, %arg17: memref<!tpu.dma_semaphore, #tpu.memory_space<semaphore_mem>>, %arg18: memref<!tpu.dma_semaphore, #tpu.memory_space<semaphore_mem>>, %arg19: memref<!tpu.dma_semaphore, #tpu.memory_space<semaphore_mem>>, %arg20: memref<!tpu.dma_semaphore, #tpu.memory_space<semaphore_mem>>, %arg21: memref<!tpu.dma_semaphore, #tpu.memory_space<semaphore_mem>>) attributes {dimension_semantics = [#tpu.dimension_semantics<core_parallel>, #tpu.dimension_semantics<subcore_parallel>], iteration_bounds = array<i64: 2, 16>, scalar_prefetch = 0 : i64, scratch_operands = 14 : i64, tpu.core_type = #tpu.core_type<sc_vector_subcore>, window_params = [{transform_indices = #map}, {transform_indices = #map}, {transform_indices = #map1}, {transform_indices = #map1}, {transform_indices = #map}, {transform_indices = #map}]} {
    %mul3A = arith.constant 16 : i32
    %mul3A_0 = arith.muli %arg0, %mul3A : i32
    %add3A = arith.addi %mul3A_0, %arg1 : i32
    %mul3A_1 = arith.constant 1000 : i32
    %mul3A_2 = arith.muli %add3A, %mul3A_1 : i32
    "tpu.region"() ({
      %run_scoped3A = tpu.sem_alloc : memref<!tpu.dma_semaphore, #tpu.memory_space<semaphore_mem>>
      %dma_start3A_85 = arith.constant 0 : i32
      %dma_start3A_86 = arith.constant 0 : i32
      %dma_start3A_87 = tpu.memref_slice %arg4[%add3A, %dma_start3A_85, %dma_start3A_86] : memref<32x25x40xi32, #tpu.memory_space<hbm>> -> memref<1x25x40xi32, #tpu.memory_space<hbm>>
      %dma_start3A_88 = tpu.memref_squeeze %dma_start3A_87 : memref<1x25x40xi32, #tpu.memory_space<hbm>> -> memref<25x40xi32, #tpu.memory_space<hbm>>
      %dma_start3A_89 = arith.constant 0 : i32
      %dma_start3A_90 = arith.constant 0 : i32
      %dma_start3A_91 = tpu.memref_slice %arg4[%add3A, %dma_start3A_89, %dma_start3A_90] : memref<32x25x40xi32, #tpu.memory_space<hbm>> -> memref<1x25x40xi32, #tpu.memory_space<hbm>>
      %dma_start3A_92 = tpu.memref_squeeze %dma_start3A_91 : memref<1x25x40xi32, #tpu.memory_space<hbm>> -> memref<25x40xi32, #tpu.memory_space<hbm>>
      tpu.enqueue_dma source(%dma_start3A_92 : memref<25x40xi32, #tpu.memory_space<hbm>>) target(%arg8 : memref<25x40xi32, #tpu.memory_space<vmem>>) target_semaphore(%run_scoped3A : memref<!tpu.dma_semaphore, #tpu.memory_space<semaphore_mem>>)
      %dma_wait3A_93 = arith.constant 0 : i32
      %dma_wait3A_94 = arith.constant 0 : i32
      %dma_wait3A_95 = tpu.memref_slice %arg4[%add3A, %dma_wait3A_93, %dma_wait3A_94] : memref<32x25x40xi32, #tpu.memory_space<hbm>> -> memref<1x25x40xi32, #tpu.memory_space<hbm>>
      %dma_wait3A_96 = tpu.memref_squeeze %dma_wait3A_95 : memref<1x25x40xi32, #tpu.memory_space<hbm>> -> memref<25x40xi32, #tpu.memory_space<hbm>>
      %dma_wait3A_97 = arith.constant 0 : i32
      %dma_wait3A_98 = arith.constant 0 : i32
      %dma_wait3A_99 = tpu.memref_slice %arg4[%add3A, %dma_wait3A_97, %dma_wait3A_98] : memref<32x25x40xi32, #tpu.memory_space<hbm>> -> memref<1x25x40xi32, #tpu.memory_space<hbm>>
      %dma_wait3A_100 = tpu.memref_squeeze %dma_wait3A_99 : memref<1x25x40xi32, #tpu.memory_space<hbm>> -> memref<25x40xi32, #tpu.memory_space<hbm>>
      tpu.wait_dma2 semaphore(%run_scoped3A : memref<!tpu.dma_semaphore, #tpu.memory_space<semaphore_mem>>) src(%dma_wait3A_100 : memref<25x40xi32, #tpu.memory_space<hbm>>) dst(%arg8 : memref<25x40xi32, #tpu.memory_space<vmem>>)
      tpu.yield
    }) : () -> ()
    "tpu.region"() ({
      %run_scoped3A = tpu.sem_alloc : memref<!tpu.dma_semaphore, #tpu.memory_space<semaphore_mem>>
      %dma_start3A_85 = arith.constant 0 : i32
      %dma_start3A_86 = arith.constant 0 : i32
      %dma_start3A_87 = tpu.memref_slice %arg5[%add3A, %dma_start3A_85, %dma_start3A_86] : memref<32x25x40xi32, #tpu.memory_space<hbm>> -> memref<1x25x40xi32, #tpu.memory_space<hbm>>
      %dma_start3A_88 = tpu.memref_squeeze %dma_start3A_87 : memref<1x25x40xi32, #tpu.memory_space<hbm>> -> memref<25x40xi32, #tpu.memory_space<hbm>>
      %dma_start3A_89 = arith.constant 0 : i32
      %dma_start3A_90 = arith.constant 0 : i32
      %dma_start3A_91 = tpu.memref_slice %arg5[%add3A, %dma_start3A_89, %dma_start3A_90] : memref<32x25x40xi32, #tpu.memory_space<hbm>> -> memref<1x25x40xi32, #tpu.memory_space<hbm>>
      %dma_start3A_92 = tpu.memref_squeeze %dma_start3A_91 : memref<1x25x40xi32, #tpu.memory_space<hbm>> -> memref<25x40xi32, #tpu.memory_space<hbm>>
      tpu.enqueue_dma source(%dma_start3A_92 : memref<25x40xi32, #tpu.memory_space<hbm>>) target(%arg9 : memref<25x40xi32, #tpu.memory_space<vmem>>) target_semaphore(%run_scoped3A : memref<!tpu.dma_semaphore, #tpu.memory_space<semaphore_mem>>)
      %dma_wait3A_93 = arith.constant 0 : i32
      %dma_wait3A_94 = arith.constant 0 : i32
      %dma_wait3A_95 = tpu.memref_slice %arg5[%add3A, %dma_wait3A_93, %dma_wait3A_94] : memref<32x25x40xi32, #tpu.memory_space<hbm>> -> memref<1x25x40xi32, #tpu.memory_space<hbm>>
      %dma_wait3A_96 = tpu.memref_squeeze %dma_wait3A_95 : memref<1x25x40xi32, #tpu.memory_space<hbm>> -> memref<25x40xi32, #tpu.memory_space<hbm>>
      %dma_wait3A_97 = arith.constant 0 : i32
      %dma_wait3A_98 = arith.constant 0 : i32
      %dma_wait3A_99 = tpu.memref_slice %arg5[%add3A, %dma_wait3A_97, %dma_wait3A_98] : memref<32x25x40xi32, #tpu.memory_space<hbm>> -> memref<1x25x40xi32, #tpu.memory_space<hbm>>
      %dma_wait3A_100 = tpu.memref_squeeze %dma_wait3A_99 : memref<1x25x40xi32, #tpu.memory_space<hbm>> -> memref<25x40xi32, #tpu.memory_space<hbm>>
      tpu.wait_dma2 semaphore(%run_scoped3A : memref<!tpu.dma_semaphore, #tpu.memory_space<semaphore_mem>>) src(%dma_wait3A_100 : memref<25x40xi32, #tpu.memory_space<hbm>>) dst(%arg9 : memref<25x40xi32, #tpu.memory_space<vmem>>)
      tpu.yield
    }) : () -> ()
    %dma_start3A = arith.constant 0 : i32
    %dma_start3A_3 = arith.constant 0 : i32
    %dma_start3A_4 = tpu.memref_slice %arg8[%dma_start3A, %dma_start3A_3] : memref<25x40xi32, #tpu.memory_space<vmem>> -> memref<1x40xi32, #tpu.memory_space<vmem>>
    %dma_start3A_5 = tpu.memref_squeeze %dma_start3A_4 : memref<1x40xi32, #tpu.memory_space<vmem>> -> memref<40xi32, #tpu.memory_space<vmem>>
    %dma_start3A_6 = arith.constant 0 : i32
    %dma_start3A_7 = arith.constant 0 : i32
    %dma_start3A_8 = tpu.memref_slice %arg2[%dma_start3A_6, %dma_start3A_7] : memref<1000x128xf32, #tpu.memory_space<hbm>> -> memref<1000x128xf32, #tpu.memory_space<hbm>>
    tpu.enqueue_indirect_dma source(%dma_start3A_8 : memref<1000x128xf32, #tpu.memory_space<hbm>>) target(%arg10 : memref<40x128xf32, #tpu.memory_space<vmem>>) offsets(%dma_start3A_5 : memref<40xi32, #tpu.memory_space<vmem>>) semaphore(%arg16 : memref<!tpu.dma_semaphore, #tpu.memory_space<semaphore_mem>>)
    %dma_start3A_9 = arith.constant 0 : i32
    %dma_start3A_10 = arith.constant 0 : i32
    %dma_start3A_11 = tpu.memref_slice %arg9[%dma_start3A_9, %dma_start3A_10] : memref<25x40xi32, #tpu.memory_space<vmem>> -> memref<1x40xi32, #tpu.memory_space<vmem>>
    %dma_start3A_12 = tpu.memref_squeeze %dma_start3A_11 : memref<1x40xi32, #tpu.memory_space<vmem>> -> memref<40xi32, #tpu.memory_space<vmem>>
    %dma_start3A_13 = arith.constant 0 : i32
    %dma_start3A_14 = arith.constant 0 : i32
    %dma_start3A_15 = tpu.memref_slice %arg3[%dma_start3A_13, %dma_start3A_14] : memref<1000x128xf32, #tpu.memory_space<hbm>> -> memref<1000x128xf32, #tpu.memory_space<hbm>>
    tpu.enqueue_indirect_dma source(%dma_start3A_15 : memref<1000x128xf32, #tpu.memory_space<hbm>>) target(%arg13 : memref<40x128xf32, #tpu.memory_space<vmem>>) offsets(%dma_start3A_12 : memref<40xi32, #tpu.memory_space<vmem>>) semaphore(%arg16 : memref<!tpu.dma_semaphore, #tpu.memory_space<semaphore_mem>>)
    %dma_start3A_16 = arith.constant 1 : i32
    %dma_start3A_17 = arith.constant 0 : i32
    %dma_start3A_18 = tpu.memref_slice %arg8[%dma_start3A_16, %dma_start3A_17] : memref<25x40xi32, #tpu.memory_space<vmem>> -> memref<1x40xi32, #tpu.memory_space<vmem>>
    %dma_start3A_19 = tpu.memref_squeeze %dma_start3A_18 : memref<1x40xi32, #tpu.memory_space<vmem>> -> memref<40xi32, #tpu.memory_space<vmem>>
    %dma_start3A_20 = arith.constant 0 : i32
    %dma_start3A_21 = arith.constant 0 : i32
    %dma_start3A_22 = tpu.memref_slice %arg2[%dma_start3A_20, %dma_start3A_21] : memref<1000x128xf32, #tpu.memory_space<hbm>> -> memref<1000x128xf32, #tpu.memory_space<hbm>>
    tpu.enqueue_indirect_dma source(%dma_start3A_22 : memref<1000x128xf32, #tpu.memory_space<hbm>>) target(%arg11 : memref<40x128xf32, #tpu.memory_space<vmem>>) offsets(%dma_start3A_19 : memref<40xi32, #tpu.memory_space<vmem>>) semaphore(%arg17 : memref<!tpu.dma_semaphore, #tpu.memory_space<semaphore_mem>>)
    %dma_start3A_23 = arith.constant 1 : i32
    %dma_start3A_24 = arith.constant 0 : i32
    %dma_start3A_25 = tpu.memref_slice %arg9[%dma_start3A_23, %dma_start3A_24] : memref<25x40xi32, #tpu.memory_space<vmem>> -> memref<1x40xi32, #tpu.memory_space<vmem>>
    %dma_start3A_26 = tpu.memref_squeeze %dma_start3A_25 : memref<1x40xi32, #tpu.memory_space<vmem>> -> memref<40xi32, #tpu.memory_space<vmem>>
    %dma_start3A_27 = arith.constant 0 : i32
    %dma_start3A_28 = arith.constant 0 : i32
    %dma_start3A_29 = tpu.memref_slice %arg3[%dma_start3A_27, %dma_start3A_28] : memref<1000x128xf32, #tpu.memory_space<hbm>> -> memref<1000x128xf32, #tpu.memory_space<hbm>>
    tpu.enqueue_indirect_dma source(%dma_start3A_29 : memref<1000x128xf32, #tpu.memory_space<hbm>>) target(%arg14 : memref<40x128xf32, #tpu.memory_space<vmem>>) offsets(%dma_start3A_26 : memref<40xi32, #tpu.memory_space<vmem>>) semaphore(%arg17 : memref<!tpu.dma_semaphore, #tpu.memory_space<semaphore_mem>>)
    %dma_start3A_30 = arith.constant 2 : i32
    %dma_start3A_31 = arith.constant 0 : i32
    %dma_start3A_32 = tpu.memref_slice %arg8[%dma_start3A_30, %dma_start3A_31] : memref<25x40xi32, #tpu.memory_space<vmem>> -> memref<1x40xi32, #tpu.memory_space<vmem>>
    %dma_start3A_33 = tpu.memref_squeeze %dma_start3A_32 : memref<1x40xi32, #tpu.memory_space<vmem>> -> memref<40xi32, #tpu.memory_space<vmem>>
    %dma_start3A_34 = arith.constant 0 : i32
    %dma_start3A_35 = arith.constant 0 : i32
    %dma_start3A_36 = tpu.memref_slice %arg2[%dma_start3A_34, %dma_start3A_35] : memref<1000x128xf32, #tpu.memory_space<hbm>> -> memref<1000x128xf32, #tpu.memory_space<hbm>>
    tpu.enqueue_indirect_dma source(%dma_start3A_36 : memref<1000x128xf32, #tpu.memory_space<hbm>>) target(%arg12 : memref<40x128xf32, #tpu.memory_space<vmem>>) offsets(%dma_start3A_33 : memref<40xi32, #tpu.memory_space<vmem>>) semaphore(%arg18 : memref<!tpu.dma_semaphore, #tpu.memory_space<semaphore_mem>>)
    %dma_start3A_37 = arith.constant 2 : i32
    %dma_start3A_38 = arith.constant 0 : i32
    %dma_start3A_39 = tpu.memref_slice %arg9[%dma_start3A_37, %dma_start3A_38] : memref<25x40xi32, #tpu.memory_space<vmem>> -> memref<1x40xi32, #tpu.memory_space<vmem>>
    %dma_start3A_40 = tpu.memref_squeeze %dma_start3A_39 : memref<1x40xi32, #tpu.memory_space<vmem>> -> memref<40xi32, #tpu.memory_space<vmem>>
    %dma_start3A_41 = arith.constant 0 : i32
    %dma_start3A_42 = arith.constant 0 : i32
    %dma_start3A_43 = tpu.memref_slice %arg3[%dma_start3A_41, %dma_start3A_42] : memref<1000x128xf32, #tpu.memory_space<hbm>> -> memref<1000x128xf32, #tpu.memory_space<hbm>>
    tpu.enqueue_indirect_dma source(%dma_start3A_43 : memref<1000x128xf32, #tpu.memory_space<hbm>>) target(%arg15 : memref<40x128xf32, #tpu.memory_space<vmem>>) offsets(%dma_start3A_40 : memref<40xi32, #tpu.memory_space<vmem>>) semaphore(%arg18 : memref<!tpu.dma_semaphore, #tpu.memory_space<semaphore_mem>>)
    %scan3A = arith.constant 0 : i32
    %scan3A_44 = arith.constant 0 : i32
    %scan3A_45 = arith.constant 9 : i32
    %scan3A_46 = arith.addi %scan3A_44, %scan3A_45 : i32
    %scan3A_47 = arith.constant 1 : i32
    %scan3A_48 = scf.for %scan3A_85 = %scan3A_44 to %scan3A_46 step %scan3A_47 iter_args(%scan3A_86 = %scan3A) -> (i32)  : i32 {
      %mul3A_87 = arith.constant 3 : i32
      %mul3A_88 = arith.muli %scan3A_85, %mul3A_87 : i32
      %add3A_89 = arith.constant 0 : i32
      %add3A_90 = arith.addi %mul3A_88, %add3A_89 : i32
      %lt3A = arith.constant 25 : i32
      %lt3A_91 = arith.cmpi slt, %add3A_90, %lt3A : i32
      %convert_element_type3A = arith.extui %lt3A_91 : i1 to i32
      %cond3A = arith.constant 0 : i32
      %cond3A_92 = arith.cmpi ne, %convert_element_type3A, %cond3A : i32
      scf.if %cond3A_92 {
        %ge3A = arith.constant 3 : i32
        %ge3A_112 = arith.cmpi sge, %add3A_90, %ge3A : i32
        %convert_element_type3A_113 = arith.extui %ge3A_112 : i1 to i32
        %cond3A_114 = arith.constant 0 : i32
        %cond3A_115 = arith.cmpi ne, %convert_element_type3A_113, %cond3A_114 : i32
        scf.if %cond3A_115 {
          %dma_wait3A_149 = arith.constant 0 : i32
          %dma_wait3A_150 = arith.constant 0 : i32
          %dma_wait3A_151 = tpu.memref_slice %arg2[%dma_wait3A_149, %dma_wait3A_150] : memref<1000x128xf32, #tpu.memory_space<hbm>> -> memref<40x128xf32, #tpu.memory_space<hbm>>
          %dma_wait3A_152 = arith.constant 0 : i32
          %dma_wait3A_153 = arith.constant 0 : i32
          %dma_wait3A_154 = tpu.memref_slice %arg2[%dma_wait3A_152, %dma_wait3A_153] : memref<1000x128xf32, #tpu.memory_space<hbm>> -> memref<40x128xf32, #tpu.memory_space<hbm>>
          tpu.wait_dma2 semaphore(%arg19 : memref<!tpu.dma_semaphore, #tpu.memory_space<semaphore_mem>>) src(%dma_wait3A_154 : memref<40x128xf32, #tpu.memory_space<hbm>>) dst(%arg10 : memref<40x128xf32, #tpu.memory_space<vmem>>)
          %dma_wait3A_155 = arith.constant 0 : i32
          %dma_wait3A_156 = arith.constant 0 : i32
          %dma_wait3A_157 = tpu.memref_slice %arg2[%dma_wait3A_155, %dma_wait3A_156] : memref<1000x128xf32, #tpu.memory_space<hbm>> -> memref<40x128xf32, #tpu.memory_space<hbm>>
          %dma_wait3A_158 = arith.constant 0 : i32
          %dma_wait3A_159 = arith.constant 0 : i32
          %dma_wait3A_160 = tpu.memref_slice %arg2[%dma_wait3A_158, %dma_wait3A_159] : memref<1000x128xf32, #tpu.memory_space<hbm>> -> memref<40x128xf32, #tpu.memory_space<hbm>>
          tpu.wait_dma2 semaphore(%arg19 : memref<!tpu.dma_semaphore, #tpu.memory_space<semaphore_mem>>) src(%dma_wait3A_160 : memref<40x128xf32, #tpu.memory_space<hbm>>) dst(%arg13 : memref<40x128xf32, #tpu.memory_space<vmem>>)
        } else {
        }
        %dma_wait3A_116 = arith.constant 0 : i32
        %dma_wait3A_117 = arith.constant 0 : i32
        %dma_wait3A_118 = tpu.memref_slice %arg2[%dma_wait3A_116, %dma_wait3A_117] : memref<1000x128xf32, #tpu.memory_space<hbm>> -> memref<40x128xf32, #tpu.memory_space<hbm>>
        %dma_wait3A_119 = arith.constant 0 : i32
        %dma_wait3A_120 = arith.constant 0 : i32
        %dma_wait3A_121 = tpu.memref_slice %arg2[%dma_wait3A_119, %dma_wait3A_120] : memref<1000x128xf32, #tpu.memory_space<hbm>> -> memref<40x128xf32, #tpu.memory_space<hbm>>
        tpu.wait_dma2 semaphore(%arg16 : memref<!tpu.dma_semaphore, #tpu.memory_space<semaphore_mem>>) src(%dma_wait3A_121 : memref<40x128xf32, #tpu.memory_space<hbm>>) dst(%arg10 : memref<40x128xf32, #tpu.memory_space<vmem>>)
        %dma_wait3A_122 = arith.constant 0 : i32
        %dma_wait3A_123 = arith.constant 0 : i32
        %dma_wait3A_124 = tpu.memref_slice %arg2[%dma_wait3A_122, %dma_wait3A_123] : memref<1000x128xf32, #tpu.memory_space<hbm>> -> memref<40x128xf32, #tpu.memory_space<hbm>>
        %dma_wait3A_125 = arith.constant 0 : i32
        %dma_wait3A_126 = arith.constant 0 : i32
        %dma_wait3A_127 = tpu.memref_slice %arg2[%dma_wait3A_125, %dma_wait3A_126] : memref<1000x128xf32, #tpu.memory_space<hbm>> -> memref<40x128xf32, #tpu.memory_space<hbm>>
        tpu.wait_dma2 semaphore(%arg16 : memref<!tpu.dma_semaphore, #tpu.memory_space<semaphore_mem>>) src(%dma_wait3A_127 : memref<40x128xf32, #tpu.memory_space<hbm>>) dst(%arg13 : memref<40x128xf32, #tpu.memory_space<vmem>>)
        %mul3A_128 = arith.constant 40 : i32
        %mul3A_129 = arith.muli %add3A_90, %mul3A_128 : i32
        %add3A_130 = arith.addi %mul3A_2, %mul3A_129 : i32
        %dma_start3A_131 = arith.constant 0 : i32
        %dma_start3A_132 = tpu.memref_slice %arg6[%add3A_130, %dma_start3A_131] : memref<32000x128xf32, #tpu.memory_space<hbm>> -> memref<40x128xf32, #tpu.memory_space<hbm>>
        %dma_start3A_133 = arith.constant 0 : i32
        %dma_start3A_134 = tpu.memref_slice %arg6[%add3A_130, %dma_start3A_133] : memref<32000x128xf32, #tpu.memory_space<hbm>> -> memref<40x128xf32, #tpu.memory_space<hbm>>
        tpu.enqueue_dma source(%arg10 : memref<40x128xf32, #tpu.memory_space<vmem>>) target(%dma_start3A_134 : memref<40x128xf32, #tpu.memory_space<hbm>>) target_semaphore(%arg19 : memref<!tpu.dma_semaphore, #tpu.memory_space<semaphore_mem>>)
        %mul3A_135 = arith.constant 40 : i32
        %mul3A_136 = arith.muli %add3A_90, %mul3A_135 : i32
        %add3A_137 = arith.addi %mul3A_2, %mul3A_136 : i32
        %dma_start3A_138 = arith.constant 0 : i32
        %dma_start3A_139 = tpu.memref_slice %arg7[%add3A_137, %dma_start3A_138] : memref<32000x128xf32, #tpu.memory_space<hbm>> -> memref<40x128xf32, #tpu.memory_space<hbm>>
        %dma_start3A_140 = arith.constant 0 : i32
        %dma_start3A_141 = tpu.memref_slice %arg7[%add3A_137, %dma_start3A_140] : memref<32000x128xf32, #tpu.memory_space<hbm>> -> memref<40x128xf32, #tpu.memory_space<hbm>>
        tpu.enqueue_dma source(%arg13 : memref<40x128xf32, #tpu.memory_space<vmem>>) target(%dma_start3A_141 : memref<40x128xf32, #tpu.memory_space<hbm>>) target_semaphore(%arg19 : memref<!tpu.dma_semaphore, #tpu.memory_space<semaphore_mem>>)
        %add3A_142 = arith.constant 3 : i32
        %add3A_143 = arith.addi %add3A_90, %add3A_142 : i32
        %lt3A_144 = arith.constant 25 : i32
        %lt3A_145 = arith.cmpi slt, %add3A_143, %lt3A_144 : i32
        %convert_element_type3A_146 = arith.extui %lt3A_145 : i1 to i32
        %cond3A_147 = arith.constant 0 : i32
        %cond3A_148 = arith.cmpi ne, %convert_element_type3A_146, %cond3A_147 : i32
        scf.if %cond3A_148 {
          %add3A_149 = arith.constant 3 : i32
          %add3A_150 = arith.addi %add3A_90, %add3A_149 : i32
          %dma_start3A_151 = arith.constant 0 : i32
          %dma_start3A_152 = tpu.memref_slice %arg8[%add3A_150, %dma_start3A_151] : memref<25x40xi32, #tpu.memory_space<vmem>> -> memref<1x40xi32, #tpu.memory_space<vmem>>
          %dma_start3A_153 = tpu.memref_squeeze %dma_start3A_152 : memref<1x40xi32, #tpu.memory_space<vmem>> -> memref<40xi32, #tpu.memory_space<vmem>>
          %dma_start3A_154 = arith.constant 0 : i32
          %dma_start3A_155 = arith.constant 0 : i32
          %dma_start3A_156 = tpu.memref_slice %arg2[%dma_start3A_154, %dma_start3A_155] : memref<1000x128xf32, #tpu.memory_space<hbm>> -> memref<1000x128xf32, #tpu.memory_space<hbm>>
          tpu.enqueue_indirect_dma source(%dma_start3A_156 : memref<1000x128xf32, #tpu.memory_space<hbm>>) target(%arg10 : memref<40x128xf32, #tpu.memory_space<vmem>>) offsets(%dma_start3A_153 : memref<40xi32, #tpu.memory_space<vmem>>) semaphore(%arg16 : memref<!tpu.dma_semaphore, #tpu.memory_space<semaphore_mem>>)
          %dma_start3A_157 = arith.constant 0 : i32
          %dma_start3A_158 = tpu.memref_slice %arg9[%add3A_150, %dma_start3A_157] : memref<25x40xi32, #tpu.memory_space<vmem>> -> memref<1x40xi32, #tpu.memory_space<vmem>>
          %dma_start3A_159 = tpu.memref_squeeze %dma_start3A_158 : memref<1x40xi32, #tpu.memory_space<vmem>> -> memref<40xi32, #tpu.memory_space<vmem>>
          %dma_start3A_160 = arith.constant 0 : i32
          %dma_start3A_161 = arith.constant 0 : i32
          %dma_start3A_162 = tpu.memref_slice %arg3[%dma_start3A_160, %dma_start3A_161] : memref<1000x128xf32, #tpu.memory_space<hbm>> -> memref<1000x128xf32, #tpu.memory_space<hbm>>
          tpu.enqueue_indirect_dma source(%dma_start3A_162 : memref<1000x128xf32, #tpu.memory_space<hbm>>) target(%arg13 : memref<40x128xf32, #tpu.memory_space<vmem>>) offsets(%dma_start3A_159 : memref<40xi32, #tpu.memory_space<vmem>>) semaphore(%arg16 : memref<!tpu.dma_semaphore, #tpu.memory_space<semaphore_mem>>)
        } else {
        }
      } else {
      }
      %mul3A_93 = arith.constant 3 : i32
      %mul3A_94 = arith.muli %scan3A_85, %mul3A_93 : i32
      %add3A_95 = arith.constant 1 : i32
      %add3A_96 = arith.addi %mul3A_94, %add3A_95 : i32
      %lt3A_97 = arith.constant 25 : i32
      %lt3A_98 = arith.cmpi slt, %add3A_96, %lt3A_97 : i32
      %convert_element_type3A_99 = arith.extui %lt3A_98 : i1 to i32
      %cond3A_100 = arith.constant 0 : i32
      %cond3A_101 = arith.cmpi ne, %convert_element_type3A_99, %cond3A_100 : i32
      scf.if %cond3A_101 {
        %ge3A = arith.constant 3 : i32
        %ge3A_112 = arith.cmpi sge, %add3A_96, %ge3A : i32
        %convert_element_type3A_113 = arith.extui %ge3A_112 : i1 to i32
        %cond3A_114 = arith.constant 0 : i32
        %cond3A_115 = arith.cmpi ne, %convert_element_type3A_113, %cond3A_114 : i32
        scf.if %cond3A_115 {
          %dma_wait3A_149 = arith.constant 0 : i32
          %dma_wait3A_150 = arith.constant 0 : i32
          %dma_wait3A_151 = tpu.memref_slice %arg2[%dma_wait3A_149, %dma_wait3A_150] : memref<1000x128xf32, #tpu.memory_space<hbm>> -> memref<40x128xf32, #tpu.memory_space<hbm>>
          %dma_wait3A_152 = arith.constant 0 : i32
          %dma_wait3A_153 = arith.constant 0 : i32
          %dma_wait3A_154 = tpu.memref_slice %arg2[%dma_wait3A_152, %dma_wait3A_153] : memref<1000x128xf32, #tpu.memory_space<hbm>> -> memref<40x128xf32, #tpu.memory_space<hbm>>
          tpu.wait_dma2 semaphore(%arg20 : memref<!tpu.dma_semaphore, #tpu.memory_space<semaphore_mem>>) src(%dma_wait3A_154 : memref<40x128xf32, #tpu.memory_space<hbm>>) dst(%arg11 : memref<40x128xf32, #tpu.memory_space<vmem>>)
          %dma_wait3A_155 = arith.constant 0 : i32
          %dma_wait3A_156 = arith.constant 0 : i32
          %dma_wait3A_157 = tpu.memref_slice %arg2[%dma_wait3A_155, %dma_wait3A_156] : memref<1000x128xf32, #tpu.memory_space<hbm>> -> memref<40x128xf32, #tpu.memory_space<hbm>>
          %dma_wait3A_158 = arith.constant 0 : i32
          %dma_wait3A_159 = arith.constant 0 : i32
          %dma_wait3A_160 = tpu.memref_slice %arg2[%dma_wait3A_158, %dma_wait3A_159] : memref<1000x128xf32, #tpu.memory_space<hbm>> -> memref<40x128xf32, #tpu.memory_space<hbm>>
          tpu.wait_dma2 semaphore(%arg20 : memref<!tpu.dma_semaphore, #tpu.memory_space<semaphore_mem>>) src(%dma_wait3A_160 : memref<40x128xf32, #tpu.memory_space<hbm>>) dst(%arg14 : memref<40x128xf32, #tpu.memory_space<vmem>>)
        } else {
        }
        %dma_wait3A_116 = arith.constant 0 : i32
        %dma_wait3A_117 = arith.constant 0 : i32
        %dma_wait3A_118 = tpu.memref_slice %arg2[%dma_wait3A_116, %dma_wait3A_117] : memref<1000x128xf32, #tpu.memory_space<hbm>> -> memref<40x128xf32, #tpu.memory_space<hbm>>
        %dma_wait3A_119 = arith.constant 0 : i32
        %dma_wait3A_120 = arith.constant 0 : i32
        %dma_wait3A_121 = tpu.memref_slice %arg2[%dma_wait3A_119, %dma_wait3A_120] : memref<1000x128xf32, #tpu.memory_space<hbm>> -> memref<40x128xf32, #tpu.memory_space<hbm>>
        tpu.wait_dma2 semaphore(%arg17 : memref<!tpu.dma_semaphore, #tpu.memory_space<semaphore_mem>>) src(%dma_wait3A_121 : memref<40x128xf32, #tpu.memory_space<hbm>>) dst(%arg11 : memref<40x128xf32, #tpu.memory_space<vmem>>)
        %dma_wait3A_122 = arith.constant 0 : i32
        %dma_wait3A_123 = arith.constant 0 : i32
        %dma_wait3A_124 = tpu.memref_slice %arg2[%dma_wait3A_122, %dma_wait3A_123] : memref<1000x128xf32, #tpu.memory_space<hbm>> -> memref<40x128xf32, #tpu.memory_space<hbm>>
        %dma_wait3A_125 = arith.constant 0 : i32
        %dma_wait3A_126 = arith.constant 0 : i32
        %dma_wait3A_127 = tpu.memref_slice %arg2[%dma_wait3A_125, %dma_wait3A_126] : memref<1000x128xf32, #tpu.memory_space<hbm>> -> memref<40x128xf32, #tpu.memory_space<hbm>>
        tpu.wait_dma2 semaphore(%arg17 : memref<!tpu.dma_semaphore, #tpu.memory_space<semaphore_mem>>) src(%dma_wait3A_127 : memref<40x128xf32, #tpu.memory_space<hbm>>) dst(%arg14 : memref<40x128xf32, #tpu.memory_space<vmem>>)
        %mul3A_128 = arith.constant 40 : i32
        %mul3A_129 = arith.muli %add3A_96, %mul3A_128 : i32
        %add3A_130 = arith.addi %mul3A_2, %mul3A_129 : i32
        %dma_start3A_131 = arith.constant 0 : i32
        %dma_start3A_132 = tpu.memref_slice %arg6[%add3A_130, %dma_start3A_131] : memref<32000x128xf32, #tpu.memory_space<hbm>> -> memref<40x128xf32, #tpu.memory_space<hbm>>
        %dma_start3A_133 = arith.constant 0 : i32
        %dma_start3A_134 = tpu.memref_slice %arg6[%add3A_130, %dma_start3A_133] : memref<32000x128xf32, #tpu.memory_space<hbm>> -> memref<40x128xf32, #tpu.memory_space<hbm>>
        tpu.enqueue_dma source(%arg11 : memref<40x128xf32, #tpu.memory_space<vmem>>) target(%dma_start3A_134 : memref<40x128xf32, #tpu.memory_space<hbm>>) target_semaphore(%arg20 : memref<!tpu.dma_semaphore, #tpu.memory_space<semaphore_mem>>)
        %mul3A_135 = arith.constant 40 : i32
        %mul3A_136 = arith.muli %add3A_96, %mul3A_135 : i32
        %add3A_137 = arith.addi %mul3A_2, %mul3A_136 : i32
        %dma_start3A_138 = arith.constant 0 : i32
        %dma_start3A_139 = tpu.memref_slice %arg7[%add3A_137, %dma_start3A_138] : memref<32000x128xf32, #tpu.memory_space<hbm>> -> memref<40x128xf32, #tpu.memory_space<hbm>>
        %dma_start3A_140 = arith.constant 0 : i32
        %dma_start3A_141 = tpu.memref_slice %arg7[%add3A_137, %dma_start3A_140] : memref<32000x128xf32, #tpu.memory_space<hbm>> -> memref<40x128xf32, #tpu.memory_space<hbm>>
        tpu.enqueue_dma source(%arg14 : memref<40x128xf32, #tpu.memory_space<vmem>>) target(%dma_start3A_141 : memref<40x128xf32, #tpu.memory_space<hbm>>) target_semaphore(%arg20 : memref<!tpu.dma_semaphore, #tpu.memory_space<semaphore_mem>>)
        %add3A_142 = arith.constant 3 : i32
        %add3A_143 = arith.addi %add3A_96, %add3A_142 : i32
        %lt3A_144 = arith.constant 25 : i32
        %lt3A_145 = arith.cmpi slt, %add3A_143, %lt3A_144 : i32
        %convert_element_type3A_146 = arith.extui %lt3A_145 : i1 to i32
        %cond3A_147 = arith.constant 0 : i32
        %cond3A_148 = arith.cmpi ne, %convert_element_type3A_146, %cond3A_147 : i32
        scf.if %cond3A_148 {
          %add3A_149 = arith.constant 3 : i32
          %add3A_150 = arith.addi %add3A_96, %add3A_149 : i32
          %dma_start3A_151 = arith.constant 0 : i32
          %dma_start3A_152 = tpu.memref_slice %arg8[%add3A_150, %dma_start3A_151] : memref<25x40xi32, #tpu.memory_space<vmem>> -> memref<1x40xi32, #tpu.memory_space<vmem>>
          %dma_start3A_153 = tpu.memref_squeeze %dma_start3A_152 : memref<1x40xi32, #tpu.memory_space<vmem>> -> memref<40xi32, #tpu.memory_space<vmem>>
          %dma_start3A_154 = arith.constant 0 : i32
          %dma_start3A_155 = arith.constant 0 : i32
          %dma_start3A_156 = tpu.memref_slice %arg2[%dma_start3A_154, %dma_start3A_155] : memref<1000x128xf32, #tpu.memory_space<hbm>> -> memref<1000x128xf32, #tpu.memory_space<hbm>>
          tpu.enqueue_indirect_dma source(%dma_start3A_156 : memref<1000x128xf32, #tpu.memory_space<hbm>>) target(%arg11 : memref<40x128xf32, #tpu.memory_space<vmem>>) offsets(%dma_start3A_153 : memref<40xi32, #tpu.memory_space<vmem>>) semaphore(%arg17 : memref<!tpu.dma_semaphore, #tpu.memory_space<semaphore_mem>>)
          %dma_start3A_157 = arith.constant 0 : i32
          %dma_start3A_158 = tpu.memref_slice %arg9[%add3A_150, %dma_start3A_157] : memref<25x40xi32, #tpu.memory_space<vmem>> -> memref<1x40xi32, #tpu.memory_space<vmem>>
          %dma_start3A_159 = tpu.memref_squeeze %dma_start3A_158 : memref<1x40xi32, #tpu.memory_space<vmem>> -> memref<40xi32, #tpu.memory_space<vmem>>
          %dma_start3A_160 = arith.constant 0 : i32
          %dma_start3A_161 = arith.constant 0 : i32
          %dma_start3A_162 = tpu.memref_slice %arg3[%dma_start3A_160, %dma_start3A_161] : memref<1000x128xf32, #tpu.memory_space<hbm>> -> memref<1000x128xf32, #tpu.memory_space<hbm>>
          tpu.enqueue_indirect_dma source(%dma_start3A_162 : memref<1000x128xf32, #tpu.memory_space<hbm>>) target(%arg14 : memref<40x128xf32, #tpu.memory_space<vmem>>) offsets(%dma_start3A_159 : memref<40xi32, #tpu.memory_space<vmem>>) semaphore(%arg17 : memref<!tpu.dma_semaphore, #tpu.memory_space<semaphore_mem>>)
        } else {
        }
      } else {
      }
      %mul3A_102 = arith.constant 3 : i32
      %mul3A_103 = arith.muli %scan3A_85, %mul3A_102 : i32
      %add3A_104 = arith.constant 2 : i32
      %add3A_105 = arith.addi %mul3A_103, %add3A_104 : i32
      %lt3A_106 = arith.constant 25 : i32
      %lt3A_107 = arith.cmpi slt, %add3A_105, %lt3A_106 : i32
      %convert_element_type3A_108 = arith.extui %lt3A_107 : i1 to i32
      %cond3A_109 = arith.constant 0 : i32
      %cond3A_110 = arith.cmpi ne, %convert_element_type3A_108, %cond3A_109 : i32
      scf.if %cond3A_110 {
        %ge3A = arith.constant 3 : i32
        %ge3A_112 = arith.cmpi sge, %add3A_105, %ge3A : i32
        %convert_element_type3A_113 = arith.extui %ge3A_112 : i1 to i32
        %cond3A_114 = arith.constant 0 : i32
        %cond3A_115 = arith.cmpi ne, %convert_element_type3A_113, %cond3A_114 : i32
        scf.if %cond3A_115 {
          %dma_wait3A_149 = arith.constant 0 : i32
          %dma_wait3A_150 = arith.constant 0 : i32
          %dma_wait3A_151 = tpu.memref_slice %arg2[%dma_wait3A_149, %dma_wait3A_150] : memref<1000x128xf32, #tpu.memory_space<hbm>> -> memref<40x128xf32, #tpu.memory_space<hbm>>
          %dma_wait3A_152 = arith.constant 0 : i32
          %dma_wait3A_153 = arith.constant 0 : i32
          %dma_wait3A_154 = tpu.memref_slice %arg2[%dma_wait3A_152, %dma_wait3A_153] : memref<1000x128xf32, #tpu.memory_space<hbm>> -> memref<40x128xf32, #tpu.memory_space<hbm>>
          tpu.wait_dma2 semaphore(%arg21 : memref<!tpu.dma_semaphore, #tpu.memory_space<semaphore_mem>>) src(%dma_wait3A_154 : memref<40x128xf32, #tpu.memory_space<hbm>>) dst(%arg12 : memref<40x128xf32, #tpu.memory_space<vmem>>)
          %dma_wait3A_155 = arith.constant 0 : i32
          %dma_wait3A_156 = arith.constant 0 : i32
          %dma_wait3A_157 = tpu.memref_slice %arg2[%dma_wait3A_155, %dma_wait3A_156] : memref<1000x128xf32, #tpu.memory_space<hbm>> -> memref<40x128xf32, #tpu.memory_space<hbm>>
          %dma_wait3A_158 = arith.constant 0 : i32
          %dma_wait3A_159 = arith.constant 0 : i32
          %dma_wait3A_160 = tpu.memref_slice %arg2[%dma_wait3A_158, %dma_wait3A_159] : memref<1000x128xf32, #tpu.memory_space<hbm>> -> memref<40x128xf32, #tpu.memory_space<hbm>>
          tpu.wait_dma2 semaphore(%arg21 : memref<!tpu.dma_semaphore, #tpu.memory_space<semaphore_mem>>) src(%dma_wait3A_160 : memref<40x128xf32, #tpu.memory_space<hbm>>) dst(%arg15 : memref<40x128xf32, #tpu.memory_space<vmem>>)
        } else {
        }
        %dma_wait3A_116 = arith.constant 0 : i32
        %dma_wait3A_117 = arith.constant 0 : i32
        %dma_wait3A_118 = tpu.memref_slice %arg2[%dma_wait3A_116, %dma_wait3A_117] : memref<1000x128xf32, #tpu.memory_space<hbm>> -> memref<40x128xf32, #tpu.memory_space<hbm>>
        %dma_wait3A_119 = arith.constant 0 : i32
        %dma_wait3A_120 = arith.constant 0 : i32
        %dma_wait3A_121 = tpu.memref_slice %arg2[%dma_wait3A_119, %dma_wait3A_120] : memref<1000x128xf32, #tpu.memory_space<hbm>> -> memref<40x128xf32, #tpu.memory_space<hbm>>
        tpu.wait_dma2 semaphore(%arg18 : memref<!tpu.dma_semaphore, #tpu.memory_space<semaphore_mem>>) src(%dma_wait3A_121 : memref<40x128xf32, #tpu.memory_space<hbm>>) dst(%arg12 : memref<40x128xf32, #tpu.memory_space<vmem>>)
        %dma_wait3A_122 = arith.constant 0 : i32
        %dma_wait3A_123 = arith.constant 0 : i32
        %dma_wait3A_124 = tpu.memref_slice %arg2[%dma_wait3A_122, %dma_wait3A_123] : memref<1000x128xf32, #tpu.memory_space<hbm>> -> memref<40x128xf32, #tpu.memory_space<hbm>>
        %dma_wait3A_125 = arith.constant 0 : i32
        %dma_wait3A_126 = arith.constant 0 : i32
        %dma_wait3A_127 = tpu.memref_slice %arg2[%dma_wait3A_125, %dma_wait3A_126] : memref<1000x128xf32, #tpu.memory_space<hbm>> -> memref<40x128xf32, #tpu.memory_space<hbm>>
        tpu.wait_dma2 semaphore(%arg18 : memref<!tpu.dma_semaphore, #tpu.memory_space<semaphore_mem>>) src(%dma_wait3A_127 : memref<40x128xf32, #tpu.memory_space<hbm>>) dst(%arg15 : memref<40x128xf32, #tpu.memory_space<vmem>>)
        %mul3A_128 = arith.constant 40 : i32
        %mul3A_129 = arith.muli %add3A_105, %mul3A_128 : i32
        %add3A_130 = arith.addi %mul3A_2, %mul3A_129 : i32
        %dma_start3A_131 = arith.constant 0 : i32
        %dma_start3A_132 = tpu.memref_slice %arg6[%add3A_130, %dma_start3A_131] : memref<32000x128xf32, #tpu.memory_space<hbm>> -> memref<40x128xf32, #tpu.memory_space<hbm>>
        %dma_start3A_133 = arith.constant 0 : i32
        %dma_start3A_134 = tpu.memref_slice %arg6[%add3A_130, %dma_start3A_133] : memref<32000x128xf32, #tpu.memory_space<hbm>> -> memref<40x128xf32, #tpu.memory_space<hbm>>
        tpu.enqueue_dma source(%arg12 : memref<40x128xf32, #tpu.memory_space<vmem>>) target(%dma_start3A_134 : memref<40x128xf32, #tpu.memory_space<hbm>>) target_semaphore(%arg21 : memref<!tpu.dma_semaphore, #tpu.memory_space<semaphore_mem>>)
        %mul3A_135 = arith.constant 40 : i32
        %mul3A_136 = arith.muli %add3A_105, %mul3A_135 : i32
        %add3A_137 = arith.addi %mul3A_2, %mul3A_136 : i32
        %dma_start3A_138 = arith.constant 0 : i32
        %dma_start3A_139 = tpu.memref_slice %arg7[%add3A_137, %dma_start3A_138] : memref<32000x128xf32, #tpu.memory_space<hbm>> -> memref<40x128xf32, #tpu.memory_space<hbm>>
        %dma_start3A_140 = arith.constant 0 : i32
        %dma_start3A_141 = tpu.memref_slice %arg7[%add3A_137, %dma_start3A_140] : memref<32000x128xf32, #tpu.memory_space<hbm>> -> memref<40x128xf32, #tpu.memory_space<hbm>>
        tpu.enqueue_dma source(%arg15 : memref<40x128xf32, #tpu.memory_space<vmem>>) target(%dma_start3A_141 : memref<40x128xf32, #tpu.memory_space<hbm>>) target_semaphore(%arg21 : memref<!tpu.dma_semaphore, #tpu.memory_space<semaphore_mem>>)
        %add3A_142 = arith.constant 3 : i32
        %add3A_143 = arith.addi %add3A_105, %add3A_142 : i32
        %lt3A_144 = arith.constant 25 : i32
        %lt3A_145 = arith.cmpi slt, %add3A_143, %lt3A_144 : i32
        %convert_element_type3A_146 = arith.extui %lt3A_145 : i1 to i32
        %cond3A_147 = arith.constant 0 : i32
        %cond3A_148 = arith.cmpi ne, %convert_element_type3A_146, %cond3A_147 : i32
        scf.if %cond3A_148 {
          %add3A_149 = arith.constant 3 : i32
          %add3A_150 = arith.addi %add3A_105, %add3A_149 : i32
          %dma_start3A_151 = arith.constant 0 : i32
          %dma_start3A_152 = tpu.memref_slice %arg8[%add3A_150, %dma_start3A_151] : memref<25x40xi32, #tpu.memory_space<vmem>> -> memref<1x40xi32, #tpu.memory_space<vmem>>
          %dma_start3A_153 = tpu.memref_squeeze %dma_start3A_152 : memref<1x40xi32, #tpu.memory_space<vmem>> -> memref<40xi32, #tpu.memory_space<vmem>>
          %dma_start3A_154 = arith.constant 0 : i32
          %dma_start3A_155 = arith.constant 0 : i32
          %dma_start3A_156 = tpu.memref_slice %arg2[%dma_start3A_154, %dma_start3A_155] : memref<1000x128xf32, #tpu.memory_space<hbm>> -> memref<1000x128xf32, #tpu.memory_space<hbm>>
          tpu.enqueue_indirect_dma source(%dma_start3A_156 : memref<1000x128xf32, #tpu.memory_space<hbm>>) target(%arg12 : memref<40x128xf32, #tpu.memory_space<vmem>>) offsets(%dma_start3A_153 : memref<40xi32, #tpu.memory_space<vmem>>) semaphore(%arg18 : memref<!tpu.dma_semaphore, #tpu.memory_space<semaphore_mem>>)
          %dma_start3A_157 = arith.constant 0 : i32
          %dma_start3A_158 = tpu.memref_slice %arg9[%add3A_150, %dma_start3A_157] : memref<25x40xi32, #tpu.memory_space<vmem>> -> memref<1x40xi32, #tpu.memory_space<vmem>>
          %dma_start3A_159 = tpu.memref_squeeze %dma_start3A_158 : memref<1x40xi32, #tpu.memory_space<vmem>> -> memref<40xi32, #tpu.memory_space<vmem>>
          %dma_start3A_160 = arith.constant 0 : i32
          %dma_start3A_161 = arith.constant 0 : i32
          %dma_start3A_162 = tpu.memref_slice %arg3[%dma_start3A_160, %dma_start3A_161] : memref<1000x128xf32, #tpu.memory_space<hbm>> -> memref<1000x128xf32, #tpu.memory_space<hbm>>
          tpu.enqueue_indirect_dma source(%dma_start3A_162 : memref<1000x128xf32, #tpu.memory_space<hbm>>) target(%arg15 : memref<40x128xf32, #tpu.memory_space<vmem>>) offsets(%dma_start3A_159 : memref<40xi32, #tpu.memory_space<vmem>>) semaphore(%arg18 : memref<!tpu.dma_semaphore, #tpu.memory_space<semaphore_mem>>)
        } else {
        }
      } else {
      }
      %scan3A_111 = arith.constant 0 : i32
      scf.yield %scan3A_111 : i32
    }
    %scan3A_49 = arith.constant 9 : i32
    %dma_wait3A = arith.constant 0 : i32
    %dma_wait3A_50 = arith.constant 0 : i32
    %dma_wait3A_51 = tpu.memref_slice %arg2[%dma_wait3A, %dma_wait3A_50] : memref<1000x128xf32, #tpu.memory_space<hbm>> -> memref<40x128xf32, #tpu.memory_space<hbm>>
    %dma_wait3A_52 = arith.constant 0 : i32
    %dma_wait3A_53 = arith.constant 0 : i32
    %dma_wait3A_54 = tpu.memref_slice %arg2[%dma_wait3A_52, %dma_wait3A_53] : memref<1000x128xf32, #tpu.memory_space<hbm>> -> memref<40x128xf32, #tpu.memory_space<hbm>>
    tpu.wait_dma2 semaphore(%arg19 : memref<!tpu.dma_semaphore, #tpu.memory_space<semaphore_mem>>) src(%dma_wait3A_54 : memref<40x128xf32, #tpu.memory_space<hbm>>) dst(%arg10 : memref<40x128xf32, #tpu.memory_space<vmem>>)
    %dma_wait3A_55 = arith.constant 0 : i32
    %dma_wait3A_56 = arith.constant 0 : i32
    %dma_wait3A_57 = tpu.memref_slice %arg2[%dma_wait3A_55, %dma_wait3A_56] : memref<1000x128xf32, #tpu.memory_space<hbm>> -> memref<40x128xf32, #tpu.memory_space<hbm>>
    %dma_wait3A_58 = arith.constant 0 : i32
    %dma_wait3A_59 = arith.constant 0 : i32
    %dma_wait3A_60 = tpu.memref_slice %arg2[%dma_wait3A_58, %dma_wait3A_59] : memref<1000x128xf32, #tpu.memory_space<hbm>> -> memref<40x128xf32, #tpu.memory_space<hbm>>
    tpu.wait_dma2 semaphore(%arg19 : memref<!tpu.dma_semaphore, #tpu.memory_space<semaphore_mem>>) src(%dma_wait3A_60 : memref<40x128xf32, #tpu.memory_space<hbm>>) dst(%arg13 : memref<40x128xf32, #tpu.memory_space<vmem>>)
    %dma_wait3A_61 = arith.constant 0 : i32
    %dma_wait3A_62 = arith.constant 0 : i32
    %dma_wait3A_63 = tpu.memref_slice %arg2[%dma_wait3A_61, %dma_wait3A_62] : memref<1000x128xf32, #tpu.memory_space<hbm>> -> memref<40x128xf32, #tpu.memory_space<hbm>>
    %dma_wait3A_64 = arith.constant 0 : i32
    %dma_wait3A_65 = arith.constant 0 : i32
    %dma_wait3A_66 = tpu.memref_slice %arg2[%dma_wait3A_64, %dma_wait3A_65] : memref<1000x128xf32, #tpu.memory_space<hbm>> -> memref<40x128xf32, #tpu.memory_space<hbm>>
    tpu.wait_dma2 semaphore(%arg20 : memref<!tpu.dma_semaphore, #tpu.memory_space<semaphore_mem>>) src(%dma_wait3A_66 : memref<40x128xf32, #tpu.memory_space<hbm>>) dst(%arg11 : memref<40x128xf32, #tpu.memory_space<vmem>>)
    %dma_wait3A_67 = arith.constant 0 : i32
    %dma_wait3A_68 = arith.constant 0 : i32
    %dma_wait3A_69 = tpu.memref_slice %arg2[%dma_wait3A_67, %dma_wait3A_68] : memref<1000x128xf32, #tpu.memory_space<hbm>> -> memref<40x128xf32, #tpu.memory_space<hbm>>
    %dma_wait3A_70 = arith.constant 0 : i32
    %dma_wait3A_71 = arith.constant 0 : i32
    %dma_wait3A_72 = tpu.memref_slice %arg2[%dma_wait3A_70, %dma_wait3A_71] : memref<1000x128xf32, #tpu.memory_space<hbm>> -> memref<40x128xf32, #tpu.memory_space<hbm>>
    tpu.wait_dma2 semaphore(%arg20 : memref<!tpu.dma_semaphore, #tpu.memory_space<semaphore_mem>>) src(%dma_wait3A_72 : memref<40x128xf32, #tpu.memory_space<hbm>>) dst(%arg14 : memref<40x128xf32, #tpu.memory_space<vmem>>)
    %dma_wait3A_73 = arith.constant 0 : i32
    %dma_wait3A_74 = arith.constant 0 : i32
    %dma_wait3A_75 = tpu.memref_slice %arg2[%dma_wait3A_73, %dma_wait3A_74] : memref<1000x128xf32, #tpu.memory_space<hbm>> -> memref<40x128xf32, #tpu.memory_space<hbm>>
    %dma_wait3A_76 = arith.constant 0 : i32
    %dma_wait3A_77 = arith.constant 0 : i32
    %dma_wait3A_78 = tpu.memref_slice %arg2[%dma_wait3A_76, %dma_wait3A_77] : memref<1000x128xf32, #tpu.memory_space<hbm>> -> memref<40x128xf32, #tpu.memory_space<hbm>>
    tpu.wait_dma2 semaphore(%arg21 : memref<!tpu.dma_semaphore, #tpu.memory_space<semaphore_mem>>) src(%dma_wait3A_78 : memref<40x128xf32, #tpu.memory_space<hbm>>) dst(%arg12 : memref<40x128xf32, #tpu.memory_space<vmem>>)
    %dma_wait3A_79 = arith.constant 0 : i32
    %dma_wait3A_80 = arith.constant 0 : i32
    %dma_wait3A_81 = tpu.memref_slice %arg2[%dma_wait3A_79, %dma_wait3A_80] : memref<1000x128xf32, #tpu.memory_space<hbm>> -> memref<40x128xf32, #tpu.memory_space<hbm>>
    %dma_wait3A_82 = arith.constant 0 : i32
    %dma_wait3A_83 = arith.constant 0 : i32
    %dma_wait3A_84 = tpu.memref_slice %arg2[%dma_wait3A_82, %dma_wait3A_83] : memref<1000x128xf32, #tpu.memory_space<hbm>> -> memref<40x128xf32, #tpu.memory_space<hbm>>
    tpu.wait_dma2 semaphore(%arg21 : memref<!tpu.dma_semaphore, #tpu.memory_space<semaphore_mem>>) src(%dma_wait3A_84 : memref<40x128xf32, #tpu.memory_space<hbm>>) dst(%arg15 : memref<40x128xf32, #tpu.memory_space<vmem>>)
    return
  }
}

module attributes {stable_mosaic.version = 14 : i64} {
  func.func @_enc_body(%arg0: i32, %arg1: memref<1x1000x8xf32, #tpu.memory_space<vmem>>, %arg2: memref<1000x64xf32, #tpu.memory_space<vmem>>, %arg3: memref<8x64xf32, #tpu.memory_space<vmem>>, %arg4: memref<1x64xf32, #tpu.memory_space<vmem>>, %arg5: memref<64x64xf32, #tpu.memory_space<vmem>>, %arg6: memref<1x64xf32, #tpu.memory_space<vmem>>, %arg7: memref<64x192xf32, #tpu.memory_space<vmem>>, %arg8: memref<1x192xf32, #tpu.memory_space<vmem>>, %arg9: memref<64x64xf32, #tpu.memory_space<vmem>>, %arg10: memref<1x64xf32, #tpu.memory_space<vmem>>, %arg11: memref<64x192xf32, #tpu.memory_space<vmem>>, %arg12: memref<1x192xf32, #tpu.memory_space<vmem>>, %arg13: memref<1x1000x192xf32, #tpu.memory_space<vmem>>, %arg14: memref<1x1000x192xf32, #tpu.memory_space<vmem>>) attributes {dimension_semantics = [#tpu.dimension_semantics<arbitrary>], iteration_bounds = array<i64: 16>, scalar_prefetch = 0 : i64, scratch_operands = 0 : i64, tpu.core_type = #tpu.core_type<tc>, window_params = [{transform_indices = @transform_0, window_bounds = array<i64: 1, 1000, 8>}, {pipeline_mode = #tpu.pipeline_mode<synchronous>, transform_indices = @transform_1, window_bounds = array<i64: 1000, 64>}, {pipeline_mode = #tpu.pipeline_mode<synchronous>, transform_indices = @transform_2, window_bounds = array<i64: 8, 64>}, {pipeline_mode = #tpu.pipeline_mode<synchronous>, transform_indices = @transform_3, window_bounds = array<i64: 1, 64>}, {pipeline_mode = #tpu.pipeline_mode<synchronous>, transform_indices = @transform_4, window_bounds = array<i64: 64, 64>}, {pipeline_mode = #tpu.pipeline_mode<synchronous>, transform_indices = @transform_5, window_bounds = array<i64: 1, 64>}, {pipeline_mode = #tpu.pipeline_mode<synchronous>, transform_indices = @transform_6, window_bounds = array<i64: 64, 192>}, {pipeline_mode = #tpu.pipeline_mode<synchronous>, transform_indices = @transform_7, window_bounds = array<i64: 1, 192>}, {pipeline_mode = #tpu.pipeline_mode<synchronous>, transform_indices = @transform_8, window_bounds = array<i64: 64, 64>}, {pipeline_mode = #tpu.pipeline_mode<synchronous>, transform_indices = @transform_9, window_bounds = array<i64: 1, 64>}, {pipeline_mode = #tpu.pipeline_mode<synchronous>, transform_indices = @transform_10, window_bounds = array<i64: 64, 192>}, {pipeline_mode = #tpu.pipeline_mode<synchronous>, transform_indices = @transform_11, window_bounds = array<i64: 1, 192>}, {transform_indices = @transform_12, window_bounds = array<i64: 1, 1000, 192>}, {transform_indices = @transform_13, window_bounds = array<i64: 1, 1000, 192>}]} {
    %get3A = arith.constant 0 : index
    %get3A_0 = arith.constant 0 : index
    %get3A_1 = arith.constant 0 : index
    %get3A_2 = vector.load %arg1[%get3A, %get3A_0, %get3A_1] : memref<1x1000x8xf32, #tpu.memory_space<vmem>>, vector<1x1000x8xf32>
    %get3A_3 = vector.shape_cast %get3A_2 : vector<1x1000x8xf32> to vector<1000x8xf32>
    %get3A_4 = arith.constant 0 : index
    %get3A_5 = arith.constant 0 : index
    %get3A_6 = vector.load %arg3[%get3A_4, %get3A_5] : memref<8x64xf32, #tpu.memory_space<vmem>>, vector<8x64xf32>
    %dot_general3A = arith.constant dense<0.000000e+00> : vector<1000x64xf32>
    %dot_general3A_7 = tpu.matmul %get3A_3, %get3A_6, %dot_general3A {dimension_numbers = #tpu.dot_dimension_numbers<[1], [0], [0], [1], [0, 0, 1, 1], [], []>, transpose_lhs_hint = false} : vector<1000x8xf32>, vector<8x64xf32>, vector<1000x64xf32> -> vector<1000x64xf32>
    %get3A_8 = arith.constant 0 : index
    %get3A_9 = arith.constant 0 : index
    %get3A_10 = vector.load %arg4[%get3A_8, %get3A_9] : memref<1x64xf32, #tpu.memory_space<vmem>>, vector<1x64xf32>
    %add3A = vector.broadcast %get3A_10 : vector<1x64xf32> to vector<1000x64xf32>
    %add3A_11 = arith.addf %dot_general3A_7, %add3A : vector<1000x64xf32>
    %get3A_12 = arith.constant 0 : index
    %get3A_13 = arith.constant 0 : index
    %get3A_14 = vector.load %arg2[%get3A_12, %get3A_13] : memref<1000x64xf32, #tpu.memory_space<vmem>>, vector<1000x64xf32>
    %add3A_15 = arith.addf %add3A_11, %get3A_14 : vector<1000x64xf32>
    %get3A_16 = arith.constant 0 : index
    %get3A_17 = arith.constant 0 : index
    %get3A_18 = vector.load %arg5[%get3A_16, %get3A_17] : memref<64x64xf32, #tpu.memory_space<vmem>>, vector<64x64xf32>
    %dot_general3A_19 = arith.constant dense<0.000000e+00> : vector<1000x64xf32>
    %dot_general3A_20 = tpu.matmul %add3A_15, %get3A_18, %dot_general3A_19 {dimension_numbers = #tpu.dot_dimension_numbers<[1], [0], [0], [1], [0, 0, 1, 1], [], []>, transpose_lhs_hint = false} : vector<1000x64xf32>, vector<64x64xf32>, vector<1000x64xf32> -> vector<1000x64xf32>
    %get3A_21 = arith.constant 0 : index
    %get3A_22 = arith.constant 0 : index
    %get3A_23 = vector.load %arg6[%get3A_21, %get3A_22] : memref<1x64xf32, #tpu.memory_space<vmem>>, vector<1x64xf32>
    %add3A_24 = vector.broadcast %get3A_23 : vector<1x64xf32> to vector<1000x64xf32>
    %add3A_25 = arith.addf %dot_general3A_20, %add3A_24 : vector<1000x64xf32>
    %get3A_26 = arith.constant 0 : index
    %get3A_27 = arith.constant 0 : index
    %get3A_28 = vector.load %arg7[%get3A_26, %get3A_27] : memref<64x192xf32, #tpu.memory_space<vmem>>, vector<64x192xf32>
    %dot_general3A_29 = arith.constant dense<0.000000e+00> : vector<1000x192xf32>
    %dot_general3A_30 = tpu.matmul %add3A_25, %get3A_28, %dot_general3A_29 {dimension_numbers = #tpu.dot_dimension_numbers<[1], [0], [0], [1], [0, 0, 1, 1], [], []>, transpose_lhs_hint = false} : vector<1000x64xf32>, vector<64x192xf32>, vector<1000x192xf32> -> vector<1000x192xf32>
    %get3A_31 = arith.constant 0 : index
    %get3A_32 = arith.constant 0 : index
    %get3A_33 = vector.load %arg8[%get3A_31, %get3A_32] : memref<1x192xf32, #tpu.memory_space<vmem>>, vector<1x192xf32>
    %add3A_34 = vector.broadcast %get3A_33 : vector<1x192xf32> to vector<1000x192xf32>
    %add3A_35 = arith.addf %dot_general3A_30, %add3A_34 : vector<1000x192xf32>
    %swap3A = arith.constant 0 : index
    %swap3A_36 = arith.constant 0 : index
    %swap3A_37 = arith.constant 0 : index
    %swap3A_38 = vector.load %arg13[%swap3A, %swap3A_36, %swap3A_37] : memref<1x1000x192xf32, #tpu.memory_space<vmem>>, vector<1x1000x192xf32>
    %swap3A_39 = vector.shape_cast %swap3A_38 : vector<1x1000x192xf32> to vector<1000x192xf32>
    %swap3A_40 = vector.shape_cast %add3A_35 : vector<1000x192xf32> to vector<1x1000x192xf32>
    tpu.vector_store %arg13[%swap3A, %swap3A_36, %swap3A_37], %swap3A_40 {strides = array<i32>} : memref<1x1000x192xf32, #tpu.memory_space<vmem>>, vector<1x1000x192xf32>,
    %get3A_41 = arith.constant 0 : index
    %get3A_42 = arith.constant 0 : index
    %get3A_43 = vector.load %arg9[%get3A_41, %get3A_42] : memref<64x64xf32, #tpu.memory_space<vmem>>, vector<64x64xf32>
    %dot_general3A_44 = arith.constant dense<0.000000e+00> : vector<1000x64xf32>
    %dot_general3A_45 = tpu.matmul %add3A_15, %get3A_43, %dot_general3A_44 {dimension_numbers = #tpu.dot_dimension_numbers<[1], [0], [0], [1], [0, 0, 1, 1], [], []>, transpose_lhs_hint = false} : vector<1000x64xf32>, vector<64x64xf32>, vector<1000x64xf32> -> vector<1000x64xf32>
    %get3A_46 = arith.constant 0 : index
    %get3A_47 = arith.constant 0 : index
    %get3A_48 = vector.load %arg10[%get3A_46, %get3A_47] : memref<1x64xf32, #tpu.memory_space<vmem>>, vector<1x64xf32>
    %add3A_49 = vector.broadcast %get3A_48 : vector<1x64xf32> to vector<1000x64xf32>
    %add3A_50 = arith.addf %dot_general3A_45, %add3A_49 : vector<1000x64xf32>
    %get3A_51 = arith.constant 0 : index
    %get3A_52 = arith.constant 0 : index
    %get3A_53 = vector.load %arg11[%get3A_51, %get3A_52] : memref<64x192xf32, #tpu.memory_space<vmem>>, vector<64x192xf32>
    %dot_general3A_54 = arith.constant dense<0.000000e+00> : vector<1000x192xf32>
    %dot_general3A_55 = tpu.matmul %add3A_50, %get3A_53, %dot_general3A_54 {dimension_numbers = #tpu.dot_dimension_numbers<[1], [0], [0], [1], [0, 0, 1, 1], [], []>, transpose_lhs_hint = false} : vector<1000x64xf32>, vector<64x192xf32>, vector<1000x192xf32> -> vector<1000x192xf32>
    %get3A_56 = arith.constant 0 : index
    %get3A_57 = arith.constant 0 : index
    %get3A_58 = vector.load %arg12[%get3A_56, %get3A_57] : memref<1x192xf32, #tpu.memory_space<vmem>>, vector<1x192xf32>
    %add3A_59 = vector.broadcast %get3A_58 : vector<1x192xf32> to vector<1000x192xf32>
    %add3A_60 = arith.addf %dot_general3A_55, %add3A_59 : vector<1000x192xf32>
    %swap3A_61 = arith.constant 0 : index
    %swap3A_62 = arith.constant 0 : index
    %swap3A_63 = arith.constant 0 : index
    %swap3A_64 = vector.load %arg14[%swap3A_61, %swap3A_62, %swap3A_63] : memref<1x1000x192xf32, #tpu.memory_space<vmem>>, vector<1x1000x192xf32>
    %swap3A_65 = vector.shape_cast %swap3A_64 : vector<1x1000x192xf32> to vector<1000x192xf32>
    %swap3A_66 = vector.shape_cast %add3A_60 : vector<1000x192xf32> to vector<1x1000x192xf32>
    tpu.vector_store %arg14[%swap3A_61, %swap3A_62, %swap3A_63], %swap3A_66 {strides = array<i32>} : memref<1x1000x192xf32, #tpu.memory_space<vmem>>, vector<1x1000x192xf32>,
    return
  }
  func.func @transform_0(%arg0: i32) -> (i32, i32, i32) {
    %c0_i32 = arith.constant 0 : i32
    %c0_i32_0 = arith.constant 0 : i32
    %c0_i32_1 = arith.constant 0 : i32
    return %arg0, %c0_i32, %c0_i32_0 : i32, i32, i32
  }
  func.func @transform_1(%arg0: i32) -> (i32, i32) {
    %c0_i32 = arith.constant 0 : i32
    %c0_i32_0 = arith.constant 0 : i32
    %c0_i32_1 = arith.constant 0 : i32
    return %c0_i32, %c0_i32_0 : i32, i32
  }
  func.func @transform_2(%arg0: i32) -> (i32, i32) {
    %c0_i32 = arith.constant 0 : i32
    %c0_i32_0 = arith.constant 0 : i32
    %c0_i32_1 = arith.constant 0 : i32
    return %c0_i32, %c0_i32_0 : i32, i32
  }
  func.func @transform_3(%arg0: i32) -> (i32, i32) {
    %c0_i32 = arith.constant 0 : i32
    %c0_i32_0 = arith.constant 0 : i32
    %c0_i32_1 = arith.constant 0 : i32
    return %c0_i32, %c0_i32_0 : i32, i32
  }
  func.func @transform_4(%arg0: i32) -> (i32, i32) {
    %c0_i32 = arith.constant 0 : i32
    %c0_i32_0 = arith.constant 0 : i32
    %c0_i32_1 = arith.constant 0 : i32
    return %c0_i32, %c0_i32_0 : i32, i32
  }
  func.func @transform_5(%arg0: i32) -> (i32, i32) {
    %c0_i32 = arith.constant 0 : i32
    %c0_i32_0 = arith.constant 0 : i32
    %c0_i32_1 = arith.constant 0 : i32
    return %c0_i32, %c0_i32_0 : i32, i32
  }
  func.func @transform_6(%arg0: i32) -> (i32, i32) {
    %c0_i32 = arith.constant 0 : i32
    %c0_i32_0 = arith.constant 0 : i32
    %c0_i32_1 = arith.constant 0 : i32
    return %c0_i32, %c0_i32_0 : i32, i32
  }
  func.func @transform_7(%arg0: i32) -> (i32, i32) {
    %c0_i32 = arith.constant 0 : i32
    %c0_i32_0 = arith.constant 0 : i32
    %c0_i32_1 = arith.constant 0 : i32
    return %c0_i32, %c0_i32_0 : i32, i32
  }
  func.func @transform_8(%arg0: i32) -> (i32, i32) {
    %c0_i32 = arith.constant 0 : i32
    %c0_i32_0 = arith.constant 0 : i32
    %c0_i32_1 = arith.constant 0 : i32
    return %c0_i32, %c0_i32_0 : i32, i32
  }
  func.func @transform_9(%arg0: i32) -> (i32, i32) {
    %c0_i32 = arith.constant 0 : i32
    %c0_i32_0 = arith.constant 0 : i32
    %c0_i32_1 = arith.constant 0 : i32
    return %c0_i32, %c0_i32_0 : i32, i32
  }
  func.func @transform_10(%arg0: i32) -> (i32, i32) {
    %c0_i32 = arith.constant 0 : i32
    %c0_i32_0 = arith.constant 0 : i32
    %c0_i32_1 = arith.constant 0 : i32
    return %c0_i32, %c0_i32_0 : i32, i32
  }
  func.func @transform_11(%arg0: i32) -> (i32, i32) {
    %c0_i32 = arith.constant 0 : i32
    %c0_i32_0 = arith.constant 0 : i32
    %c0_i32_1 = arith.constant 0 : i32
    return %c0_i32, %c0_i32_0 : i32, i32
  }
  func.func @transform_12(%arg0: i32) -> (i32, i32, i32) {
    %c0_i32 = arith.constant 0 : i32
    %c0_i32_0 = arith.constant 0 : i32
    %c0_i32_1 = arith.constant 0 : i32
    return %arg0, %c0_i32, %c0_i32_0 : i32, i32, i32
  }
  func.func @transform_13(%arg0: i32) -> (i32, i32, i32) {
    %c0_i32 = arith.constant 0 : i32
    %c0_i32_0 = arith.constant 0 : i32
    %c0_i32_1 = arith.constant 0 : i32
    return %arg0, %c0_i32, %c0_i32_0 : i32, i32, i32
  }
}

module attributes {stable_mosaic.version = 14 : i64} {
  func.func @_edge_body(%arg0: i32, %arg1: memref<4000x128xf32, #tpu.memory_space<vmem>>, %arg2: memref<4000x128xf32, #tpu.memory_space<vmem>>, %arg3: memref<128x256xbf16, #tpu.memory_space<vmem>>, %arg4: memref<1x256xf32, #tpu.memory_space<vmem>>, %arg5: memref<256x4xbf16, #tpu.memory_space<vmem>>, %arg6: memref<1x4xf32, #tpu.memory_space<vmem>>, %arg7: memref<4x256xf32, #tpu.memory_space<vmem>>, %arg8: memref<4000x128xf32, #tpu.memory_space<vmem>>, %arg9: memref<4000x128xf32, #tpu.memory_space<vmem>>) attributes {dimension_semantics = [#tpu.dimension_semantics<arbitrary>], iteration_bounds = array<i64: 8>, scalar_prefetch = 0 : i64, scratch_operands = 0 : i64, tpu.core_type = #tpu.core_type<tc>, window_params = [{transform_indices = @transform_0, window_bounds = array<i64: 4000, 128>}, {transform_indices = @transform_1, window_bounds = array<i64: 4000, 128>}, {pipeline_mode = #tpu.pipeline_mode<synchronous>, transform_indices = @transform_2, window_bounds = array<i64: 128, 256>}, {pipeline_mode = #tpu.pipeline_mode<synchronous>, transform_indices = @transform_3, window_bounds = array<i64: 1, 256>}, {pipeline_mode = #tpu.pipeline_mode<synchronous>, transform_indices = @transform_4, window_bounds = array<i64: 256, 4>}, {pipeline_mode = #tpu.pipeline_mode<synchronous>, transform_indices = @transform_5, window_bounds = array<i64: 1, 4>}, {pipeline_mode = #tpu.pipeline_mode<synchronous>, transform_indices = @transform_6, window_bounds = array<i64: 4, 256>}, {transform_indices = @transform_7, window_bounds = array<i64: 4000, 128>}, {transform_indices = @transform_8, window_bounds = array<i64: 4000, 128>}]} {
    %get3A = arith.constant 0 : index
    %get3A_0 = arith.constant 0 : index
    %get3A_1 = vector.load %arg1[%get3A, %get3A_0] : memref<4000x128xf32, #tpu.memory_space<vmem>>, vector<4000x128xf32>
    %get3A_2 = arith.constant 0 : index
    %get3A_3 = arith.constant 0 : index
    %get3A_4 = vector.load %arg2[%get3A_2, %get3A_3] : memref<4000x128xf32, #tpu.memory_space<vmem>>, vector<4000x128xf32>
    %add3A = arith.addf %get3A_1, %get3A_4 : vector<4000x128xf32>
    %logistic3A = arith.negf %add3A : vector<4000x128xf32>
    %logistic3A_5 = math.exp %logistic3A : vector<4000x128xf32>
    %logistic3A_6 = arith.constant 1.000000e+00 : f32
    %logistic3A_7 = vector.broadcast %logistic3A_6 : f32 to vector<4000x128xf32>
    %logistic3A_8 = arith.addf %logistic3A_7, %logistic3A_5 : vector<4000x128xf32>
    %logistic3A_9 = arith.divf %logistic3A_7, %logistic3A_8 : vector<4000x128xf32>
    %mul3A = arith.mulf %add3A, %logistic3A_9 : vector<4000x128xf32>
    %convert_element_type3A = arith.truncf %mul3A : vector<4000x128xf32> to vector<4000x128xbf16>
    %get3A_10 = arith.constant 0 : index
    %get3A_11 = arith.constant 0 : index
    %get3A_12 = vector.load %arg3[%get3A_10, %get3A_11] : memref<128x256xbf16, #tpu.memory_space<vmem>>, vector<128x256xbf16>
    %dot_general3A = arith.constant dense<0.000000e+00> : vector<4000x256xf32>
    %dot_general3A_13 = tpu.matmul %convert_element_type3A, %get3A_12, %dot_general3A {dimension_numbers = #tpu.dot_dimension_numbers<[1], [0], [0], [1], [0, 0, 1, 1], [], []>, transpose_lhs_hint = false} : vector<4000x128xbf16>, vector<128x256xbf16>, vector<4000x256xf32> -> vector<4000x256xf32>
    %get3A_14 = arith.constant 0 : index
    %get3A_15 = arith.constant 0 : index
    %get3A_16 = vector.load %arg4[%get3A_14, %get3A_15] : memref<1x256xf32, #tpu.memory_space<vmem>>, vector<1x256xf32>
    %add3A_17 = vector.broadcast %get3A_16 : vector<1x256xf32> to vector<4000x256xf32>
    %add3A_18 = arith.addf %dot_general3A_13, %add3A_17 : vector<4000x256xf32>
    %logistic3A_19 = arith.negf %add3A_18 : vector<4000x256xf32>
    %logistic3A_20 = math.exp %logistic3A_19 : vector<4000x256xf32>
    %logistic3A_21 = arith.constant 1.000000e+00 : f32
    %logistic3A_22 = vector.broadcast %logistic3A_21 : f32 to vector<4000x256xf32>
    %logistic3A_23 = arith.addf %logistic3A_22, %logistic3A_20 : vector<4000x256xf32>
    %logistic3A_24 = arith.divf %logistic3A_22, %logistic3A_23 : vector<4000x256xf32>
    %mul3A_25 = arith.mulf %add3A_18, %logistic3A_24 : vector<4000x256xf32>
    %convert_element_type3A_26 = arith.truncf %mul3A_25 : vector<4000x256xf32> to vector<4000x256xbf16>
    %get3A_27 = arith.constant 0 : index
    %get3A_28 = arith.constant 0 : index
    %get3A_29 = vector.load %arg5[%get3A_27, %get3A_28] : memref<256x4xbf16, #tpu.memory_space<vmem>>, vector<256x4xbf16>
    %dot_general3A_30 = arith.constant dense<0.000000e+00> : vector<4000x4xf32>
    %dot_general3A_31 = tpu.matmul %convert_element_type3A_26, %get3A_29, %dot_general3A_30 {dimension_numbers = #tpu.dot_dimension_numbers<[1], [0], [0], [1], [0, 0, 1, 1], [], []>, transpose_lhs_hint = false} : vector<4000x256xbf16>, vector<256x4xbf16>, vector<4000x4xf32> -> vector<4000x4xf32>
    %get3A_32 = arith.constant 0 : index
    %get3A_33 = arith.constant 0 : index
    %get3A_34 = vector.load %arg6[%get3A_32, %get3A_33] : memref<1x4xf32, #tpu.memory_space<vmem>>, vector<1x4xf32>
    %add3A_35 = vector.broadcast %get3A_34 : vector<1x4xf32> to vector<4000x4xf32>
    %add3A_36 = arith.addf %dot_general3A_31, %add3A_35 : vector<4000x4xf32>
    %logistic3A_37 = arith.negf %add3A_36 : vector<4000x4xf32>
    %logistic3A_38 = math.exp %logistic3A_37 : vector<4000x4xf32>
    %logistic3A_39 = arith.constant 1.000000e+00 : f32
    %logistic3A_40 = vector.broadcast %logistic3A_39 : f32 to vector<4000x4xf32>
    %logistic3A_41 = arith.addf %logistic3A_40, %logistic3A_38 : vector<4000x4xf32>
    %logistic3A_42 = arith.divf %logistic3A_40, %logistic3A_41 : vector<4000x4xf32>
    %get3A_43 = arith.constant 0 : index
    %get3A_44 = arith.constant 0 : index
    %get3A_45 = vector.load %arg7[%get3A_43, %get3A_44] : memref<4x256xf32, #tpu.memory_space<vmem>>, vector<4x256xf32>
    %dot_general3A_46 = arith.constant dense<0.000000e+00> : vector<4000x256xf32>
    %dot_general3A_47 = tpu.matmul %logistic3A_42, %get3A_45, %dot_general3A_46 {dimension_numbers = #tpu.dot_dimension_numbers<[1], [0], [0], [1], [0, 0, 1, 1], [], []>, transpose_lhs_hint = false} : vector<4000x4xf32>, vector<4x256xf32>, vector<4000x256xf32> -> vector<4000x256xf32>
    %mul3A_48 = arith.mulf %mul3A_25, %dot_general3A_47 : vector<4000x256xf32>
    %slice3A = vector.extract_strided_slice %mul3A_48 {offsets = [0, 0], sizes = [4000, 128], strides = [1, 1]} : vector<4000x256xf32> to vector<4000x128xf32>
    %swap3A = arith.constant 0 : index
    %swap3A_49 = arith.constant 0 : index
    %swap3A_50 = vector.load %arg8[%swap3A, %swap3A_49] : memref<4000x128xf32, #tpu.memory_space<vmem>>, vector<4000x128xf32>
    tpu.vector_store %arg8[%swap3A, %swap3A_49], %slice3A {strides = array<i32>} : memref<4000x128xf32, #tpu.memory_space<vmem>>, vector<4000x128xf32>,
    %slice3A_51 = vector.extract_strided_slice %mul3A_48 {offsets = [0, 128], sizes = [4000, 128], strides = [1, 1]} : vector<4000x256xf32> to vector<4000x128xf32>
    %swap3A_52 = arith.constant 0 : index
    %swap3A_53 = arith.constant 0 : index
    %swap3A_54 = vector.load %arg9[%swap3A_52, %swap3A_53] : memref<4000x128xf32, #tpu.memory_space<vmem>>, vector<4000x128xf32>
    tpu.vector_store %arg9[%swap3A_52, %swap3A_53], %slice3A_51 {strides = array<i32>} : memref<4000x128xf32, #tpu.memory_space<vmem>>, vector<4000x128xf32>,
    return
  }
  func.func @transform_0(%arg0: i32) -> (i32, i32) {
    %c0_i32 = arith.constant 0 : i32
    %c0_i32_0 = arith.constant 0 : i32
    return %arg0, %c0_i32 : i32, i32
  }
  func.func @transform_1(%arg0: i32) -> (i32, i32) {
    %c0_i32 = arith.constant 0 : i32
    %c0_i32_0 = arith.constant 0 : i32
    return %arg0, %c0_i32 : i32, i32
  }
  func.func @transform_2(%arg0: i32) -> (i32, i32) {
    %c0_i32 = arith.constant 0 : i32
    %c0_i32_0 = arith.constant 0 : i32
    %c0_i32_1 = arith.constant 0 : i32
    return %c0_i32, %c0_i32_0 : i32, i32
  }
  func.func @transform_3(%arg0: i32) -> (i32, i32) {
    %c0_i32 = arith.constant 0 : i32
    %c0_i32_0 = arith.constant 0 : i32
    %c0_i32_1 = arith.constant 0 : i32
    return %c0_i32, %c0_i32_0 : i32, i32
  }
  func.func @transform_4(%arg0: i32) -> (i32, i32) {
    %c0_i32 = arith.constant 0 : i32
    %c0_i32_0 = arith.constant 0 : i32
    %c0_i32_1 = arith.constant 0 : i32
    return %c0_i32, %c0_i32_0 : i32, i32
  }
  func.func @transform_5(%arg0: i32) -> (i32, i32) {
    %c0_i32 = arith.constant 0 : i32
    %c0_i32_0 = arith.constant 0 : i32
    %c0_i32_1 = arith.constant 0 : i32
    return %c0_i32, %c0_i32_0 : i32, i32
  }
  func.func @transform_6(%arg0: i32) -> (i32, i32) {
    %c0_i32 = arith.constant 0 : i32
    %c0_i32_0 = arith.constant 0 : i32
    %c0_i32_1 = arith.constant 0 : i32
    return %c0_i32, %c0_i32_0 : i32, i32
  }
  func.func @transform_7(%arg0: i32) -> (i32, i32) {
    %c0_i32 = arith.constant 0 : i32
    %c0_i32_0 = arith.constant 0 : i32
    return %arg0, %c0_i32 : i32, i32
  }
  func.func @transform_8(%arg0: i32) -> (i32, i32) {
    %c0_i32 = arith.constant 0 : i32
    %c0_i32_0 = arith.constant 0 : i32
    return %arg0, %c0_i32 : i32, i32
  }
}

module attributes {stable_mosaic.version = 14 : i64} {
  func.func @_upd_body(%arg0: memref<2x2x1000x128xf32, #tpu.memory_space<vmem>>, %arg1: memref<1000x256xf32, #tpu.memory_space<vmem>>, %arg2: memref<1000x256xf32, #tpu.memory_space<vmem>>, %arg3: memref<1000x256xf32, #tpu.memory_space<vmem>>, %arg4: memref<1000x128xf32, #tpu.memory_space<vmem>>, %arg5: memref<1000x128xf32, #tpu.memory_space<vmem>>, %arg6: memref<2x64x64xf32, #tpu.memory_space<vmem>>, %arg7: memref<2x64x64xf32, #tpu.memory_space<vmem>>, %arg8: memref<2x64x64xf32, #tpu.memory_space<vmem>>, %arg9: memref<2x1x64xf32, #tpu.memory_space<vmem>>, %arg10: memref<2x64x64xf32, #tpu.memory_space<vmem>>, %arg11: memref<2x64x32xf32, #tpu.memory_space<vmem>>, %arg12: memref<2x64x32xf32, #tpu.memory_space<vmem>>, %arg13: memref<1000x256xf32, #tpu.memory_space<vmem>>, %arg14: memref<1000x128xf32, #tpu.memory_space<vmem>>, %arg15: memref<1000x128xf32, #tpu.memory_space<vmem>>) attributes {dimension_semantics = [], scalar_prefetch = 0 : i64, scratch_operands = 0 : i64, tpu.core_type = #tpu.core_type<tc>} {
    %get3A = arith.constant 0 : index
    %get3A_0 = arith.constant 0 : index
    %get3A_1 = arith.constant 0 : index
    %get3A_2 = arith.constant 0 : index
    %get3A_3 = vector.load %arg0[%get3A, %get3A_0, %get3A_1, %get3A_2] : memref<2x2x1000x128xf32, #tpu.memory_space<vmem>>, vector<1x1x1000x128xf32>
    %get3A_4 = vector.shape_cast %get3A_3 : vector<1x1x1000x128xf32> to vector<1000x128xf32>
    %get3A_5 = arith.constant 1 : index
    %get3A_6 = arith.constant 0 : index
    %get3A_7 = arith.constant 0 : index
    %get3A_8 = arith.constant 0 : index
    %get3A_9 = vector.load %arg0[%get3A_5, %get3A_6, %get3A_7, %get3A_8] : memref<2x2x1000x128xf32, #tpu.memory_space<vmem>>, vector<1x1x1000x128xf32>
    %get3A_10 = vector.shape_cast %get3A_9 : vector<1x1x1000x128xf32> to vector<1000x128xf32>
    %add3A = arith.addf %get3A_4, %get3A_10 : vector<1000x128xf32>
    %get3A_11 = arith.constant 0 : index
    %get3A_12 = arith.constant 1 : index
    %get3A_13 = arith.constant 0 : index
    %get3A_14 = arith.constant 0 : index
    %get3A_15 = vector.load %arg0[%get3A_11, %get3A_12, %get3A_13, %get3A_14] : memref<2x2x1000x128xf32, #tpu.memory_space<vmem>>, vector<1x1x1000x128xf32>
    %get3A_16 = vector.shape_cast %get3A_15 : vector<1x1x1000x128xf32> to vector<1000x128xf32>
    %get3A_17 = arith.constant 1 : index
    %get3A_18 = arith.constant 1 : index
    %get3A_19 = arith.constant 0 : index
    %get3A_20 = arith.constant 0 : index
    %get3A_21 = vector.load %arg0[%get3A_17, %get3A_18, %get3A_19, %get3A_20] : memref<2x2x1000x128xf32, #tpu.memory_space<vmem>>, vector<1x1x1000x128xf32>
    %get3A_22 = vector.shape_cast %get3A_21 : vector<1x1x1000x128xf32> to vector<1000x128xf32>
    %add3A_23 = arith.addf %get3A_16, %get3A_22 : vector<1000x128xf32>
    %concatenate3A = tpu.concatenate %add3A, %add3A_23 in 1 : vector<1000x128xf32>, vector<1000x128xf32> -> vector<1000x256xf32>
    %get3A_24 = arith.constant 0 : index
    %get3A_25 = arith.constant 0 : index
    %get3A_26 = vector.load %arg1[%get3A_24, %get3A_25] : memref<1000x256xf32, #tpu.memory_space<vmem>>, vector<1000x256xf32>
    %slice3A = vector.extract_strided_slice %concatenate3A {offsets = [0, 0], sizes = [1000, 64], strides = [1, 1]} : vector<1000x256xf32> to vector<1000x64xf32>
    %slice3A_27 = vector.extract_strided_slice %get3A_26 {offsets = [0, 0], sizes = [1000, 64], strides = [1, 1]} : vector<1000x256xf32> to vector<1000x64xf32>
    %get3A_28 = arith.constant 0 : index
    %get3A_29 = arith.constant 0 : index
    %get3A_30 = arith.constant 0 : index
    %get3A_31 = vector.load %arg6[%get3A_28, %get3A_29, %get3A_30] : memref<2x64x64xf32, #tpu.memory_space<vmem>>, vector<1x64x64xf32>
    %get3A_32 = vector.shape_cast %get3A_31 : vector<1x64x64xf32> to vector<64x64xf32>
    %dot_general3A = arith.constant dense<0.000000e+00> : vector<1000x64xf32>
    %dot_general3A_33 = tpu.matmul %slice3A, %get3A_32, %dot_general3A {dimension_numbers = #tpu.dot_dimension_numbers<[1], [0], [0], [1], [0, 0, 1, 1], [], []>, transpose_lhs_hint = false} : vector<1000x64xf32>, vector<64x64xf32>, vector<1000x64xf32> -> vector<1000x64xf32>
    %get3A_34 = arith.constant 0 : index
    %get3A_35 = arith.constant 0 : index
    %get3A_36 = arith.constant 0 : index
    %get3A_37 = vector.load %arg7[%get3A_34, %get3A_35, %get3A_36] : memref<2x64x64xf32, #tpu.memory_space<vmem>>, vector<1x64x64xf32>
    %get3A_38 = vector.shape_cast %get3A_37 : vector<1x64x64xf32> to vector<64x64xf32>
    %dot_general3A_39 = arith.constant dense<0.000000e+00> : vector<1000x64xf32>
    %dot_general3A_40 = tpu.matmul %slice3A_27, %get3A_38, %dot_general3A_39 {dimension_numbers = #tpu.dot_dimension_numbers<[1], [0], [0], [1], [0, 0, 1, 1], [], []>, transpose_lhs_hint = false} : vector<1000x64xf32>, vector<64x64xf32>, vector<1000x64xf32> -> vector<1000x64xf32>
    %add3A_41 = arith.addf %dot_general3A_33, %dot_general3A_40 : vector<1000x64xf32>
    %get3A_42 = arith.constant 0 : index
    %get3A_43 = arith.constant 0 : index
    %get3A_44 = vector.load %arg2[%get3A_42, %get3A_43] : memref<1000x256xf32, #tpu.memory_space<vmem>>, vector<1000x64xf32>
    %add3A_45 = arith.addf %add3A_41, %get3A_44 : vector<1000x64xf32>
    %logistic3A = arith.negf %add3A_45 : vector<1000x64xf32>
    %logistic3A_46 = math.exp %logistic3A : vector<1000x64xf32>
    %logistic3A_47 = arith.constant 1.000000e+00 : f32
    %logistic3A_48 = vector.broadcast %logistic3A_47 : f32 to vector<1000x64xf32>
    %logistic3A_49 = arith.addf %logistic3A_48, %logistic3A_46 : vector<1000x64xf32>
    %logistic3A_50 = arith.divf %logistic3A_48, %logistic3A_49 : vector<1000x64xf32>
    %mul3A = arith.mulf %add3A_45, %logistic3A_50 : vector<1000x64xf32>
    %get3A_51 = arith.constant 0 : index
    %get3A_52 = arith.constant 0 : index
    %get3A_53 = arith.constant 0 : index
    %get3A_54 = vector.load %arg8[%get3A_51, %get3A_52, %get3A_53] : memref<2x64x64xf32, #tpu.memory_space<vmem>>, vector<1x64x64xf32>
    %get3A_55 = vector.shape_cast %get3A_54 : vector<1x64x64xf32> to vector<64x64xf32>
    %dot_general3A_56 = arith.constant dense<0.000000e+00> : vector<1000x64xf32>
    %dot_general3A_57 = tpu.matmul %mul3A, %get3A_55, %dot_general3A_56 {dimension_numbers = #tpu.dot_dimension_numbers<[1], [0], [0], [1], [0, 0, 1, 1], [], []>, transpose_lhs_hint = false} : vector<1000x64xf32>, vector<64x64xf32>, vector<1000x64xf32> -> vector<1000x64xf32>
    %get3A_58 = arith.constant 0 : index
    %get3A_59 = arith.constant 0 : index
    %get3A_60 = arith.constant 0 : index
    %get3A_61 = vector.load %arg9[%get3A_58, %get3A_59, %get3A_60] : memref<2x1x64xf32, #tpu.memory_space<vmem>>, vector<1x1x64xf32>
    %get3A_62 = vector.shape_cast %get3A_61 : vector<1x1x64xf32> to vector<1x64xf32>
    %add3A_63 = vector.broadcast %get3A_62 : vector<1x64xf32> to vector<1000x64xf32>
    %add3A_64 = arith.addf %dot_general3A_57, %add3A_63 : vector<1000x64xf32>
    %get3A_65 = arith.constant 0 : index
    %get3A_66 = arith.constant 0 : index
    %get3A_67 = arith.constant 0 : index
    %get3A_68 = vector.load %arg10[%get3A_65, %get3A_66, %get3A_67] : memref<2x64x64xf32, #tpu.memory_space<vmem>>, vector<1x64x64xf32>
    %get3A_69 = vector.shape_cast %get3A_68 : vector<1x64x64xf32> to vector<64x64xf32>
    %dot_general3A_70 = arith.constant dense<0.000000e+00> : vector<1000x64xf32>
    %dot_general3A_71 = tpu.matmul %slice3A_27, %get3A_69, %dot_general3A_70 {dimension_numbers = #tpu.dot_dimension_numbers<[1], [0], [0], [1], [0, 0, 1, 1], [], []>, transpose_lhs_hint = false} : vector<1000x64xf32>, vector<64x64xf32>, vector<1000x64xf32> -> vector<1000x64xf32>
    %add3A_72 = arith.addf %add3A_64, %dot_general3A_71 : vector<1000x64xf32>
    %get3A_73 = arith.constant 0 : index
    %get3A_74 = arith.constant 0 : index
    %get3A_75 = vector.load %arg3[%get3A_73, %get3A_74] : memref<1000x256xf32, #tpu.memory_space<vmem>>, vector<1000x64xf32>
    %add3A_76 = arith.addf %add3A_72, %get3A_75 : vector<1000x64xf32>
    %add3A_77 = arith.addf %slice3A_27, %add3A_76 : vector<1000x64xf32>
    %get3A_78 = arith.constant 0 : index
    %get3A_79 = arith.constant 0 : index
    %get3A_80 = arith.constant 0 : index
    %get3A_81 = vector.load %arg11[%get3A_78, %get3A_79, %get3A_80] : memref<2x64x32xf32, #tpu.memory_space<vmem>>, vector<1x64x32xf32>
    %get3A_82 = vector.shape_cast %get3A_81 : vector<1x64x32xf32> to vector<64x32xf32>
    %dot_general3A_83 = arith.constant dense<0.000000e+00> : vector<1000x32xf32>
    %dot_general3A_84 = tpu.matmul %add3A_77, %get3A_82, %dot_general3A_83 {dimension_numbers = #tpu.dot_dimension_numbers<[1], [0], [0], [1], [0, 0, 1, 1], [], []>, transpose_lhs_hint = false} : vector<1000x64xf32>, vector<64x32xf32>, vector<1000x32xf32> -> vector<1000x32xf32>
    %get3A_85 = arith.constant 0 : index
    %get3A_86 = arith.constant 0 : index
    %get3A_87 = vector.load %arg4[%get3A_85, %get3A_86] : memref<1000x128xf32, #tpu.memory_space<vmem>>, vector<1000x32xf32>
    %add3A_88 = arith.addf %dot_general3A_84, %get3A_87 : vector<1000x32xf32>
    %get3A_89 = arith.constant 0 : index
    %get3A_90 = arith.constant 0 : index
    %get3A_91 = arith.constant 0 : index
    %get3A_92 = vector.load %arg12[%get3A_89, %get3A_90, %get3A_91] : memref<2x64x32xf32, #tpu.memory_space<vmem>>, vector<1x64x32xf32>
    %get3A_93 = vector.shape_cast %get3A_92 : vector<1x64x32xf32> to vector<64x32xf32>
    %dot_general3A_94 = arith.constant dense<0.000000e+00> : vector<1000x32xf32>
    %dot_general3A_95 = tpu.matmul %add3A_77, %get3A_93, %dot_general3A_94 {dimension_numbers = #tpu.dot_dimension_numbers<[1], [0], [0], [1], [0, 0, 1, 1], [], []>, transpose_lhs_hint = false} : vector<1000x64xf32>, vector<64x32xf32>, vector<1000x32xf32> -> vector<1000x32xf32>
    %get3A_96 = arith.constant 0 : index
    %get3A_97 = arith.constant 0 : index
    %get3A_98 = vector.load %arg5[%get3A_96, %get3A_97] : memref<1000x128xf32, #tpu.memory_space<vmem>>, vector<1000x32xf32>
    %add3A_99 = arith.addf %dot_general3A_95, %get3A_98 : vector<1000x32xf32>
    %slice3A_100 = vector.extract_strided_slice %concatenate3A {offsets = [0, 64], sizes = [1000, 64], strides = [1, 1]} : vector<1000x256xf32> to vector<1000x64xf32>
    %slice3A_101 = vector.extract_strided_slice %get3A_26 {offsets = [0, 64], sizes = [1000, 64], strides = [1, 1]} : vector<1000x256xf32> to vector<1000x64xf32>
    %get3A_102 = arith.constant 0 : index
    %get3A_103 = arith.constant 0 : index
    %get3A_104 = arith.constant 0 : index
    %get3A_105 = vector.load %arg6[%get3A_102, %get3A_103, %get3A_104] : memref<2x64x64xf32, #tpu.memory_space<vmem>>, vector<1x64x64xf32>
    %get3A_106 = vector.shape_cast %get3A_105 : vector<1x64x64xf32> to vector<64x64xf32>
    %dot_general3A_107 = arith.constant dense<0.000000e+00> : vector<1000x64xf32>
    %dot_general3A_108 = tpu.matmul %slice3A_100, %get3A_106, %dot_general3A_107 {dimension_numbers = #tpu.dot_dimension_numbers<[1], [0], [0], [1], [0, 0, 1, 1], [], []>, transpose_lhs_hint = false} : vector<1000x64xf32>, vector<64x64xf32>, vector<1000x64xf32> -> vector<1000x64xf32>
    %get3A_109 = arith.constant 0 : index
    %get3A_110 = arith.constant 0 : index
    %get3A_111 = arith.constant 0 : index
    %get3A_112 = vector.load %arg7[%get3A_109, %get3A_110, %get3A_111] : memref<2x64x64xf32, #tpu.memory_space<vmem>>, vector<1x64x64xf32>
    %get3A_113 = vector.shape_cast %get3A_112 : vector<1x64x64xf32> to vector<64x64xf32>
    %dot_general3A_114 = arith.constant dense<0.000000e+00> : vector<1000x64xf32>
    %dot_general3A_115 = tpu.matmul %slice3A_101, %get3A_113, %dot_general3A_114 {dimension_numbers = #tpu.dot_dimension_numbers<[1], [0], [0], [1], [0, 0, 1, 1], [], []>, transpose_lhs_hint = false} : vector<1000x64xf32>, vector<64x64xf32>, vector<1000x64xf32> -> vector<1000x64xf32>
    %add3A_116 = arith.addf %dot_general3A_108, %dot_general3A_115 : vector<1000x64xf32>
    %get3A_117 = arith.constant 0 : index
    %get3A_118 = arith.constant 64 : index
    %get3A_119 = vector.load %arg2[%get3A_117, %get3A_118] : memref<1000x256xf32, #tpu.memory_space<vmem>>, vector<1000x64xf32>
    %add3A_120 = arith.addf %add3A_116, %get3A_119 : vector<1000x64xf32>
    %logistic3A_121 = arith.negf %add3A_120 : vector<1000x64xf32>
    %logistic3A_122 = math.exp %logistic3A_121 : vector<1000x64xf32>
    %logistic3A_123 = arith.constant 1.000000e+00 : f32
    %logistic3A_124 = vector.broadcast %logistic3A_123 : f32 to vector<1000x64xf32>
    %logistic3A_125 = arith.addf %logistic3A_124, %logistic3A_122 : vector<1000x64xf32>
    %logistic3A_126 = arith.divf %logistic3A_124, %logistic3A_125 : vector<1000x64xf32>
    %mul3A_127 = arith.mulf %add3A_120, %logistic3A_126 : vector<1000x64xf32>
    %get3A_128 = arith.constant 0 : index
    %get3A_129 = arith.constant 0 : index
    %get3A_130 = arith.constant 0 : index
    %get3A_131 = vector.load %arg8[%get3A_128, %get3A_129, %get3A_130] : memref<2x64x64xf32, #tpu.memory_space<vmem>>, vector<1x64x64xf32>
    %get3A_132 = vector.shape_cast %get3A_131 : vector<1x64x64xf32> to vector<64x64xf32>
    %dot_general3A_133 = arith.constant dense<0.000000e+00> : vector<1000x64xf32>
    %dot_general3A_134 = tpu.matmul %mul3A_127, %get3A_132, %dot_general3A_133 {dimension_numbers = #tpu.dot_dimension_numbers<[1], [0], [0], [1], [0, 0, 1, 1], [], []>, transpose_lhs_hint = false} : vector<1000x64xf32>, vector<64x64xf32>, vector<1000x64xf32> -> vector<1000x64xf32>
    %get3A_135 = arith.constant 0 : index
    %get3A_136 = arith.constant 0 : index
    %get3A_137 = arith.constant 0 : index
    %get3A_138 = vector.load %arg9[%get3A_135, %get3A_136, %get3A_137] : memref<2x1x64xf32, #tpu.memory_space<vmem>>, vector<1x1x64xf32>
    %get3A_139 = vector.shape_cast %get3A_138 : vector<1x1x64xf32> to vector<1x64xf32>
    %add3A_140 = vector.broadcast %get3A_139 : vector<1x64xf32> to vector<1000x64xf32>
    %add3A_141 = arith.addf %dot_general3A_134, %add3A_140 : vector<1000x64xf32>
    %get3A_142 = arith.constant 0 : index
    %get3A_143 = arith.constant 0 : index
    %get3A_144 = arith.constant 0 : index
    %get3A_145 = vector.load %arg10[%get3A_142, %get3A_143, %get3A_144] : memref<2x64x64xf32, #tpu.memory_space<vmem>>, vector<1x64x64xf32>
    %get3A_146 = vector.shape_cast %get3A_145 : vector<1x64x64xf32> to vector<64x64xf32>
    %dot_general3A_147 = arith.constant dense<0.000000e+00> : vector<1000x64xf32>
    %dot_general3A_148 = tpu.matmul %slice3A_101, %get3A_146, %dot_general3A_147 {dimension_numbers = #tpu.dot_dimension_numbers<[1], [0], [0], [1], [0, 0, 1, 1], [], []>, transpose_lhs_hint = false} : vector<1000x64xf32>, vector<64x64xf32>, vector<1000x64xf32> -> vector<1000x64xf32>
    %add3A_149 = arith.addf %add3A_141, %dot_general3A_148 : vector<1000x64xf32>
    %get3A_150 = arith.constant 0 : index
    %get3A_151 = arith.constant 64 : index
    %get3A_152 = vector.load %arg3[%get3A_150, %get3A_151] : memref<1000x256xf32, #tpu.memory_space<vmem>>, vector<1000x64xf32>
    %add3A_153 = arith.addf %add3A_149, %get3A_152 : vector<1000x64xf32>
    %add3A_154 = arith.addf %slice3A_101, %add3A_153 : vector<1000x64xf32>
    %get3A_155 = arith.constant 0 : index
    %get3A_156 = arith.constant 0 : index
    %get3A_157 = arith.constant 0 : index
    %get3A_158 = vector.load %arg11[%get3A_155, %get3A_156, %get3A_157] : memref<2x64x32xf32, #tpu.memory_space<vmem>>, vector<1x64x32xf32>
    %get3A_159 = vector.shape_cast %get3A_158 : vector<1x64x32xf32> to vector<64x32xf32>
    %dot_general3A_160 = arith.constant dense<0.000000e+00> : vector<1000x32xf32>
    %dot_general3A_161 = tpu.matmul %add3A_154, %get3A_159, %dot_general3A_160 {dimension_numbers = #tpu.dot_dimension_numbers<[1], [0], [0], [1], [0, 0, 1, 1], [], []>, transpose_lhs_hint = false} : vector<1000x64xf32>, vector<64x32xf32>, vector<1000x32xf32> -> vector<1000x32xf32>
    %get3A_162 = arith.constant 0 : index
    %get3A_163 = arith.constant 32 : index
    %get3A_164 = vector.load %arg4[%get3A_162, %get3A_163] : memref<1000x128xf32, #tpu.memory_space<vmem>>, vector<1000x32xf32>
    %add3A_165 = arith.addf %dot_general3A_161, %get3A_164 : vector<1000x32xf32>
    %get3A_166 = arith.constant 0 : index
    %get3A_167 = arith.constant 0 : index
    %get3A_168 = arith.constant 0 : index
    %get3A_169 = vector.load %arg12[%get3A_166, %get3A_167, %get3A_168] : memref<2x64x32xf32, #tpu.memory_space<vmem>>, vector<1x64x32xf32>
    %get3A_170 = vector.shape_cast %get3A_169 : vector<1x64x32xf32> to vector<64x32xf32>
    %dot_general3A_171 = arith.constant dense<0.000000e+00> : vector<1000x32xf32>
    %dot_general3A_172 = tpu.matmul %add3A_154, %get3A_170, %dot_general3A_171 {dimension_numbers = #tpu.dot_dimension_numbers<[1], [0], [0], [1], [0, 0, 1, 1], [], []>, transpose_lhs_hint = false} : vector<1000x64xf32>, vector<64x32xf32>, vector<1000x32xf32> -> vector<1000x32xf32>
    %get3A_173 = arith.constant 0 : index
    %get3A_174 = arith.constant 32 : index
    %get3A_175 = vector.load %arg5[%get3A_173, %get3A_174] : memref<1000x128xf32, #tpu.memory_space<vmem>>, vector<1000x32xf32>
    %add3A_176 = arith.addf %dot_general3A_172, %get3A_175 : vector<1000x32xf32>
    %slice3A_177 = vector.extract_strided_slice %concatenate3A {offsets = [0, 128], sizes = [1000, 64], strides = [1, 1]} : vector<1000x256xf32> to vector<1000x64xf32>
    %slice3A_178 = vector.extract_strided_slice %get3A_26 {offsets = [0, 128], sizes = [1000, 64], strides = [1, 1]} : vector<1000x256xf32> to vector<1000x64xf32>
    %get3A_179 = arith.constant 1 : index
    %get3A_180 = arith.constant 0 : index
    %get3A_181 = arith.constant 0 : index
    %get3A_182 = vector.load %arg6[%get3A_179, %get3A_180, %get3A_181] : memref<2x64x64xf32, #tpu.memory_space<vmem>>, vector<1x64x64xf32>
    %get3A_183 = vector.shape_cast %get3A_182 : vector<1x64x64xf32> to vector<64x64xf32>
    %dot_general3A_184 = arith.constant dense<0.000000e+00> : vector<1000x64xf32>
    %dot_general3A_185 = tpu.matmul %slice3A_177, %get3A_183, %dot_general3A_184 {dimension_numbers = #tpu.dot_dimension_numbers<[1], [0], [0], [1], [0, 0, 1, 1], [], []>, transpose_lhs_hint = false} : vector<1000x64xf32>, vector<64x64xf32>, vector<1000x64xf32> -> vector<1000x64xf32>
    %get3A_186 = arith.constant 1 : index
    %get3A_187 = arith.constant 0 : index
    %get3A_188 = arith.constant 0 : index
    %get3A_189 = vector.load %arg7[%get3A_186, %get3A_187, %get3A_188] : memref<2x64x64xf32, #tpu.memory_space<vmem>>, vector<1x64x64xf32>
    %get3A_190 = vector.shape_cast %get3A_189 : vector<1x64x64xf32> to vector<64x64xf32>
    %dot_general3A_191 = arith.constant dense<0.000000e+00> : vector<1000x64xf32>
    %dot_general3A_192 = tpu.matmul %slice3A_178, %get3A_190, %dot_general3A_191 {dimension_numbers = #tpu.dot_dimension_numbers<[1], [0], [0], [1], [0, 0, 1, 1], [], []>, transpose_lhs_hint = false} : vector<1000x64xf32>, vector<64x64xf32>, vector<1000x64xf32> -> vector<1000x64xf32>
    %add3A_193 = arith.addf %dot_general3A_185, %dot_general3A_192 : vector<1000x64xf32>
    %get3A_194 = arith.constant 0 : index
    %get3A_195 = arith.constant 128 : index
    %get3A_196 = vector.load %arg2[%get3A_194, %get3A_195] : memref<1000x256xf32, #tpu.memory_space<vmem>>, vector<1000x64xf32>
    %add3A_197 = arith.addf %add3A_193, %get3A_196 : vector<1000x64xf32>
    %logistic3A_198 = arith.negf %add3A_197 : vector<1000x64xf32>
    %logistic3A_199 = math.exp %logistic3A_198 : vector<1000x64xf32>
    %logistic3A_200 = arith.constant 1.000000e+00 : f32
    %logistic3A_201 = vector.broadcast %logistic3A_200 : f32 to vector<1000x64xf32>
    %logistic3A_202 = arith.addf %logistic3A_201, %logistic3A_199 : vector<1000x64xf32>
    %logistic3A_203 = arith.divf %logistic3A_201, %logistic3A_202 : vector<1000x64xf32>
    %mul3A_204 = arith.mulf %add3A_197, %logistic3A_203 : vector<1000x64xf32>
    %get3A_205 = arith.constant 1 : index
    %get3A_206 = arith.constant 0 : index
    %get3A_207 = arith.constant 0 : index
    %get3A_208 = vector.load %arg8[%get3A_205, %get3A_206, %get3A_207] : memref<2x64x64xf32, #tpu.memory_space<vmem>>, vector<1x64x64xf32>
    %get3A_209 = vector.shape_cast %get3A_208 : vector<1x64x64xf32> to vector<64x64xf32>
    %dot_general3A_210 = arith.constant dense<0.000000e+00> : vector<1000x64xf32>
    %dot_general3A_211 = tpu.matmul %mul3A_204, %get3A_209, %dot_general3A_210 {dimension_numbers = #tpu.dot_dimension_numbers<[1], [0], [0], [1], [0, 0, 1, 1], [], []>, transpose_lhs_hint = false} : vector<1000x64xf32>, vector<64x64xf32>, vector<1000x64xf32> -> vector<1000x64xf32>
    %get3A_212 = arith.constant 1 : index
    %get3A_213 = arith.constant 0 : index
    %get3A_214 = arith.constant 0 : index
    %get3A_215 = vector.load %arg9[%get3A_212, %get3A_213, %get3A_214] : memref<2x1x64xf32, #tpu.memory_space<vmem>>, vector<1x1x64xf32>
    %get3A_216 = vector.shape_cast %get3A_215 : vector<1x1x64xf32> to vector<1x64xf32>
    %add3A_217 = vector.broadcast %get3A_216 : vector<1x64xf32> to vector<1000x64xf32>
    %add3A_218 = arith.addf %dot_general3A_211, %add3A_217 : vector<1000x64xf32>
    %get3A_219 = arith.constant 1 : index
    %get3A_220 = arith.constant 0 : index
    %get3A_221 = arith.constant 0 : index
    %get3A_222 = vector.load %arg10[%get3A_219, %get3A_220, %get3A_221] : memref<2x64x64xf32, #tpu.memory_space<vmem>>, vector<1x64x64xf32>
    %get3A_223 = vector.shape_cast %get3A_222 : vector<1x64x64xf32> to vector<64x64xf32>
    %dot_general3A_224 = arith.constant dense<0.000000e+00> : vector<1000x64xf32>
    %dot_general3A_225 = tpu.matmul %slice3A_178, %get3A_223, %dot_general3A_224 {dimension_numbers = #tpu.dot_dimension_numbers<[1], [0], [0], [1], [0, 0, 1, 1], [], []>, transpose_lhs_hint = false} : vector<1000x64xf32>, vector<64x64xf32>, vector<1000x64xf32> -> vector<1000x64xf32>
    %add3A_226 = arith.addf %add3A_218, %dot_general3A_225 : vector<1000x64xf32>
    %get3A_227 = arith.constant 0 : index
    %get3A_228 = arith.constant 128 : index
    %get3A_229 = vector.load %arg3[%get3A_227, %get3A_228] : memref<1000x256xf32, #tpu.memory_space<vmem>>, vector<1000x64xf32>
    %add3A_230 = arith.addf %add3A_226, %get3A_229 : vector<1000x64xf32>
    %add3A_231 = arith.addf %slice3A_178, %add3A_230 : vector<1000x64xf32>
    %get3A_232 = arith.constant 1 : index
    %get3A_233 = arith.constant 0 : index
    %get3A_234 = arith.constant 0 : index
    %get3A_235 = vector.load %arg11[%get3A_232, %get3A_233, %get3A_234] : memref<2x64x32xf32, #tpu.memory_space<vmem>>, vector<1x64x32xf32>
    %get3A_236 = vector.shape_cast %get3A_235 : vector<1x64x32xf32> to vector<64x32xf32>
    %dot_general3A_237 = arith.constant dense<0.000000e+00> : vector<1000x32xf32>
    %dot_general3A_238 = tpu.matmul %add3A_231, %get3A_236, %dot_general3A_237 {dimension_numbers = #tpu.dot_dimension_numbers<[1], [0], [0], [1], [0, 0, 1, 1], [], []>, transpose_lhs_hint = false} : vector<1000x64xf32>, vector<64x32xf32>, vector<1000x32xf32> -> vector<1000x32xf32>
    %get3A_239 = arith.constant 0 : index
    %get3A_240 = arith.constant 64 : index
    %get3A_241 = vector.load %arg4[%get3A_239, %get3A_240] : memref<1000x128xf32, #tpu.memory_space<vmem>>, vector<1000x32xf32>
    %add3A_242 = arith.addf %dot_general3A_238, %get3A_241 : vector<1000x32xf32>
    %get3A_243 = arith.constant 1 : index
    %get3A_244 = arith.constant 0 : index
    %get3A_245 = arith.constant 0 : index
    %get3A_246 = vector.load %arg12[%get3A_243, %get3A_244, %get3A_245] : memref<2x64x32xf32, #tpu.memory_space<vmem>>, vector<1x64x32xf32>
    %get3A_247 = vector.shape_cast %get3A_246 : vector<1x64x32xf32> to vector<64x32xf32>
    %dot_general3A_248 = arith.constant dense<0.000000e+00> : vector<1000x32xf32>
    %dot_general3A_249 = tpu.matmul %add3A_231, %get3A_247, %dot_general3A_248 {dimension_numbers = #tpu.dot_dimension_numbers<[1], [0], [0], [1], [0, 0, 1, 1], [], []>, transpose_lhs_hint = false} : vector<1000x64xf32>, vector<64x32xf32>, vector<1000x32xf32> -> vector<1000x32xf32>
    %get3A_250 = arith.constant 0 : index
    %get3A_251 = arith.constant 64 : index
    %get3A_252 = vector.load %arg5[%get3A_250, %get3A_251] : memref<1000x128xf32, #tpu.memory_space<vmem>>, vector<1000x32xf32>
    %add3A_253 = arith.addf %dot_general3A_249, %get3A_252 : vector<1000x32xf32>
    %slice3A_254 = vector.extract_strided_slice %concatenate3A {offsets = [0, 192], sizes = [1000, 64], strides = [1, 1]} : vector<1000x256xf32> to vector<1000x64xf32>
    %slice3A_255 = vector.extract_strided_slice %get3A_26 {offsets = [0, 192], sizes = [1000, 64], strides = [1, 1]} : vector<1000x256xf32> to vector<1000x64xf32>
    %get3A_256 = arith.constant 1 : index
    %get3A_257 = arith.constant 0 : index
    %get3A_258 = arith.constant 0 : index
    %get3A_259 = vector.load %arg6[%get3A_256, %get3A_257, %get3A_258] : memref<2x64x64xf32, #tpu.memory_space<vmem>>, vector<1x64x64xf32>
    %get3A_260 = vector.shape_cast %get3A_259 : vector<1x64x64xf32> to vector<64x64xf32>
    %dot_general3A_261 = arith.constant dense<0.000000e+00> : vector<1000x64xf32>
    %dot_general3A_262 = tpu.matmul %slice3A_254, %get3A_260, %dot_general3A_261 {dimension_numbers = #tpu.dot_dimension_numbers<[1], [0], [0], [1], [0, 0, 1, 1], [], []>, transpose_lhs_hint = false} : vector<1000x64xf32>, vector<64x64xf32>, vector<1000x64xf32> -> vector<1000x64xf32>
    %get3A_263 = arith.constant 1 : index
    %get3A_264 = arith.constant 0 : index
    %get3A_265 = arith.constant 0 : index
    %get3A_266 = vector.load %arg7[%get3A_263, %get3A_264, %get3A_265] : memref<2x64x64xf32, #tpu.memory_space<vmem>>, vector<1x64x64xf32>
    %get3A_267 = vector.shape_cast %get3A_266 : vector<1x64x64xf32> to vector<64x64xf32>
    %dot_general3A_268 = arith.constant dense<0.000000e+00> : vector<1000x64xf32>
    %dot_general3A_269 = tpu.matmul %slice3A_255, %get3A_267, %dot_general3A_268 {dimension_numbers = #tpu.dot_dimension_numbers<[1], [0], [0], [1], [0, 0, 1, 1], [], []>, transpose_lhs_hint = false} : vector<1000x64xf32>, vector<64x64xf32>, vector<1000x64xf32> -> vector<1000x64xf32>
    %add3A_270 = arith.addf %dot_general3A_262, %dot_general3A_269 : vector<1000x64xf32>
    %get3A_271 = arith.constant 0 : index
    %get3A_272 = arith.constant 192 : index
    %get3A_273 = vector.load %arg2[%get3A_271, %get3A_272] : memref<1000x256xf32, #tpu.memory_space<vmem>>, vector<1000x64xf32>
    %add3A_274 = arith.addf %add3A_270, %get3A_273 : vector<1000x64xf32>
    %logistic3A_275 = arith.negf %add3A_274 : vector<1000x64xf32>
    %logistic3A_276 = math.exp %logistic3A_275 : vector<1000x64xf32>
    %logistic3A_277 = arith.constant 1.000000e+00 : f32
    %logistic3A_278 = vector.broadcast %logistic3A_277 : f32 to vector<1000x64xf32>
    %logistic3A_279 = arith.addf %logistic3A_278, %logistic3A_276 : vector<1000x64xf32>
    %logistic3A_280 = arith.divf %logistic3A_278, %logistic3A_279 : vector<1000x64xf32>
    %mul3A_281 = arith.mulf %add3A_274, %logistic3A_280 : vector<1000x64xf32>
    %get3A_282 = arith.constant 1 : index
    %get3A_283 = arith.constant 0 : index
    %get3A_284 = arith.constant 0 : index
    %get3A_285 = vector.load %arg8[%get3A_282, %get3A_283, %get3A_284] : memref<2x64x64xf32, #tpu.memory_space<vmem>>, vector<1x64x64xf32>
    %get3A_286 = vector.shape_cast %get3A_285 : vector<1x64x64xf32> to vector<64x64xf32>
    %dot_general3A_287 = arith.constant dense<0.000000e+00> : vector<1000x64xf32>
    %dot_general3A_288 = tpu.matmul %mul3A_281, %get3A_286, %dot_general3A_287 {dimension_numbers = #tpu.dot_dimension_numbers<[1], [0], [0], [1], [0, 0, 1, 1], [], []>, transpose_lhs_hint = false} : vector<1000x64xf32>, vector<64x64xf32>, vector<1000x64xf32> -> vector<1000x64xf32>
    %get3A_289 = arith.constant 1 : index
    %get3A_290 = arith.constant 0 : index
    %get3A_291 = arith.constant 0 : index
    %get3A_292 = vector.load %arg9[%get3A_289, %get3A_290, %get3A_291] : memref<2x1x64xf32, #tpu.memory_space<vmem>>, vector<1x1x64xf32>
    %get3A_293 = vector.shape_cast %get3A_292 : vector<1x1x64xf32> to vector<1x64xf32>
    %add3A_294 = vector.broadcast %get3A_293 : vector<1x64xf32> to vector<1000x64xf32>
    %add3A_295 = arith.addf %dot_general3A_288, %add3A_294 : vector<1000x64xf32>
    %get3A_296 = arith.constant 1 : index
    %get3A_297 = arith.constant 0 : index
    %get3A_298 = arith.constant 0 : index
    %get3A_299 = vector.load %arg10[%get3A_296, %get3A_297, %get3A_298] : memref<2x64x64xf32, #tpu.memory_space<vmem>>, vector<1x64x64xf32>
    %get3A_300 = vector.shape_cast %get3A_299 : vector<1x64x64xf32> to vector<64x64xf32>
    %dot_general3A_301 = arith.constant dense<0.000000e+00> : vector<1000x64xf32>
    %dot_general3A_302 = tpu.matmul %slice3A_255, %get3A_300, %dot_general3A_301 {dimension_numbers = #tpu.dot_dimension_numbers<[1], [0], [0], [1], [0, 0, 1, 1], [], []>, transpose_lhs_hint = false} : vector<1000x64xf32>, vector<64x64xf32>, vector<1000x64xf32> -> vector<1000x64xf32>
    %add3A_303 = arith.addf %add3A_295, %dot_general3A_302 : vector<1000x64xf32>
    %get3A_304 = arith.constant 0 : index
    %get3A_305 = arith.constant 192 : index
    %get3A_306 = vector.load %arg3[%get3A_304, %get3A_305] : memref<1000x256xf32, #tpu.memory_space<vmem>>, vector<1000x64xf32>
    %add3A_307 = arith.addf %add3A_303, %get3A_306 : vector<1000x64xf32>
    %add3A_308 = arith.addf %slice3A_255, %add3A_307 : vector<1000x64xf32>
    %get3A_309 = arith.constant 1 : index
    %get3A_310 = arith.constant 0 : index
    %get3A_311 = arith.constant 0 : index
    %get3A_312 = vector.load %arg11[%get3A_309, %get3A_310, %get3A_311] : memref<2x64x32xf32, #tpu.memory_space<vmem>>, vector<1x64x32xf32>
    %get3A_313 = vector.shape_cast %get3A_312 : vector<1x64x32xf32> to vector<64x32xf32>
    %dot_general3A_314 = arith.constant dense<0.000000e+00> : vector<1000x32xf32>
    %dot_general3A_315 = tpu.matmul %add3A_308, %get3A_313, %dot_general3A_314 {dimension_numbers = #tpu.dot_dimension_numbers<[1], [0], [0], [1], [0, 0, 1, 1], [], []>, transpose_lhs_hint = false} : vector<1000x64xf32>, vector<64x32xf32>, vector<1000x32xf32> -> vector<1000x32xf32>
    %get3A_316 = arith.constant 0 : index
    %get3A_317 = arith.constant 96 : index
    %get3A_318 = vector.load %arg4[%get3A_316, %get3A_317] : memref<1000x128xf32, #tpu.memory_space<vmem>>, vector<1000x32xf32>
    %add3A_319 = arith.addf %dot_general3A_315, %get3A_318 : vector<1000x32xf32>
    %get3A_320 = arith.constant 1 : index
    %get3A_321 = arith.constant 0 : index
    %get3A_322 = arith.constant 0 : index
    %get3A_323 = vector.load %arg12[%get3A_320, %get3A_321, %get3A_322] : memref<2x64x32xf32, #tpu.memory_space<vmem>>, vector<1x64x32xf32>
    %get3A_324 = vector.shape_cast %get3A_323 : vector<1x64x32xf32> to vector<64x32xf32>
    %dot_general3A_325 = arith.constant dense<0.000000e+00> : vector<1000x32xf32>
    %dot_general3A_326 = tpu.matmul %add3A_308, %get3A_324, %dot_general3A_325 {dimension_numbers = #tpu.dot_dimension_numbers<[1], [0], [0], [1], [0, 0, 1, 1], [], []>, transpose_lhs_hint = false} : vector<1000x64xf32>, vector<64x32xf32>, vector<1000x32xf32> -> vector<1000x32xf32>
    %get3A_327 = arith.constant 0 : index
    %get3A_328 = arith.constant 96 : index
    %get3A_329 = vector.load %arg5[%get3A_327, %get3A_328] : memref<1000x128xf32, #tpu.memory_space<vmem>>, vector<1000x32xf32>
    %add3A_330 = arith.addf %dot_general3A_326, %get3A_329 : vector<1000x32xf32>
    %concatenate3A_331 = tpu.concatenate %add3A_77, %add3A_154, %add3A_231, %add3A_308 in 1 : vector<1000x64xf32>, vector<1000x64xf32>, vector<1000x64xf32>, vector<1000x64xf32> -> vector<1000x256xf32>
    %swap3A = arith.constant 0 : index
    %swap3A_332 = arith.constant 0 : index
    %swap3A_333 = vector.load %arg13[%swap3A, %swap3A_332] : memref<1000x256xf32, #tpu.memory_space<vmem>>, vector<1000x256xf32>
    tpu.vector_store %arg13[%swap3A, %swap3A_332], %concatenate3A_331 {strides = array<i32>} : memref<1000x256xf32, #tpu.memory_space<vmem>>, vector<1000x256xf32>,
    %concatenate3A_334 = tpu.concatenate %add3A_88, %add3A_165, %add3A_242, %add3A_319 in 1 : vector<1000x32xf32>, vector<1000x32xf32>, vector<1000x32xf32>, vector<1000x32xf32> -> vector<1000x128xf32>
    %swap3A_335 = arith.constant 0 : index
    %swap3A_336 = arith.constant 0 : index
    %swap3A_337 = vector.load %arg14[%swap3A_335, %swap3A_336] : memref<1000x128xf32, #tpu.memory_space<vmem>>, vector<1000x128xf32>
    tpu.vector_store %arg14[%swap3A_335, %swap3A_336], %concatenate3A_334 {strides = array<i32>} : memref<1000x128xf32, #tpu.memory_space<vmem>>, vector<1000x128xf32>,
    %concatenate3A_338 = tpu.concatenate %add3A_99, %add3A_176, %add3A_253, %add3A_330 in 1 : vector<1000x32xf32>, vector<1000x32xf32>, vector<1000x32xf32>, vector<1000x32xf32> -> vector<1000x128xf32>
    %swap3A_339 = arith.constant 0 : index
    %swap3A_340 = arith.constant 0 : index
    %swap3A_341 = vector.load %arg15[%swap3A_339, %swap3A_340] : memref<1000x128xf32, #tpu.memory_space<vmem>>, vector<1000x128xf32>
    tpu.vector_store %arg15[%swap3A_339, %swap3A_340], %concatenate3A_338 {strides = array<i32>} : memref<1000x128xf32, #tpu.memory_space<vmem>>, vector<1000x128xf32>,
    return
  }
}

module attributes {stable_mosaic.version = 14 : i64} {
  func.func @_temporal_body(%arg0: i32, %arg1: memref<250x8x128xf32, #tpu.memory_space<vmem>>, %arg2: memref<250x8x8xf32, #tpu.memory_space<vmem>>, %arg3: memref<8x128xf32, #tpu.memory_space<vmem>>, %arg4: memref<1x128xf32, #tpu.memory_space<vmem>>, %arg5: memref<1x128xf32, #tpu.memory_space<vmem>>, %arg6: memref<1x128xf32, #tpu.memory_space<vmem>>, %arg7: memref<128x384xf32, #tpu.memory_space<vmem>>, %arg8: memref<1x384xf32, #tpu.memory_space<vmem>>, %arg9: memref<128x128xf32, #tpu.memory_space<vmem>>, %arg10: memref<1x128xf32, #tpu.memory_space<vmem>>, %arg11: memref<128x128xf32, #tpu.memory_space<vmem>>, %arg12: memref<1x128xf32, #tpu.memory_space<vmem>>, %arg13: memref<250x8x128xf32, #tpu.memory_space<vmem>>) attributes {dimension_semantics = [#tpu.dimension_semantics<arbitrary>], iteration_bounds = array<i64: 8>, scalar_prefetch = 0 : i64, scratch_operands = 0 : i64, tpu.core_type = #tpu.core_type<tc>, window_params = [{transform_indices = @transform_0, window_bounds = array<i64: 250, 8, 128>}, {transform_indices = @transform_1, window_bounds = array<i64: 250, 8, 8>}, {pipeline_mode = #tpu.pipeline_mode<synchronous>, transform_indices = @transform_2, window_bounds = array<i64: 8, 128>}, {pipeline_mode = #tpu.pipeline_mode<synchronous>, transform_indices = @transform_3, window_bounds = array<i64: 1, 128>}, {pipeline_mode = #tpu.pipeline_mode<synchronous>, transform_indices = @transform_4, window_bounds = array<i64: 1, 128>}, {pipeline_mode = #tpu.pipeline_mode<synchronous>, transform_indices = @transform_5, window_bounds = array<i64: 1, 128>}, {pipeline_mode = #tpu.pipeline_mode<synchronous>, transform_indices = @transform_6, window_bounds = array<i64: 128, 384>}, {pipeline_mode = #tpu.pipeline_mode<synchronous>, transform_indices = @transform_7, window_bounds = array<i64: 1, 384>}, {pipeline_mode = #tpu.pipeline_mode<synchronous>, transform_indices = @transform_8, window_bounds = array<i64: 128, 128>}, {pipeline_mode = #tpu.pipeline_mode<synchronous>, transform_indices = @transform_9, window_bounds = array<i64: 1, 128>}, {pipeline_mode = #tpu.pipeline_mode<synchronous>, transform_indices = @transform_10, window_bounds = array<i64: 128, 128>}, {pipeline_mode = #tpu.pipeline_mode<synchronous>, transform_indices = @transform_11, window_bounds = array<i64: 1, 128>}, {transform_indices = @transform_12, window_bounds = array<i64: 250, 8, 128>}]} {
    %get3A = arith.constant 0 : index
    %get3A_0 = arith.constant 0 : index
    %get3A_1 = arith.constant 0 : index
    %get3A_2 = vector.load %arg1[%get3A, %get3A_0, %get3A_1] : memref<250x8x128xf32, #tpu.memory_space<vmem>>, vector<250x8x128xf32>
    %reshape3A = vector.shape_cast %get3A_2 : vector<250x8x128xf32> to vector<2000x128xf32>
    %get3A_3 = arith.constant 0 : index
    %get3A_4 = arith.constant 0 : index
    %get3A_5 = arith.constant 0 : index
    %get3A_6 = vector.load %arg2[%get3A_3, %get3A_4, %get3A_5] : memref<250x8x8xf32, #tpu.memory_space<vmem>>, vector<250x8x8xf32>
    %reshape3A_7 = vector.shape_cast %get3A_6 : vector<250x8x8xf32> to vector<2000x8xf32>
    %get3A_8 = arith.constant 0 : index
    %get3A_9 = arith.constant 0 : index
    %get3A_10 = vector.load %arg3[%get3A_8, %get3A_9] : memref<8x128xf32, #tpu.memory_space<vmem>>, vector<8x128xf32>
    %dot_general3A = arith.constant dense<0.000000e+00> : vector<2000x128xf32>
    %dot_general3A_11 = tpu.matmul %reshape3A_7, %get3A_10, %dot_general3A {dimension_numbers = #tpu.dot_dimension_numbers<[1], [0], [0], [1], [0, 0, 1, 1], [], []>, transpose_lhs_hint = false} : vector<2000x8xf32>, vector<8x128xf32>, vector<2000x128xf32> -> vector<2000x128xf32>
    %get3A_12 = arith.constant 0 : index
    %get3A_13 = arith.constant 0 : index
    %get3A_14 = vector.load %arg4[%get3A_12, %get3A_13] : memref<1x128xf32, #tpu.memory_space<vmem>>, vector<1x128xf32>
    %add3A = vector.broadcast %get3A_14 : vector<1x128xf32> to vector<2000x128xf32>
    %add3A_15 = arith.addf %dot_general3A_11, %add3A : vector<2000x128xf32>
    %add3A_16 = arith.addf %reshape3A, %add3A_15 : vector<2000x128xf32>
    %reduce_sum3A = arith.constant dense<0.000000e+00> : vector<2000xf32>
    %reduce_sum3A_17 = vector.multi_reduction <add>, %add3A_16, %reduce_sum3A [1] : vector<2000x128xf32> to vector<2000xf32>
    %broadcast_in_dim3A = vector.shape_cast %reduce_sum3A_17 : vector<2000xf32> to vector<2000x1xf32>
    %div3A = arith.constant 1.280000e+02 : f32
    %div3A_18 = vector.broadcast %div3A : f32 to vector<2000x1xf32>
    %div3A_19 = arith.divf %broadcast_in_dim3A, %div3A_18 : vector<2000x1xf32>
    %sub3A = vector.broadcast %div3A_19 : vector<2000x1xf32> to vector<2000x128xf32>
    %sub3A_20 = arith.subf %add3A_16, %sub3A : vector<2000x128xf32>
    %integer_pow3A = arith.mulf %sub3A_20, %sub3A_20 : vector<2000x128xf32>
    %reduce_sum3A_21 = arith.constant dense<0.000000e+00> : vector<2000xf32>
    %reduce_sum3A_22 = vector.multi_reduction <add>, %integer_pow3A, %reduce_sum3A_21 [1] : vector<2000x128xf32> to vector<2000xf32>
    %broadcast_in_dim3A_23 = vector.shape_cast %reduce_sum3A_22 : vector<2000xf32> to vector<2000x1xf32>
    %div3A_24 = arith.constant 1.280000e+02 : f32
    %div3A_25 = vector.broadcast %div3A_24 : f32 to vector<2000x1xf32>
    %div3A_26 = arith.divf %broadcast_in_dim3A_23, %div3A_25 : vector<2000x1xf32>
    %sqrt3A = math.sqrt %div3A_26 : vector<2000x1xf32>
    %jit3A = arith.constant 9.99999993E-9 : f32
    %jit3A_27 = arith.constant 9.99999998E+18 : f32
    %max3A = vector.broadcast %jit3A : f32 to vector<2000x1xf32>
    %max3A_28 = arith.maximumf %max3A, %sqrt3A : vector<2000x1xf32>
    %min3A = vector.broadcast %jit3A_27 : f32 to vector<2000x1xf32>
    %min3A_29 = arith.minimumf %min3A, %max3A_28 : vector<2000x1xf32>
    %sub3A_30 = vector.broadcast %div3A_19 : vector<2000x1xf32> to vector<2000x128xf32>
    %sub3A_31 = arith.subf %add3A_16, %sub3A_30 : vector<2000x128xf32>
    %add3A_32 = arith.constant 9.99999974E-5 : f32
    %add3A_33 = vector.broadcast %add3A_32 : f32 to vector<2000x1xf32>
    %add3A_34 = arith.addf %min3A_29, %add3A_33 : vector<2000x1xf32>
    %div3A_35 = vector.broadcast %add3A_34 : vector<2000x1xf32> to vector<2000x128xf32>
    %div3A_36 = arith.divf %sub3A_31, %div3A_35 : vector<2000x128xf32>
    %get3A_37 = arith.constant 0 : index
    %get3A_38 = arith.constant 0 : index
    %get3A_39 = vector.load %arg5[%get3A_37, %get3A_38] : memref<1x128xf32, #tpu.memory_space<vmem>>, vector<1x128xf32>
    %mul3A = vector.broadcast %get3A_39 : vector<1x128xf32> to vector<2000x128xf32>
    %mul3A_40 = arith.mulf %div3A_36, %mul3A : vector<2000x128xf32>
    %get3A_41 = arith.constant 0 : index
    %get3A_42 = arith.constant 0 : index
    %get3A_43 = vector.load %arg6[%get3A_41, %get3A_42] : memref<1x128xf32, #tpu.memory_space<vmem>>, vector<1x128xf32>
    %add3A_44 = vector.broadcast %get3A_43 : vector<1x128xf32> to vector<2000x128xf32>
    %add3A_45 = arith.addf %mul3A_40, %add3A_44 : vector<2000x128xf32>
    %get3A_46 = arith.constant 0 : index
    %get3A_47 = arith.constant 0 : index
    %get3A_48 = vector.load %arg7[%get3A_46, %get3A_47] : memref<128x384xf32, #tpu.memory_space<vmem>>, vector<128x384xf32>
    %dot_general3A_49 = arith.constant dense<0.000000e+00> : vector<2000x384xf32>
    %dot_general3A_50 = tpu.matmul %add3A_45, %get3A_48, %dot_general3A_49 {dimension_numbers = #tpu.dot_dimension_numbers<[1], [0], [0], [1], [0, 0, 1, 1], [], []>, transpose_lhs_hint = false} : vector<2000x128xf32>, vector<128x384xf32>, vector<2000x384xf32> -> vector<2000x384xf32>
    %get3A_51 = arith.constant 0 : index
    %get3A_52 = arith.constant 0 : index
    %get3A_53 = vector.load %arg8[%get3A_51, %get3A_52] : memref<1x384xf32, #tpu.memory_space<vmem>>, vector<1x384xf32>
    %add3A_54 = vector.broadcast %get3A_53 : vector<1x384xf32> to vector<2000x384xf32>
    %add3A_55 = arith.addf %dot_general3A_50, %add3A_54 : vector<2000x384xf32>
    %slice3A = vector.extract_strided_slice %add3A_55 {offsets = [0, 0], sizes = [2000, 128], strides = [1, 1]} : vector<2000x384xf32> to vector<2000x128xf32>
    %slice3A_56 = vector.extract_strided_slice %add3A_55 {offsets = [0, 128], sizes = [2000, 128], strides = [1, 1]} : vector<2000x384xf32> to vector<2000x128xf32>
    %slice3A_57 = vector.extract_strided_slice %add3A_55 {offsets = [0, 256], sizes = [2000, 128], strides = [1, 1]} : vector<2000x384xf32> to vector<2000x128xf32>
    %slice3A_58 = vector.extract_strided_slice %slice3A {offsets = [0, 0], sizes = [2000, 32], strides = [1, 1]} : vector<2000x128xf32> to vector<2000x32xf32>
    %reshape3A_59 = vector.shape_cast %slice3A_58 : vector<2000x32xf32> to vector<250x8x32xf32>
    %slice3A_60 = vector.extract_strided_slice %slice3A_56 {offsets = [0, 0], sizes = [2000, 32], strides = [1, 1]} : vector<2000x128xf32> to vector<2000x32xf32>
    %reshape3A_61 = vector.shape_cast %slice3A_60 : vector<2000x32xf32> to vector<250x8x32xf32>
    %slice3A_62 = vector.extract_strided_slice %slice3A_57 {offsets = [0, 0], sizes = [2000, 32], strides = [1, 1]} : vector<2000x128xf32> to vector<2000x32xf32>
    %reshape3A_63 = vector.shape_cast %slice3A_62 : vector<2000x32xf32> to vector<250x8x32xf32>
    %dot_general3A_64 = arith.constant dense<0.000000e+00> : vector<250x8x8xf32>
    %dot_general3A_65 = tpu.matmul %reshape3A_59, %reshape3A_61, %dot_general3A_64 {dimension_numbers = #tpu.dot_dimension_numbers<[2], [2], [1], [1], [0, 0, 0, 1, 1, 1], [0], [0]>, transpose_lhs_hint = false} : vector<250x8x32xf32>, vector<250x8x32xf32>, vector<250x8x8xf32> -> vector<250x8x8xf32>
    %mul3A_66 = arith.constant 0.176776692 : f32
    %mul3A_67 = vector.broadcast %mul3A_66 : f32 to vector<250x8x8xf32>
    %mul3A_68 = arith.mulf %dot_general3A_65, %mul3A_67 : vector<250x8x8xf32>
    %reduce_max3A = arith.constant dense<0xFF800000> : vector<250x8xf32>
    %reduce_max3A_69 = vector.multi_reduction <maximumf>, %mul3A_68, %reduce_max3A [2] : vector<250x8x8xf32> to vector<250x8xf32>
    %max3A_70 = arith.constant 0xFF800000 : f32
    %max3A_71 = vector.broadcast %max3A_70 : f32 to vector<250x8xf32>
    %max3A_72 = arith.maximumf %max3A_71, %reduce_max3A_69 : vector<250x8xf32>
    %broadcast_in_dim3A_73 = vector.shape_cast %max3A_72 : vector<250x8xf32> to vector<250x8x1xf32>
    %sub3A_74 = vector.broadcast %broadcast_in_dim3A_73 : vector<250x8x1xf32> to vector<250x8x8xf32>
    %sub3A_75 = arith.subf %mul3A_68, %sub3A_74 : vector<250x8x8xf32>
    %exp3A = math.exp %sub3A_75 : vector<250x8x8xf32>
    %reduce_sum3A_76 = arith.constant dense<0.000000e+00> : vector<250x8xf32>
    %reduce_sum3A_77 = vector.multi_reduction <add>, %exp3A, %reduce_sum3A_76 [2] : vector<250x8x8xf32> to vector<250x8xf32>
    %broadcast_in_dim3A_78 = vector.shape_cast %reduce_sum3A_77 : vector<250x8xf32> to vector<250x8x1xf32>
    %div3A_79 = vector.broadcast %broadcast_in_dim3A_78 : vector<250x8x1xf32> to vector<250x8x8xf32>
    %div3A_80 = arith.divf %exp3A, %div3A_79 : vector<250x8x8xf32>
    %dot_general3A_81 = arith.constant dense<0.000000e+00> : vector<250x8x32xf32>
    %dot_general3A_82 = tpu.matmul %div3A_80, %reshape3A_63, %dot_general3A_81 {dimension_numbers = #tpu.dot_dimension_numbers<[2], [1], [1], [2], [0, 0, 0, 1, 1, 2], [0], [0]>, transpose_lhs_hint = false} : vector<250x8x8xf32>, vector<250x8x32xf32>, vector<250x8x32xf32> -> vector<250x8x32xf32>
    %reshape3A_83 = vector.shape_cast %dot_general3A_82 : vector<250x8x32xf32> to vector<2000x32xf32>
    %slice3A_84 = vector.extract_strided_slice %slice3A {offsets = [0, 32], sizes = [2000, 32], strides = [1, 1]} : vector<2000x128xf32> to vector<2000x32xf32>
    %reshape3A_85 = vector.shape_cast %slice3A_84 : vector<2000x32xf32> to vector<250x8x32xf32>
    %slice3A_86 = vector.extract_strided_slice %slice3A_56 {offsets = [0, 32], sizes = [2000, 32], strides = [1, 1]} : vector<2000x128xf32> to vector<2000x32xf32>
    %reshape3A_87 = vector.shape_cast %slice3A_86 : vector<2000x32xf32> to vector<250x8x32xf32>
    %slice3A_88 = vector.extract_strided_slice %slice3A_57 {offsets = [0, 32], sizes = [2000, 32], strides = [1, 1]} : vector<2000x128xf32> to vector<2000x32xf32>
    %reshape3A_89 = vector.shape_cast %slice3A_88 : vector<2000x32xf32> to vector<250x8x32xf32>
    %dot_general3A_90 = arith.constant dense<0.000000e+00> : vector<250x8x8xf32>
    %dot_general3A_91 = tpu.matmul %reshape3A_85, %reshape3A_87, %dot_general3A_90 {dimension_numbers = #tpu.dot_dimension_numbers<[2], [2], [1], [1], [0, 0, 0, 1, 1, 1], [0], [0]>, transpose_lhs_hint = false} : vector<250x8x32xf32>, vector<250x8x32xf32>, vector<250x8x8xf32> -> vector<250x8x8xf32>
    %mul3A_92 = arith.constant 0.176776692 : f32
    %mul3A_93 = vector.broadcast %mul3A_92 : f32 to vector<250x8x8xf32>
    %mul3A_94 = arith.mulf %dot_general3A_91, %mul3A_93 : vector<250x8x8xf32>
    %reduce_max3A_95 = arith.constant dense<0xFF800000> : vector<250x8xf32>
    %reduce_max3A_96 = vector.multi_reduction <maximumf>, %mul3A_94, %reduce_max3A_95 [2] : vector<250x8x8xf32> to vector<250x8xf32>
    %max3A_97 = arith.constant 0xFF800000 : f32
    %max3A_98 = vector.broadcast %max3A_97 : f32 to vector<250x8xf32>
    %max3A_99 = arith.maximumf %max3A_98, %reduce_max3A_96 : vector<250x8xf32>
    %broadcast_in_dim3A_100 = vector.shape_cast %max3A_99 : vector<250x8xf32> to vector<250x8x1xf32>
    %sub3A_101 = vector.broadcast %broadcast_in_dim3A_100 : vector<250x8x1xf32> to vector<250x8x8xf32>
    %sub3A_102 = arith.subf %mul3A_94, %sub3A_101 : vector<250x8x8xf32>
    %exp3A_103 = math.exp %sub3A_102 : vector<250x8x8xf32>
    %reduce_sum3A_104 = arith.constant dense<0.000000e+00> : vector<250x8xf32>
    %reduce_sum3A_105 = vector.multi_reduction <add>, %exp3A_103, %reduce_sum3A_104 [2] : vector<250x8x8xf32> to vector<250x8xf32>
    %broadcast_in_dim3A_106 = vector.shape_cast %reduce_sum3A_105 : vector<250x8xf32> to vector<250x8x1xf32>
    %div3A_107 = vector.broadcast %broadcast_in_dim3A_106 : vector<250x8x1xf32> to vector<250x8x8xf32>
    %div3A_108 = arith.divf %exp3A_103, %div3A_107 : vector<250x8x8xf32>
    %dot_general3A_109 = arith.constant dense<0.000000e+00> : vector<250x8x32xf32>
    %dot_general3A_110 = tpu.matmul %div3A_108, %reshape3A_89, %dot_general3A_109 {dimension_numbers = #tpu.dot_dimension_numbers<[2], [1], [1], [2], [0, 0, 0, 1, 1, 2], [0], [0]>, transpose_lhs_hint = false} : vector<250x8x8xf32>, vector<250x8x32xf32>, vector<250x8x32xf32> -> vector<250x8x32xf32>
    %reshape3A_111 = vector.shape_cast %dot_general3A_110 : vector<250x8x32xf32> to vector<2000x32xf32>
    %slice3A_112 = vector.extract_strided_slice %slice3A {offsets = [0, 64], sizes = [2000, 32], strides = [1, 1]} : vector<2000x128xf32> to vector<2000x32xf32>
    %reshape3A_113 = vector.shape_cast %slice3A_112 : vector<2000x32xf32> to vector<250x8x32xf32>
    %slice3A_114 = vector.extract_strided_slice %slice3A_56 {offsets = [0, 64], sizes = [2000, 32], strides = [1, 1]} : vector<2000x128xf32> to vector<2000x32xf32>
    %reshape3A_115 = vector.shape_cast %slice3A_114 : vector<2000x32xf32> to vector<250x8x32xf32>
    %slice3A_116 = vector.extract_strided_slice %slice3A_57 {offsets = [0, 64], sizes = [2000, 32], strides = [1, 1]} : vector<2000x128xf32> to vector<2000x32xf32>
    %reshape3A_117 = vector.shape_cast %slice3A_116 : vector<2000x32xf32> to vector<250x8x32xf32>
    %dot_general3A_118 = arith.constant dense<0.000000e+00> : vector<250x8x8xf32>
    %dot_general3A_119 = tpu.matmul %reshape3A_113, %reshape3A_115, %dot_general3A_118 {dimension_numbers = #tpu.dot_dimension_numbers<[2], [2], [1], [1], [0, 0, 0, 1, 1, 1], [0], [0]>, transpose_lhs_hint = false} : vector<250x8x32xf32>, vector<250x8x32xf32>, vector<250x8x8xf32> -> vector<250x8x8xf32>
    %mul3A_120 = arith.constant 0.176776692 : f32
    %mul3A_121 = vector.broadcast %mul3A_120 : f32 to vector<250x8x8xf32>
    %mul3A_122 = arith.mulf %dot_general3A_119, %mul3A_121 : vector<250x8x8xf32>
    %reduce_max3A_123 = arith.constant dense<0xFF800000> : vector<250x8xf32>
    %reduce_max3A_124 = vector.multi_reduction <maximumf>, %mul3A_122, %reduce_max3A_123 [2] : vector<250x8x8xf32> to vector<250x8xf32>
    %max3A_125 = arith.constant 0xFF800000 : f32
    %max3A_126 = vector.broadcast %max3A_125 : f32 to vector<250x8xf32>
    %max3A_127 = arith.maximumf %max3A_126, %reduce_max3A_124 : vector<250x8xf32>
    %broadcast_in_dim3A_128 = vector.shape_cast %max3A_127 : vector<250x8xf32> to vector<250x8x1xf32>
    %sub3A_129 = vector.broadcast %broadcast_in_dim3A_128 : vector<250x8x1xf32> to vector<250x8x8xf32>
    %sub3A_130 = arith.subf %mul3A_122, %sub3A_129 : vector<250x8x8xf32>
    %exp3A_131 = math.exp %sub3A_130 : vector<250x8x8xf32>
    %reduce_sum3A_132 = arith.constant dense<0.000000e+00> : vector<250x8xf32>
    %reduce_sum3A_133 = vector.multi_reduction <add>, %exp3A_131, %reduce_sum3A_132 [2] : vector<250x8x8xf32> to vector<250x8xf32>
    %broadcast_in_dim3A_134 = vector.shape_cast %reduce_sum3A_133 : vector<250x8xf32> to vector<250x8x1xf32>
    %div3A_135 = vector.broadcast %broadcast_in_dim3A_134 : vector<250x8x1xf32> to vector<250x8x8xf32>
    %div3A_136 = arith.divf %exp3A_131, %div3A_135 : vector<250x8x8xf32>
    %dot_general3A_137 = arith.constant dense<0.000000e+00> : vector<250x8x32xf32>
    %dot_general3A_138 = tpu.matmul %div3A_136, %reshape3A_117, %dot_general3A_137 {dimension_numbers = #tpu.dot_dimension_numbers<[2], [1], [1], [2], [0, 0, 0, 1, 1, 2], [0], [0]>, transpose_lhs_hint = false} : vector<250x8x8xf32>, vector<250x8x32xf32>, vector<250x8x32xf32> -> vector<250x8x32xf32>
    %reshape3A_139 = vector.shape_cast %dot_general3A_138 : vector<250x8x32xf32> to vector<2000x32xf32>
    %slice3A_140 = vector.extract_strided_slice %slice3A {offsets = [0, 96], sizes = [2000, 32], strides = [1, 1]} : vector<2000x128xf32> to vector<2000x32xf32>
    %reshape3A_141 = vector.shape_cast %slice3A_140 : vector<2000x32xf32> to vector<250x8x32xf32>
    %slice3A_142 = vector.extract_strided_slice %slice3A_56 {offsets = [0, 96], sizes = [2000, 32], strides = [1, 1]} : vector<2000x128xf32> to vector<2000x32xf32>
    %reshape3A_143 = vector.shape_cast %slice3A_142 : vector<2000x32xf32> to vector<250x8x32xf32>
    %slice3A_144 = vector.extract_strided_slice %slice3A_57 {offsets = [0, 96], sizes = [2000, 32], strides = [1, 1]} : vector<2000x128xf32> to vector<2000x32xf32>
    %reshape3A_145 = vector.shape_cast %slice3A_144 : vector<2000x32xf32> to vector<250x8x32xf32>
    %dot_general3A_146 = arith.constant dense<0.000000e+00> : vector<250x8x8xf32>
    %dot_general3A_147 = tpu.matmul %reshape3A_141, %reshape3A_143, %dot_general3A_146 {dimension_numbers = #tpu.dot_dimension_numbers<[2], [2], [1], [1], [0, 0, 0, 1, 1, 1], [0], [0]>, transpose_lhs_hint = false} : vector<250x8x32xf32>, vector<250x8x32xf32>, vector<250x8x8xf32> -> vector<250x8x8xf32>
    %mul3A_148 = arith.constant 0.176776692 : f32
    %mul3A_149 = vector.broadcast %mul3A_148 : f32 to vector<250x8x8xf32>
    %mul3A_150 = arith.mulf %dot_general3A_147, %mul3A_149 : vector<250x8x8xf32>
    %reduce_max3A_151 = arith.constant dense<0xFF800000> : vector<250x8xf32>
    %reduce_max3A_152 = vector.multi_reduction <maximumf>, %mul3A_150, %reduce_max3A_151 [2] : vector<250x8x8xf32> to vector<250x8xf32>
    %max3A_153 = arith.constant 0xFF800000 : f32
    %max3A_154 = vector.broadcast %max3A_153 : f32 to vector<250x8xf32>
    %max3A_155 = arith.maximumf %max3A_154, %reduce_max3A_152 : vector<250x8xf32>
    %broadcast_in_dim3A_156 = vector.shape_cast %max3A_155 : vector<250x8xf32> to vector<250x8x1xf32>
    %sub3A_157 = vector.broadcast %broadcast_in_dim3A_156 : vector<250x8x1xf32> to vector<250x8x8xf32>
    %sub3A_158 = arith.subf %mul3A_150, %sub3A_157 : vector<250x8x8xf32>
    %exp3A_159 = math.exp %sub3A_158 : vector<250x8x8xf32>
    %reduce_sum3A_160 = arith.constant dense<0.000000e+00> : vector<250x8xf32>
    %reduce_sum3A_161 = vector.multi_reduction <add>, %exp3A_159, %reduce_sum3A_160 [2] : vector<250x8x8xf32> to vector<250x8xf32>
    %broadcast_in_dim3A_162 = vector.shape_cast %reduce_sum3A_161 : vector<250x8xf32> to vector<250x8x1xf32>
    %div3A_163 = vector.broadcast %broadcast_in_dim3A_162 : vector<250x8x1xf32> to vector<250x8x8xf32>
    %div3A_164 = arith.divf %exp3A_159, %div3A_163 : vector<250x8x8xf32>
    %dot_general3A_165 = arith.constant dense<0.000000e+00> : vector<250x8x32xf32>
    %dot_general3A_166 = tpu.matmul %div3A_164, %reshape3A_145, %dot_general3A_165 {dimension_numbers = #tpu.dot_dimension_numbers<[2], [1], [1], [2], [0, 0, 0, 1, 1, 2], [0], [0]>, transpose_lhs_hint = false} : vector<250x8x8xf32>, vector<250x8x32xf32>, vector<250x8x32xf32> -> vector<250x8x32xf32>
    %reshape3A_167 = vector.shape_cast %dot_general3A_166 : vector<250x8x32xf32> to vector<2000x32xf32>
    %concatenate3A = tpu.concatenate %reshape3A_83, %reshape3A_111, %reshape3A_139, %reshape3A_167 in 1 : vector<2000x32xf32>, vector<2000x32xf32>, vector<2000x32xf32>, vector<2000x32xf32> -> vector<2000x128xf32>
    %get3A_168 = arith.constant 0 : index
    %get3A_169 = arith.constant 0 : index
    %get3A_170 = vector.load %arg9[%get3A_168, %get3A_169] : memref<128x128xf32, #tpu.memory_space<vmem>>, vector<128x128xf32>
    %dot_general3A_171 = arith.constant dense<0.000000e+00> : vector<2000x128xf32>
    %dot_general3A_172 = tpu.matmul %concatenate3A, %get3A_170, %dot_general3A_171 {dimension_numbers = #tpu.dot_dimension_numbers<[1], [0], [0], [1], [0, 0, 1, 1], [], []>, transpose_lhs_hint = false} : vector<2000x128xf32>, vector<128x128xf32>, vector<2000x128xf32> -> vector<2000x128xf32>
    %get3A_173 = arith.constant 0 : index
    %get3A_174 = arith.constant 0 : index
    %get3A_175 = vector.load %arg10[%get3A_173, %get3A_174] : memref<1x128xf32, #tpu.memory_space<vmem>>, vector<1x128xf32>
    %add3A_176 = vector.broadcast %get3A_175 : vector<1x128xf32> to vector<2000x128xf32>
    %add3A_177 = arith.addf %dot_general3A_172, %add3A_176 : vector<2000x128xf32>
    %add3A_178 = arith.addf %add3A_45, %add3A_177 : vector<2000x128xf32>
    %get3A_179 = arith.constant 0 : index
    %get3A_180 = arith.constant 0 : index
    %get3A_181 = vector.load %arg11[%get3A_179, %get3A_180] : memref<128x128xf32, #tpu.memory_space<vmem>>, vector<128x128xf32>
    %dot_general3A_182 = arith.constant dense<0.000000e+00> : vector<2000x128xf32>
    %dot_general3A_183 = tpu.matmul %add3A_178, %get3A_181, %dot_general3A_182 {dimension_numbers = #tpu.dot_dimension_numbers<[1], [0], [0], [1], [0, 0, 1, 1], [], []>, transpose_lhs_hint = false} : vector<2000x128xf32>, vector<128x128xf32>, vector<2000x128xf32> -> vector<2000x128xf32>
    %get3A_184 = arith.constant 0 : index
    %get3A_185 = arith.constant 0 : index
    %get3A_186 = vector.load %arg12[%get3A_184, %get3A_185] : memref<1x128xf32, #tpu.memory_space<vmem>>, vector<1x128xf32>
    %add3A_187 = vector.broadcast %get3A_186 : vector<1x128xf32> to vector<2000x128xf32>
    %add3A_188 = arith.addf %dot_general3A_183, %add3A_187 : vector<2000x128xf32>
    %logistic3A = arith.negf %add3A_188 : vector<2000x128xf32>
    %logistic3A_189 = math.exp %logistic3A : vector<2000x128xf32>
    %logistic3A_190 = arith.constant 1.000000e+00 : f32
    %logistic3A_191 = vector.broadcast %logistic3A_190 : f32 to vector<2000x128xf32>
    %logistic3A_192 = arith.addf %logistic3A_191, %logistic3A_189 : vector<2000x128xf32>
    %logistic3A_193 = arith.divf %logistic3A_191, %logistic3A_192 : vector<2000x128xf32>
    %mul3A_194 = arith.mulf %logistic3A_193, %add3A_178 : vector<2000x128xf32>
    %sub3A_195 = arith.constant 1.000000e+00 : f32
    %sub3A_196 = vector.broadcast %sub3A_195 : f32 to vector<2000x128xf32>
    %sub3A_197 = arith.subf %sub3A_196, %logistic3A_193 : vector<2000x128xf32>
    %mul3A_198 = arith.mulf %sub3A_197, %add3A_15 : vector<2000x128xf32>
    %add3A_199 = arith.addf %mul3A_194, %mul3A_198 : vector<2000x128xf32>
    %reshape3A_200 = vector.shape_cast %add3A_199 : vector<2000x128xf32> to vector<250x8x128xf32>
    %swap3A = arith.constant 0 : index
    %swap3A_201 = arith.constant 0 : index
    %swap3A_202 = arith.constant 0 : index
    %swap3A_203 = vector.load %arg13[%swap3A, %swap3A_201, %swap3A_202] : memref<250x8x128xf32, #tpu.memory_space<vmem>>, vector<250x8x128xf32>
    tpu.vector_store %arg13[%swap3A, %swap3A_201, %swap3A_202], %reshape3A_200 {strides = array<i32>} : memref<250x8x128xf32, #tpu.memory_space<vmem>>, vector<250x8x128xf32>,
    return
  }
  func.func @transform_0(%arg0: i32) -> (i32, i32, i32) {
    %c0_i32 = arith.constant 0 : i32
    %c0_i32_0 = arith.constant 0 : i32
    %c0_i32_1 = arith.constant 0 : i32
    return %arg0, %c0_i32, %c0_i32_0 : i32, i32, i32
  }
  func.func @transform_1(%arg0: i32) -> (i32, i32, i32) {
    %c0_i32 = arith.constant 0 : i32
    %c0_i32_0 = arith.constant 0 : i32
    %c0_i32_1 = arith.constant 0 : i32
    return %arg0, %c0_i32, %c0_i32_0 : i32, i32, i32
  }
  func.func @transform_2(%arg0: i32) -> (i32, i32) {
    %c0_i32 = arith.constant 0 : i32
    %c0_i32_0 = arith.constant 0 : i32
    %c0_i32_1 = arith.constant 0 : i32
    return %c0_i32, %c0_i32_0 : i32, i32
  }
  func.func @transform_3(%arg0: i32) -> (i32, i32) {
    %c0_i32 = arith.constant 0 : i32
    %c0_i32_0 = arith.constant 0 : i32
    %c0_i32_1 = arith.constant 0 : i32
    return %c0_i32, %c0_i32_0 : i32, i32
  }
  func.func @transform_4(%arg0: i32) -> (i32, i32) {
    %c0_i32 = arith.constant 0 : i32
    %c0_i32_0 = arith.constant 0 : i32
    %c0_i32_1 = arith.constant 0 : i32
    return %c0_i32, %c0_i32_0 : i32, i32
  }
  func.func @transform_5(%arg0: i32) -> (i32, i32) {
    %c0_i32 = arith.constant 0 : i32
    %c0_i32_0 = arith.constant 0 : i32
    %c0_i32_1 = arith.constant 0 : i32
    return %c0_i32, %c0_i32_0 : i32, i32
  }
  func.func @transform_6(%arg0: i32) -> (i32, i32) {
    %c0_i32 = arith.constant 0 : i32
    %c0_i32_0 = arith.constant 0 : i32
    %c0_i32_1 = arith.constant 0 : i32
    return %c0_i32, %c0_i32_0 : i32, i32
  }
  func.func @transform_7(%arg0: i32) -> (i32, i32) {
    %c0_i32 = arith.constant 0 : i32
    %c0_i32_0 = arith.constant 0 : i32
    %c0_i32_1 = arith.constant 0 : i32
    return %c0_i32, %c0_i32_0 : i32, i32
  }
  func.func @transform_8(%arg0: i32) -> (i32, i32) {
    %c0_i32 = arith.constant 0 : i32
    %c0_i32_0 = arith.constant 0 : i32
    %c0_i32_1 = arith.constant 0 : i32
    return %c0_i32, %c0_i32_0 : i32, i32
  }
  func.func @transform_9(%arg0: i32) -> (i32, i32) {
    %c0_i32 = arith.constant 0 : i32
    %c0_i32_0 = arith.constant 0 : i32
    %c0_i32_1 = arith.constant 0 : i32
    return %c0_i32, %c0_i32_0 : i32, i32
  }
  func.func @transform_10(%arg0: i32) -> (i32, i32) {
    %c0_i32 = arith.constant 0 : i32
    %c0_i32_0 = arith.constant 0 : i32
    %c0_i32_1 = arith.constant 0 : i32
    return %c0_i32, %c0_i32_0 : i32, i32
  }
  func.func @transform_11(%arg0: i32) -> (i32, i32) {
    %c0_i32 = arith.constant 0 : i32
    %c0_i32_0 = arith.constant 0 : i32
    %c0_i32_1 = arith.constant 0 : i32
    return %c0_i32, %c0_i32_0 : i32, i32
  }
  func.func @transform_12(%arg0: i32) -> (i32, i32, i32) {
    %c0_i32 = arith.constant 0 : i32
    %c0_i32_0 = arith.constant 0 : i32
    %c0_i32_1 = arith.constant 0 : i32
    return %arg0, %c0_i32, %c0_i32_0 : i32, i32, i32
  }
}

module attributes {stable_mosaic.version = 14 : i64} {
  func.func @_station_body(%arg0: i32, %arg1: memref<1x1000x128xf32, #tpu.memory_space<vmem>>, %arg2: memref<1x128xf32, #tpu.memory_space<vmem>>, %arg3: memref<1x128xf32, #tpu.memory_space<vmem>>, %arg4: memref<128x384xf32, #tpu.memory_space<vmem>>, %arg5: memref<1x384xf32, #tpu.memory_space<vmem>>, %arg6: memref<128x128xf32, #tpu.memory_space<vmem>>, %arg7: memref<1x128xf32, #tpu.memory_space<vmem>>, %arg8: memref<1x1000x128xf32, #tpu.memory_space<vmem>>) attributes {dimension_semantics = [#tpu.dimension_semantics<arbitrary>], iteration_bounds = array<i64: 16>, scalar_prefetch = 0 : i64, scratch_operands = 0 : i64, tpu.core_type = #tpu.core_type<tc>, window_params = [{transform_indices = @transform_0, window_bounds = array<i64: 1, 1000, 128>}, {pipeline_mode = #tpu.pipeline_mode<synchronous>, transform_indices = @transform_1, window_bounds = array<i64: 1, 128>}, {pipeline_mode = #tpu.pipeline_mode<synchronous>, transform_indices = @transform_2, window_bounds = array<i64: 1, 128>}, {pipeline_mode = #tpu.pipeline_mode<synchronous>, transform_indices = @transform_3, window_bounds = array<i64: 128, 384>}, {pipeline_mode = #tpu.pipeline_mode<synchronous>, transform_indices = @transform_4, window_bounds = array<i64: 1, 384>}, {pipeline_mode = #tpu.pipeline_mode<synchronous>, transform_indices = @transform_5, window_bounds = array<i64: 128, 128>}, {pipeline_mode = #tpu.pipeline_mode<synchronous>, transform_indices = @transform_6, window_bounds = array<i64: 1, 128>}, {transform_indices = @transform_7, window_bounds = array<i64: 1, 1000, 128>}]} {
    %get3A = arith.constant 0 : index
    %get3A_0 = arith.constant 0 : index
    %get3A_1 = arith.constant 0 : index
    %get3A_2 = vector.load %arg1[%get3A, %get3A_0, %get3A_1] : memref<1x1000x128xf32, #tpu.memory_space<vmem>>, vector<1x1000x128xf32>
    %get3A_3 = vector.shape_cast %get3A_2 : vector<1x1000x128xf32> to vector<1000x128xf32>
    %reduce_sum3A = arith.constant dense<0.000000e+00> : vector<1000xf32>
    %reduce_sum3A_4 = vector.multi_reduction <add>, %get3A_3, %reduce_sum3A [1] : vector<1000x128xf32> to vector<1000xf32>
    %broadcast_in_dim3A = vector.shape_cast %reduce_sum3A_4 : vector<1000xf32> to vector<1000x1xf32>
    %div3A = arith.constant 1.280000e+02 : f32
    %div3A_5 = vector.broadcast %div3A : f32 to vector<1000x1xf32>
    %div3A_6 = arith.divf %broadcast_in_dim3A, %div3A_5 : vector<1000x1xf32>
    %sub3A = vector.broadcast %div3A_6 : vector<1000x1xf32> to vector<1000x128xf32>
    %sub3A_7 = arith.subf %get3A_3, %sub3A : vector<1000x128xf32>
    %integer_pow3A = arith.mulf %sub3A_7, %sub3A_7 : vector<1000x128xf32>
    %reduce_sum3A_8 = arith.constant dense<0.000000e+00> : vector<1000xf32>
    %reduce_sum3A_9 = vector.multi_reduction <add>, %integer_pow3A, %reduce_sum3A_8 [1] : vector<1000x128xf32> to vector<1000xf32>
    %broadcast_in_dim3A_10 = vector.shape_cast %reduce_sum3A_9 : vector<1000xf32> to vector<1000x1xf32>
    %div3A_11 = arith.constant 1.280000e+02 : f32
    %div3A_12 = vector.broadcast %div3A_11 : f32 to vector<1000x1xf32>
    %div3A_13 = arith.divf %broadcast_in_dim3A_10, %div3A_12 : vector<1000x1xf32>
    %sub3A_14 = vector.broadcast %div3A_6 : vector<1000x1xf32> to vector<1000x128xf32>
    %sub3A_15 = arith.subf %get3A_3, %sub3A_14 : vector<1000x128xf32>
    %add3A = arith.constant 9.99999974E-6 : f32
    %add3A_16 = vector.broadcast %add3A : f32 to vector<1000x1xf32>
    %add3A_17 = arith.addf %div3A_13, %add3A_16 : vector<1000x1xf32>
    %rsqrt3A = math.rsqrt %add3A_17 : vector<1000x1xf32>
    %mul3A = vector.broadcast %rsqrt3A : vector<1000x1xf32> to vector<1000x128xf32>
    %mul3A_18 = arith.mulf %sub3A_15, %mul3A : vector<1000x128xf32>
    %get3A_19 = arith.constant 0 : index
    %get3A_20 = arith.constant 0 : index
    %get3A_21 = vector.load %arg2[%get3A_19, %get3A_20] : memref<1x128xf32, #tpu.memory_space<vmem>>, vector<1x128xf32>
    %mul3A_22 = vector.broadcast %get3A_21 : vector<1x128xf32> to vector<1000x128xf32>
    %mul3A_23 = arith.mulf %mul3A_18, %mul3A_22 : vector<1000x128xf32>
    %get3A_24 = arith.constant 0 : index
    %get3A_25 = arith.constant 0 : index
    %get3A_26 = vector.load %arg3[%get3A_24, %get3A_25] : memref<1x128xf32, #tpu.memory_space<vmem>>, vector<1x128xf32>
    %add3A_27 = vector.broadcast %get3A_26 : vector<1x128xf32> to vector<1000x128xf32>
    %add3A_28 = arith.addf %mul3A_23, %add3A_27 : vector<1000x128xf32>
    %get3A_29 = arith.constant 0 : index
    %get3A_30 = arith.constant 0 : index
    %get3A_31 = vector.load %arg4[%get3A_29, %get3A_30] : memref<128x384xf32, #tpu.memory_space<vmem>>, vector<128x384xf32>
    %dot_general3A = arith.constant dense<0.000000e+00> : vector<1000x384xf32>
    %dot_general3A_32 = tpu.matmul %add3A_28, %get3A_31, %dot_general3A {dimension_numbers = #tpu.dot_dimension_numbers<[1], [0], [0], [1], [0, 0, 1, 1], [], []>, transpose_lhs_hint = false} : vector<1000x128xf32>, vector<128x384xf32>, vector<1000x384xf32> -> vector<1000x384xf32>
    %get3A_33 = arith.constant 0 : index
    %get3A_34 = arith.constant 0 : index
    %get3A_35 = vector.load %arg5[%get3A_33, %get3A_34] : memref<1x384xf32, #tpu.memory_space<vmem>>, vector<1x384xf32>
    %add3A_36 = vector.broadcast %get3A_35 : vector<1x384xf32> to vector<1000x384xf32>
    %add3A_37 = arith.addf %dot_general3A_32, %add3A_36 : vector<1000x384xf32>
    %slice3A = vector.extract_strided_slice %add3A_37 {offsets = [0, 0], sizes = [1000, 128], strides = [1, 1]} : vector<1000x384xf32> to vector<1000x128xf32>
    %slice3A_38 = vector.extract_strided_slice %add3A_37 {offsets = [0, 128], sizes = [1000, 128], strides = [1, 1]} : vector<1000x384xf32> to vector<1000x128xf32>
    %slice3A_39 = vector.extract_strided_slice %add3A_37 {offsets = [0, 256], sizes = [1000, 128], strides = [1, 1]} : vector<1000x384xf32> to vector<1000x128xf32>
    %slice3A_40 = vector.extract_strided_slice %slice3A {offsets = [0, 0], sizes = [1000, 64], strides = [1, 1]} : vector<1000x128xf32> to vector<1000x64xf32>
    %convert_element_type3A = arith.truncf %slice3A_40 : vector<1000x64xf32> to vector<1000x64xbf16>
    %slice3A_41 = vector.extract_strided_slice %slice3A_38 {offsets = [0, 0], sizes = [1000, 64], strides = [1, 1]} : vector<1000x128xf32> to vector<1000x64xf32>
    %convert_element_type3A_42 = arith.truncf %slice3A_41 : vector<1000x64xf32> to vector<1000x64xbf16>
    %slice3A_43 = vector.extract_strided_slice %slice3A_39 {offsets = [0, 0], sizes = [1000, 64], strides = [1, 1]} : vector<1000x128xf32> to vector<1000x64xf32>
    %convert_element_type3A_44 = arith.truncf %slice3A_43 : vector<1000x64xf32> to vector<1000x64xbf16>
    %dot_general3A_45 = arith.constant dense<0.000000e+00> : vector<1000x1000xf32>
    %dot_general3A_46 = tpu.matmul %convert_element_type3A, %convert_element_type3A_42, %dot_general3A_45 {dimension_numbers = #tpu.dot_dimension_numbers<[1], [1], [0], [0], [0, 0, 1, 0], [], []>, transpose_lhs_hint = false} : vector<1000x64xbf16>, vector<1000x64xbf16>, vector<1000x1000xf32> -> vector<1000x1000xf32>
    %mul3A_47 = arith.constant 1.250000e-01 : f32
    %mul3A_48 = vector.broadcast %mul3A_47 : f32 to vector<1000x1000xf32>
    %mul3A_49 = arith.mulf %dot_general3A_46, %mul3A_48 : vector<1000x1000xf32>
    %reduce_max3A = arith.constant dense<0xFF800000> : vector<1000xf32>
    %reduce_max3A_50 = vector.multi_reduction <maximumf>, %mul3A_49, %reduce_max3A [1] : vector<1000x1000xf32> to vector<1000xf32>
    %max3A = arith.constant 0xFF800000 : f32
    %max3A_51 = vector.broadcast %max3A : f32 to vector<1000xf32>
    %max3A_52 = arith.maximumf %max3A_51, %reduce_max3A_50 : vector<1000xf32>
    %broadcast_in_dim3A_53 = vector.shape_cast %max3A_52 : vector<1000xf32> to vector<1000x1xf32>
    %sub3A_54 = vector.broadcast %broadcast_in_dim3A_53 : vector<1000x1xf32> to vector<1000x1000xf32>
    %sub3A_55 = arith.subf %mul3A_49, %sub3A_54 : vector<1000x1000xf32>
    %exp3A = math.exp %sub3A_55 : vector<1000x1000xf32>
    %reduce_sum3A_56 = arith.constant dense<0.000000e+00> : vector<1000xf32>
    %reduce_sum3A_57 = vector.multi_reduction <add>, %exp3A, %reduce_sum3A_56 [1] : vector<1000x1000xf32> to vector<1000xf32>
    %broadcast_in_dim3A_58 = vector.shape_cast %reduce_sum3A_57 : vector<1000xf32> to vector<1000x1xf32>
    %div3A_59 = vector.broadcast %broadcast_in_dim3A_58 : vector<1000x1xf32> to vector<1000x1000xf32>
    %div3A_60 = arith.divf %exp3A, %div3A_59 : vector<1000x1000xf32>
    %convert_element_type3A_61 = arith.truncf %div3A_60 : vector<1000x1000xf32> to vector<1000x1000xbf16>
    %dot_general3A_62 = arith.constant dense<0.000000e+00> : vector<1000x64xf32>
    %dot_general3A_63 = tpu.matmul %convert_element_type3A_61, %convert_element_type3A_44, %dot_general3A_62 {dimension_numbers = #tpu.dot_dimension_numbers<[1], [0], [0], [1], [0, 0, 1, 1], [], []>, transpose_lhs_hint = false} : vector<1000x1000xbf16>, vector<1000x64xbf16>, vector<1000x64xf32> -> vector<1000x64xf32>
    %slice3A_64 = vector.extract_strided_slice %slice3A {offsets = [0, 64], sizes = [1000, 64], strides = [1, 1]} : vector<1000x128xf32> to vector<1000x64xf32>
    %convert_element_type3A_65 = arith.truncf %slice3A_64 : vector<1000x64xf32> to vector<1000x64xbf16>
    %slice3A_66 = vector.extract_strided_slice %slice3A_38 {offsets = [0, 64], sizes = [1000, 64], strides = [1, 1]} : vector<1000x128xf32> to vector<1000x64xf32>
    %convert_element_type3A_67 = arith.truncf %slice3A_66 : vector<1000x64xf32> to vector<1000x64xbf16>
    %slice3A_68 = vector.extract_strided_slice %slice3A_39 {offsets = [0, 64], sizes = [1000, 64], strides = [1, 1]} : vector<1000x128xf32> to vector<1000x64xf32>
    %convert_element_type3A_69 = arith.truncf %slice3A_68 : vector<1000x64xf32> to vector<1000x64xbf16>
    %dot_general3A_70 = arith.constant dense<0.000000e+00> : vector<1000x1000xf32>
    %dot_general3A_71 = tpu.matmul %convert_element_type3A_65, %convert_element_type3A_67, %dot_general3A_70 {dimension_numbers = #tpu.dot_dimension_numbers<[1], [1], [0], [0], [0, 0, 1, 0], [], []>, transpose_lhs_hint = false} : vector<1000x64xbf16>, vector<1000x64xbf16>, vector<1000x1000xf32> -> vector<1000x1000xf32>
    %mul3A_72 = arith.constant 1.250000e-01 : f32
    %mul3A_73 = vector.broadcast %mul3A_72 : f32 to vector<1000x1000xf32>
    %mul3A_74 = arith.mulf %dot_general3A_71, %mul3A_73 : vector<1000x1000xf32>
    %reduce_max3A_75 = arith.constant dense<0xFF800000> : vector<1000xf32>
    %reduce_max3A_76 = vector.multi_reduction <maximumf>, %mul3A_74, %reduce_max3A_75 [1] : vector<1000x1000xf32> to vector<1000xf32>
    %max3A_77 = arith.constant 0xFF800000 : f32
    %max3A_78 = vector.broadcast %max3A_77 : f32 to vector<1000xf32>
    %max3A_79 = arith.maximumf %max3A_78, %reduce_max3A_76 : vector<1000xf32>
    %broadcast_in_dim3A_80 = vector.shape_cast %max3A_79 : vector<1000xf32> to vector<1000x1xf32>
    %sub3A_81 = vector.broadcast %broadcast_in_dim3A_80 : vector<1000x1xf32> to vector<1000x1000xf32>
    %sub3A_82 = arith.subf %mul3A_74, %sub3A_81 : vector<1000x1000xf32>
    %exp3A_83 = math.exp %sub3A_82 : vector<1000x1000xf32>
    %reduce_sum3A_84 = arith.constant dense<0.000000e+00> : vector<1000xf32>
    %reduce_sum3A_85 = vector.multi_reduction <add>, %exp3A_83, %reduce_sum3A_84 [1] : vector<1000x1000xf32> to vector<1000xf32>
    %broadcast_in_dim3A_86 = vector.shape_cast %reduce_sum3A_85 : vector<1000xf32> to vector<1000x1xf32>
    %div3A_87 = vector.broadcast %broadcast_in_dim3A_86 : vector<1000x1xf32> to vector<1000x1000xf32>
    %div3A_88 = arith.divf %exp3A_83, %div3A_87 : vector<1000x1000xf32>
    %convert_element_type3A_89 = arith.truncf %div3A_88 : vector<1000x1000xf32> to vector<1000x1000xbf16>
    %dot_general3A_90 = arith.constant dense<0.000000e+00> : vector<1000x64xf32>
    %dot_general3A_91 = tpu.matmul %convert_element_type3A_89, %convert_element_type3A_69, %dot_general3A_90 {dimension_numbers = #tpu.dot_dimension_numbers<[1], [0], [0], [1], [0, 0, 1, 1], [], []>, transpose_lhs_hint = false} : vector<1000x1000xbf16>, vector<1000x64xbf16>, vector<1000x64xf32> -> vector<1000x64xf32>
    %concatenate3A = tpu.concatenate %dot_general3A_63, %dot_general3A_91 in 1 : vector<1000x64xf32>, vector<1000x64xf32> -> vector<1000x128xf32>
    %get3A_92 = arith.constant 0 : index
    %get3A_93 = arith.constant 0 : index
    %get3A_94 = vector.load %arg6[%get3A_92, %get3A_93] : memref<128x128xf32, #tpu.memory_space<vmem>>, vector<128x128xf32>
    %dot_general3A_95 = arith.constant dense<0.000000e+00> : vector<1000x128xf32>
    %dot_general3A_96 = tpu.matmul %concatenate3A, %get3A_94, %dot_general3A_95 {dimension_numbers = #tpu.dot_dimension_numbers<[1], [0], [0], [1], [0, 0, 1, 1], [], []>, transpose_lhs_hint = false} : vector<1000x128xf32>, vector<128x128xf32>, vector<1000x128xf32> -> vector<1000x128xf32>
    %get3A_97 = arith.constant 0 : index
    %get3A_98 = arith.constant 0 : index
    %get3A_99 = vector.load %arg7[%get3A_97, %get3A_98] : memref<1x128xf32, #tpu.memory_space<vmem>>, vector<1x128xf32>
    %add3A_100 = vector.broadcast %get3A_99 : vector<1x128xf32> to vector<1000x128xf32>
    %add3A_101 = arith.addf %dot_general3A_96, %add3A_100 : vector<1000x128xf32>
    %swap3A = arith.constant 0 : index
    %swap3A_102 = arith.constant 0 : index
    %swap3A_103 = arith.constant 0 : index
    %swap3A_104 = vector.load %arg8[%swap3A, %swap3A_102, %swap3A_103] : memref<1x1000x128xf32, #tpu.memory_space<vmem>>, vector<1x1000x128xf32>
    %swap3A_105 = vector.shape_cast %swap3A_104 : vector<1x1000x128xf32> to vector<1000x128xf32>
    %swap3A_106 = vector.shape_cast %add3A_101 : vector<1000x128xf32> to vector<1x1000x128xf32>
    tpu.vector_store %arg8[%swap3A, %swap3A_102, %swap3A_103], %swap3A_106 {strides = array<i32>} : memref<1x1000x128xf32, #tpu.memory_space<vmem>>, vector<1x1000x128xf32>,
    return
  }
  func.func @transform_0(%arg0: i32) -> (i32, i32, i32) {
    %c0_i32 = arith.constant 0 : i32
    %c0_i32_0 = arith.constant 0 : i32
    %c0_i32_1 = arith.constant 0 : i32
    return %arg0, %c0_i32, %c0_i32_0 : i32, i32, i32
  }
  func.func @transform_1(%arg0: i32) -> (i32, i32) {
    %c0_i32 = arith.constant 0 : i32
    %c0_i32_0 = arith.constant 0 : i32
    %c0_i32_1 = arith.constant 0 : i32
    return %c0_i32, %c0_i32_0 : i32, i32
  }
  func.func @transform_2(%arg0: i32) -> (i32, i32) {
    %c0_i32 = arith.constant 0 : i32
    %c0_i32_0 = arith.constant 0 : i32
    %c0_i32_1 = arith.constant 0 : i32
    return %c0_i32, %c0_i32_0 : i32, i32
  }
  func.func @transform_3(%arg0: i32) -> (i32, i32) {
    %c0_i32 = arith.constant 0 : i32
    %c0_i32_0 = arith.constant 0 : i32
    %c0_i32_1 = arith.constant 0 : i32
    return %c0_i32, %c0_i32_0 : i32, i32
  }
  func.func @transform_4(%arg0: i32) -> (i32, i32) {
    %c0_i32 = arith.constant 0 : i32
    %c0_i32_0 = arith.constant 0 : i32
    %c0_i32_1 = arith.constant 0 : i32
    return %c0_i32, %c0_i32_0 : i32, i32
  }
  func.func @transform_5(%arg0: i32) -> (i32, i32) {
    %c0_i32 = arith.constant 0 : i32
    %c0_i32_0 = arith.constant 0 : i32
    %c0_i32_1 = arith.constant 0 : i32
    return %c0_i32, %c0_i32_0 : i32, i32
  }
  func.func @transform_6(%arg0: i32) -> (i32, i32) {
    %c0_i32 = arith.constant 0 : i32
    %c0_i32_0 = arith.constant 0 : i32
    %c0_i32_1 = arith.constant 0 : i32
    return %c0_i32, %c0_i32_0 : i32, i32
  }
  func.func @transform_7(%arg0: i32) -> (i32, i32, i32) {
    %c0_i32 = arith.constant 0 : i32
    %c0_i32_0 = arith.constant 0 : i32
    %c0_i32_1 = arith.constant 0 : i32
    return %arg0, %c0_i32, %c0_i32_0 : i32, i32, i32
  }
}

module attributes {stable_mosaic.version = 14 : i64} {
  func.func @_ro1_body(%arg0: i32, %arg1: memref<2000x128xf32, #tpu.memory_space<vmem>>, %arg2: memref<2000x128xf32, #tpu.memory_space<vmem>>, %arg3: memref<128x64xf32, #tpu.memory_space<vmem>>, %arg4: memref<1x64xf32, #tpu.memory_space<vmem>>, %arg5: memref<2000x64xf32, #tpu.memory_space<vmem>>, %arg6: memref<1x1x64xf32, #tpu.memory_space<vmem>>, %arg7: memref<1x1x64xf32, #tpu.memory_space<vmem>>) attributes {dimension_semantics = [#tpu.dimension_semantics<arbitrary>], iteration_bounds = array<i64: 8>, scalar_prefetch = 0 : i64, scratch_operands = 0 : i64, tpu.core_type = #tpu.core_type<tc>, window_params = [{transform_indices = @transform_0, window_bounds = array<i64: 2000, 128>}, {transform_indices = @transform_1, window_bounds = array<i64: 2000, 128>}, {pipeline_mode = #tpu.pipeline_mode<synchronous>, transform_indices = @transform_2, window_bounds = array<i64: 128, 64>}, {pipeline_mode = #tpu.pipeline_mode<synchronous>, transform_indices = @transform_3, window_bounds = array<i64: 1, 64>}, {transform_indices = @transform_4, window_bounds = array<i64: 2000, 64>}, {transform_indices = @transform_5, window_bounds = array<i64: 1, 1, 64>}, {transform_indices = @transform_6, window_bounds = array<i64: 1, 1, 64>}]} {
    %get3A = arith.constant 0 : index
    %get3A_0 = arith.constant 0 : index
    %get3A_1 = vector.load %arg1[%get3A, %get3A_0] : memref<2000x128xf32, #tpu.memory_space<vmem>>, vector<2000x128xf32>
    %get3A_2 = arith.constant 0 : index
    %get3A_3 = arith.constant 0 : index
    %get3A_4 = vector.load %arg2[%get3A_2, %get3A_3] : memref<2000x128xf32, #tpu.memory_space<vmem>>, vector<2000x128xf32>
    %add3A = arith.addf %get3A_1, %get3A_4 : vector<2000x128xf32>
    %get3A_5 = arith.constant 0 : index
    %get3A_6 = arith.constant 0 : index
    %get3A_7 = vector.load %arg3[%get3A_5, %get3A_6] : memref<128x64xf32, #tpu.memory_space<vmem>>, vector<128x64xf32>
    %dot_general3A = arith.constant dense<0.000000e+00> : vector<2000x64xf32>
    %dot_general3A_8 = tpu.matmul %add3A, %get3A_7, %dot_general3A {dimension_numbers = #tpu.dot_dimension_numbers<[1], [0], [0], [1], [0, 0, 1, 1], [], []>, transpose_lhs_hint = false} : vector<2000x128xf32>, vector<128x64xf32>, vector<2000x64xf32> -> vector<2000x64xf32>
    %get3A_9 = arith.constant 0 : index
    %get3A_10 = arith.constant 0 : index
    %get3A_11 = vector.load %arg4[%get3A_9, %get3A_10] : memref<1x64xf32, #tpu.memory_space<vmem>>, vector<1x64xf32>
    %add3A_12 = vector.broadcast %get3A_11 : vector<1x64xf32> to vector<2000x64xf32>
    %add3A_13 = arith.addf %dot_general3A_8, %add3A_12 : vector<2000x64xf32>
    %swap3A = arith.constant 0 : index
    %swap3A_14 = arith.constant 0 : index
    %swap3A_15 = vector.load %arg5[%swap3A, %swap3A_14] : memref<2000x64xf32, #tpu.memory_space<vmem>>, vector<2000x64xf32>
    tpu.vector_store %arg5[%swap3A, %swap3A_14], %add3A_13 {strides = array<i32>} : memref<2000x64xf32, #tpu.memory_space<vmem>>, vector<2000x64xf32>,
    %reduce_sum3A = arith.constant dense<0.000000e+00> : vector<64xf32>
    %reduce_sum3A_16 = vector.multi_reduction <add>, %add3A_13, %reduce_sum3A [0] : vector<2000x64xf32> to vector<64xf32>
    %broadcast_in_dim3A = vector.shape_cast %reduce_sum3A_16 : vector<64xf32> to vector<1x64xf32>
    %reshape3A = vector.shape_cast %broadcast_in_dim3A : vector<1x64xf32> to vector<1x1x64xf32>
    %swap3A_17 = arith.constant 0 : index
    %swap3A_18 = arith.constant 0 : index
    %swap3A_19 = arith.constant 0 : index
    %swap3A_20 = vector.load %arg6[%swap3A_17, %swap3A_18, %swap3A_19] : memref<1x1x64xf32, #tpu.memory_space<vmem>>, vector<1x1x64xf32>
    tpu.vector_store %arg6[%swap3A_17, %swap3A_18, %swap3A_19], %reshape3A {strides = array<i32>} : memref<1x1x64xf32, #tpu.memory_space<vmem>>, vector<1x1x64xf32>,
    %mul3A = arith.mulf %add3A_13, %add3A_13 : vector<2000x64xf32>
    %reduce_sum3A_21 = arith.constant dense<0.000000e+00> : vector<64xf32>
    %reduce_sum3A_22 = vector.multi_reduction <add>, %mul3A, %reduce_sum3A_21 [0] : vector<2000x64xf32> to vector<64xf32>
    %broadcast_in_dim3A_23 = vector.shape_cast %reduce_sum3A_22 : vector<64xf32> to vector<1x64xf32>
    %reshape3A_24 = vector.shape_cast %broadcast_in_dim3A_23 : vector<1x64xf32> to vector<1x1x64xf32>
    %swap3A_25 = arith.constant 0 : index
    %swap3A_26 = arith.constant 0 : index
    %swap3A_27 = arith.constant 0 : index
    %swap3A_28 = vector.load %arg7[%swap3A_25, %swap3A_26, %swap3A_27] : memref<1x1x64xf32, #tpu.memory_space<vmem>>, vector<1x1x64xf32>
    tpu.vector_store %arg7[%swap3A_25, %swap3A_26, %swap3A_27], %reshape3A_24 {strides = array<i32>} : memref<1x1x64xf32, #tpu.memory_space<vmem>>, vector<1x1x64xf32>,
    return
  }
  func.func @transform_0(%arg0: i32) -> (i32, i32) {
    %c0_i32 = arith.constant 0 : i32
    %c0_i32_0 = arith.constant 0 : i32
    return %arg0, %c0_i32 : i32, i32
  }
  func.func @transform_1(%arg0: i32) -> (i32, i32) {
    %c0_i32 = arith.constant 0 : i32
    %c0_i32_0 = arith.constant 0 : i32
    return %arg0, %c0_i32 : i32, i32
  }
  func.func @transform_2(%arg0: i32) -> (i32, i32) {
    %c0_i32 = arith.constant 0 : i32
    %c0_i32_0 = arith.constant 0 : i32
    %c0_i32_1 = arith.constant 0 : i32
    return %c0_i32, %c0_i32_0 : i32, i32
  }
  func.func @transform_3(%arg0: i32) -> (i32, i32) {
    %c0_i32 = arith.constant 0 : i32
    %c0_i32_0 = arith.constant 0 : i32
    %c0_i32_1 = arith.constant 0 : i32
    return %c0_i32, %c0_i32_0 : i32, i32
  }
  func.func @transform_4(%arg0: i32) -> (i32, i32) {
    %c0_i32 = arith.constant 0 : i32
    %c0_i32_0 = arith.constant 0 : i32
    return %arg0, %c0_i32 : i32, i32
  }
  func.func @transform_5(%arg0: i32) -> (i32, i32, i32) {
    %c0_i32 = arith.constant 0 : i32
    %c0_i32_0 = arith.constant 0 : i32
    %c0_i32_1 = arith.constant 0 : i32
    return %arg0, %c0_i32, %c0_i32_0 : i32, i32, i32
  }
  func.func @transform_6(%arg0: i32) -> (i32, i32, i32) {
    %c0_i32 = arith.constant 0 : i32
    %c0_i32_0 = arith.constant 0 : i32
    %c0_i32_1 = arith.constant 0 : i32
    return %arg0, %c0_i32, %c0_i32_0 : i32, i32, i32
  }
}

module attributes {stable_mosaic.version = 14 : i64} {
  func.func @_ro2_body(%arg0: i32, %arg1: memref<2000x64xf32, #tpu.memory_space<vmem>>, %arg2: memref<8x1x64xf32, #tpu.memory_space<vmem>>, %arg3: memref<8x1x64xf32, #tpu.memory_space<vmem>>, %arg4: memref<1x64xf32, #tpu.memory_space<vmem>>, %arg5: memref<1x64xf32, #tpu.memory_space<vmem>>, %arg6: memref<64x64xf32, #tpu.memory_space<vmem>>, %arg7: memref<1x64xf32, #tpu.memory_space<vmem>>, %arg8: memref<1x64xf32, #tpu.memory_space<vmem>>, %arg9: memref<1x1xf32, #tpu.memory_space<vmem>>, %arg10: memref<1x64xf32, #tpu.memory_space<vmem>>, %arg11: memref<1x1xf32, #tpu.memory_space<vmem>>, %arg12: memref<2000x2xf32, #tpu.memory_space<vmem>>) attributes {dimension_semantics = [#tpu.dimension_semantics<arbitrary>], iteration_bounds = array<i64: 8>, scalar_prefetch = 0 : i64, scratch_operands = 0 : i64, tpu.core_type = #tpu.core_type<tc>, window_params = [{transform_indices = @transform_0, window_bounds = array<i64: 2000, 64>}, {pipeline_mode = #tpu.pipeline_mode<synchronous>, transform_indices = @transform_1, window_bounds = array<i64: 8, 1, 64>}, {pipeline_mode = #tpu.pipeline_mode<synchronous>, transform_indices = @transform_2, window_bounds = array<i64: 8, 1, 64>}, {pipeline_mode = #tpu.pipeline_mode<synchronous>, transform_indices = @transform_3, window_bounds = array<i64: 1, 64>}, {pipeline_mode = #tpu.pipeline_mode<synchronous>, transform_indices = @transform_4, window_bounds = array<i64: 1, 64>}, {pipeline_mode = #tpu.pipeline_mode<synchronous>, transform_indices = @transform_5, window_bounds = array<i64: 64, 64>}, {pipeline_mode = #tpu.pipeline_mode<synchronous>, transform_indices = @transform_6, window_bounds = array<i64: 1, 64>}, {pipeline_mode = #tpu.pipeline_mode<synchronous>, transform_indices = @transform_7, window_bounds = array<i64: 1, 64>}, {pipeline_mode = #tpu.pipeline_mode<synchronous>, transform_indices = @transform_8, window_bounds = array<i64: 1, 1>}, {pipeline_mode = #tpu.pipeline_mode<synchronous>, transform_indices = @transform_9, window_bounds = array<i64: 1, 64>}, {pipeline_mode = #tpu.pipeline_mode<synchronous>, transform_indices = @transform_10, window_bounds = array<i64: 1, 1>}, {transform_indices = @transform_11, window_bounds = array<i64: 2000, 2>}]} {
    %get3A = arith.constant 0 : index
    %get3A_0 = arith.constant 0 : index
    %get3A_1 = arith.constant 0 : index
    %get3A_2 = vector.load %arg2[%get3A, %get3A_0, %get3A_1] : memref<8x1x64xf32, #tpu.memory_space<vmem>>, vector<8x1x64xf32>
    %reshape3A = vector.shape_cast %get3A_2 : vector<8x1x64xf32> to vector<8x64xf32>
    %reduce_sum3A = arith.constant dense<0.000000e+00> : vector<64xf32>
    %reduce_sum3A_3 = vector.multi_reduction <add>, %reshape3A, %reduce_sum3A [0] : vector<8x64xf32> to vector<64xf32>
    %broadcast_in_dim3A = vector.shape_cast %reduce_sum3A_3 : vector<64xf32> to vector<1x64xf32>
    %div3A = arith.constant 1.600000e+04 : f32
    %div3A_4 = vector.broadcast %div3A : f32 to vector<1x64xf32>
    %div3A_5 = arith.divf %broadcast_in_dim3A, %div3A_4 : vector<1x64xf32>
    %get3A_6 = arith.constant 0 : index
    %get3A_7 = arith.constant 0 : index
    %get3A_8 = arith.constant 0 : index
    %get3A_9 = vector.load %arg3[%get3A_6, %get3A_7, %get3A_8] : memref<8x1x64xf32, #tpu.memory_space<vmem>>, vector<8x1x64xf32>
    %reshape3A_10 = vector.shape_cast %get3A_9 : vector<8x1x64xf32> to vector<8x64xf32>
    %reduce_sum3A_11 = arith.constant dense<0.000000e+00> : vector<64xf32>
    %reduce_sum3A_12 = vector.multi_reduction <add>, %reshape3A_10, %reduce_sum3A_11 [0] : vector<8x64xf32> to vector<64xf32>
    %broadcast_in_dim3A_13 = vector.shape_cast %reduce_sum3A_12 : vector<64xf32> to vector<1x64xf32>
    %div3A_14 = arith.constant 1.600000e+04 : f32
    %div3A_15 = vector.broadcast %div3A_14 : f32 to vector<1x64xf32>
    %div3A_16 = arith.divf %broadcast_in_dim3A_13, %div3A_15 : vector<1x64xf32>
    %mul3A = arith.mulf %div3A_5, %div3A_5 : vector<1x64xf32>
    %sub3A = arith.subf %div3A_16, %mul3A : vector<1x64xf32>
    %get3A_17 = arith.constant 0 : index
    %get3A_18 = arith.constant 0 : index
    %get3A_19 = vector.load %arg1[%get3A_17, %get3A_18] : memref<2000x64xf32, #tpu.memory_space<vmem>>, vector<2000x64xf32>
    %sub3A_20 = vector.broadcast %div3A_5 : vector<1x64xf32> to vector<2000x64xf32>
    %sub3A_21 = arith.subf %get3A_19, %sub3A_20 : vector<2000x64xf32>
    %add3A = arith.constant 9.99999974E-6 : f32
    %add3A_22 = vector.broadcast %add3A : f32 to vector<1x64xf32>
    %add3A_23 = arith.addf %sub3A, %add3A_22 : vector<1x64xf32>
    %rsqrt3A = math.rsqrt %add3A_23 : vector<1x64xf32>
    %mul3A_24 = vector.broadcast %rsqrt3A : vector<1x64xf32> to vector<2000x64xf32>
    %mul3A_25 = arith.mulf %sub3A_21, %mul3A_24 : vector<2000x64xf32>
    %get3A_26 = arith.constant 0 : index
    %get3A_27 = arith.constant 0 : index
    %get3A_28 = vector.load %arg4[%get3A_26, %get3A_27] : memref<1x64xf32, #tpu.memory_space<vmem>>, vector<1x64xf32>
    %mul3A_29 = vector.broadcast %get3A_28 : vector<1x64xf32> to vector<2000x64xf32>
    %mul3A_30 = arith.mulf %mul3A_25, %mul3A_29 : vector<2000x64xf32>
    %get3A_31 = arith.constant 0 : index
    %get3A_32 = arith.constant 0 : index
    %get3A_33 = vector.load %arg5[%get3A_31, %get3A_32] : memref<1x64xf32, #tpu.memory_space<vmem>>, vector<1x64xf32>
    %add3A_34 = vector.broadcast %get3A_33 : vector<1x64xf32> to vector<2000x64xf32>
    %add3A_35 = arith.addf %mul3A_30, %add3A_34 : vector<2000x64xf32>
    %logistic3A = arith.negf %add3A_35 : vector<2000x64xf32>
    %logistic3A_36 = math.exp %logistic3A : vector<2000x64xf32>
    %logistic3A_37 = arith.constant 1.000000e+00 : f32
    %logistic3A_38 = vector.broadcast %logistic3A_37 : f32 to vector<2000x64xf32>
    %logistic3A_39 = arith.addf %logistic3A_38, %logistic3A_36 : vector<2000x64xf32>
    %logistic3A_40 = arith.divf %logistic3A_38, %logistic3A_39 : vector<2000x64xf32>
    %mul3A_41 = arith.mulf %add3A_35, %logistic3A_40 : vector<2000x64xf32>
    %get3A_42 = arith.constant 0 : index
    %get3A_43 = arith.constant 0 : index
    %get3A_44 = vector.load %arg6[%get3A_42, %get3A_43] : memref<64x64xf32, #tpu.memory_space<vmem>>, vector<64x64xf32>
    %dot_general3A = arith.constant dense<0.000000e+00> : vector<2000x64xf32>
    %dot_general3A_45 = tpu.matmul %mul3A_41, %get3A_44, %dot_general3A {dimension_numbers = #tpu.dot_dimension_numbers<[1], [0], [0], [1], [0, 0, 1, 1], [], []>, transpose_lhs_hint = false} : vector<2000x64xf32>, vector<64x64xf32>, vector<2000x64xf32> -> vector<2000x64xf32>
    %get3A_46 = arith.constant 0 : index
    %get3A_47 = arith.constant 0 : index
    %get3A_48 = vector.load %arg7[%get3A_46, %get3A_47] : memref<1x64xf32, #tpu.memory_space<vmem>>, vector<1x64xf32>
    %add3A_49 = vector.broadcast %get3A_48 : vector<1x64xf32> to vector<2000x64xf32>
    %add3A_50 = arith.addf %dot_general3A_45, %add3A_49 : vector<2000x64xf32>
    %get3A_51 = arith.constant 0 : index
    %get3A_52 = arith.constant 0 : index
    %get3A_53 = vector.load %arg8[%get3A_51, %get3A_52] : memref<1x64xf32, #tpu.memory_space<vmem>>, vector<1x64xf32>
    %mul3A_54 = vector.broadcast %get3A_53 : vector<1x64xf32> to vector<2000x64xf32>
    %mul3A_55 = arith.mulf %add3A_50, %mul3A_54 : vector<2000x64xf32>
    %reduce_sum3A_56 = arith.constant dense<0.000000e+00> : vector<2000xf32>
    %reduce_sum3A_57 = vector.multi_reduction <add>, %mul3A_55, %reduce_sum3A_56 [1] : vector<2000x64xf32> to vector<2000xf32>
    %broadcast_in_dim3A_58 = vector.shape_cast %reduce_sum3A_57 : vector<2000xf32> to vector<2000x1xf32>
    %get3A_59 = arith.constant 0 : index
    %get3A_60 = arith.constant 0 : index
    %get3A_61 = vector.load %arg9[%get3A_59, %get3A_60] : memref<1x1xf32, #tpu.memory_space<vmem>>, vector<1x1xf32>
    %add3A_62 = vector.broadcast %get3A_61 : vector<1x1xf32> to vector<2000x1xf32>
    %add3A_63 = arith.addf %broadcast_in_dim3A_58, %add3A_62 : vector<2000x1xf32>
    %get3A_64 = arith.constant 0 : index
    %get3A_65 = arith.constant 0 : index
    %get3A_66 = vector.load %arg10[%get3A_64, %get3A_65] : memref<1x64xf32, #tpu.memory_space<vmem>>, vector<1x64xf32>
    %mul3A_67 = vector.broadcast %get3A_66 : vector<1x64xf32> to vector<2000x64xf32>
    %mul3A_68 = arith.mulf %add3A_50, %mul3A_67 : vector<2000x64xf32>
    %reduce_sum3A_69 = arith.constant dense<0.000000e+00> : vector<2000xf32>
    %reduce_sum3A_70 = vector.multi_reduction <add>, %mul3A_68, %reduce_sum3A_69 [1] : vector<2000x64xf32> to vector<2000xf32>
    %broadcast_in_dim3A_71 = vector.shape_cast %reduce_sum3A_70 : vector<2000xf32> to vector<2000x1xf32>
    %get3A_72 = arith.constant 0 : index
    %get3A_73 = arith.constant 0 : index
    %get3A_74 = vector.load %arg11[%get3A_72, %get3A_73] : memref<1x1xf32, #tpu.memory_space<vmem>>, vector<1x1xf32>
    %add3A_75 = vector.broadcast %get3A_74 : vector<1x1xf32> to vector<2000x1xf32>
    %add3A_76 = arith.addf %broadcast_in_dim3A_71, %add3A_75 : vector<2000x1xf32>
    %max3A = arith.constant 0.000000e+00 : f32
    %max3A_77 = vector.broadcast %max3A : f32 to vector<2000x1xf32>
    %max3A_78 = arith.maximumf %add3A_76, %max3A_77 : vector<2000x1xf32>
    %abs3A = math.absf %add3A_76 : vector<2000x1xf32>
    %neg3A = arith.constant 0.000000e+00 : f32
    %neg3A_79 = vector.broadcast %neg3A : f32 to vector<2000x1xf32>
    %neg3A_80 = arith.subf %neg3A_79, %abs3A : vector<2000x1xf32>
    %exp3A = math.exp %neg3A_80 : vector<2000x1xf32>
    %log1p3A = math.log1p %exp3A : vector<2000x1xf32>
    %add3A_81 = arith.addf %max3A_78, %log1p3A : vector<2000x1xf32>
    %concatenate3A = tpu.concatenate %add3A_63, %add3A_81 in 1 : vector<2000x1xf32>, vector<2000x1xf32> -> vector<2000x2xf32>
    %swap3A = arith.constant 0 : index
    %swap3A_82 = arith.constant 0 : index
    %swap3A_83 = vector.load %arg12[%swap3A, %swap3A_82] : memref<2000x2xf32, #tpu.memory_space<vmem>>, vector<2000x2xf32>
    tpu.vector_store %arg12[%swap3A, %swap3A_82], %concatenate3A {strides = array<i32>} : memref<2000x2xf32, #tpu.memory_space<vmem>>, vector<2000x2xf32>,
    return
  }
  func.func @transform_0(%arg0: i32) -> (i32, i32) {
    %c0_i32 = arith.constant 0 : i32
    %c0_i32_0 = arith.constant 0 : i32
    return %arg0, %c0_i32 : i32, i32
  }
  func.func @transform_1(%arg0: i32) -> (i32, i32, i32) {
    %c0_i32 = arith.constant 0 : i32
    %c0_i32_0 = arith.constant 0 : i32
    %c0_i32_1 = arith.constant 0 : i32
    %c0_i32_2 = arith.constant 0 : i32
    return %c0_i32, %c0_i32_0, %c0_i32_1 : i32, i32, i32
  }
  func.func @transform_2(%arg0: i32) -> (i32, i32, i32) {
    %c0_i32 = arith.constant 0 : i32
    %c0_i32_0 = arith.constant 0 : i32
    %c0_i32_1 = arith.constant 0 : i32
    %c0_i32_2 = arith.constant 0 : i32
    return %c0_i32, %c0_i32_0, %c0_i32_1 : i32, i32, i32
  }
  func.func @transform_3(%arg0: i32) -> (i32, i32) {
    %c0_i32 = arith.constant 0 : i32
    %c0_i32_0 = arith.constant 0 : i32
    %c0_i32_1 = arith.constant 0 : i32
    return %c0_i32, %c0_i32_0 : i32, i32
  }
  func.func @transform_4(%arg0: i32) -> (i32, i32) {
    %c0_i32 = arith.constant 0 : i32
    %c0_i32_0 = arith.constant 0 : i32
    %c0_i32_1 = arith.constant 0 : i32
    return %c0_i32, %c0_i32_0 : i32, i32
  }
  func.func @transform_5(%arg0: i32) -> (i32, i32) {
    %c0_i32 = arith.constant 0 : i32
    %c0_i32_0 = arith.constant 0 : i32
    %c0_i32_1 = arith.constant 0 : i32
    return %c0_i32, %c0_i32_0 : i32, i32
  }
  func.func @transform_6(%arg0: i32) -> (i32, i32) {
    %c0_i32 = arith.constant 0 : i32
    %c0_i32_0 = arith.constant 0 : i32
    %c0_i32_1 = arith.constant 0 : i32
    return %c0_i32, %c0_i32_0 : i32, i32
  }
  func.func @transform_7(%arg0: i32) -> (i32, i32) {
    %c0_i32 = arith.constant 0 : i32
    %c0_i32_0 = arith.constant 0 : i32
    %c0_i32_1 = arith.constant 0 : i32
    return %c0_i32, %c0_i32_0 : i32, i32
  }
  func.func @transform_8(%arg0: i32) -> (i32, i32) {
    %c0_i32 = arith.constant 0 : i32
    %c0_i32_0 = arith.constant 0 : i32
    %c0_i32_1 = arith.constant 0 : i32
    return %c0_i32, %c0_i32_0 : i32, i32
  }
  func.func @transform_9(%arg0: i32) -> (i32, i32) {
    %c0_i32 = arith.constant 0 : i32
    %c0_i32_0 = arith.constant 0 : i32
    %c0_i32_1 = arith.constant 0 : i32
    return %c0_i32, %c0_i32_0 : i32, i32
  }
  func.func @transform_10(%arg0: i32) -> (i32, i32) {
    %c0_i32 = arith.constant 0 : i32
    %c0_i32_0 = arith.constant 0 : i32
    %c0_i32_1 = arith.constant 0 : i32
    return %c0_i32, %c0_i32_0 : i32, i32
  }
  func.func @transform_11(%arg0: i32) -> (i32, i32) {
    %c0_i32 = arith.constant 0 : i32
    %c0_i32_0 = arith.constant 0 : i32
    return %arg0, %c0_i32 : i32, i32
  }
}

</mosaic_0001>

<sc_bundles>
// kernel: closed_call.26.cloned.1.call-start
scs
__scs_entry_jumppad:
0x0: {  	(pc) =	sbr.rel $0x88, $3  }
0x1: {  	(tag) =	ssettag $0x0;
	lr =	simm.s32 $0x1  }
0x2: {  	[smem:$0x3F66] =	sst lr;
	_ =	strace $0xD0000000  }
0x3: {  	_ = 	snop  }
0x4: {  	_ = 	snop  }
0x5: {  	_ = 	snop  }
0x6: {  	_ = 	snop  }
0x7: {  	_ = 	snop  }
__scs_overlays_trampoline_lowered:
0x8: {  	[smem:$0x3F75] =	sst s0  }
0x9: {  	[smem:$0x3F76] =	sst s1  }
0xa: {  	[smem:$0x3F77] =	sst s2  }
0xb: {  	[smem:$0x3F78] =	sst s3  }
0xc: {  	[smem:$0x3F79] =	sst s4  }
0xd: {  	[smem:$0x3F7A] =	sst s5  }
0xe: {  	[smem:$0x3F7B] =	sst s6  }
0xf: {  	[smem:$0x3F7C] =	sst s7  }
0x10: {  	[smem:$0x3F7D] =	sst s8  }
0x11: {  	[smem:$0x3F7E] =	sst s9;
	s0 =	simm.s32 @!p0 $0x0  }
0x12: {  	s1 =	sld [smem:$0x3F64];
	s0 =	simm.s32 @p0 $0x1  }
0x13: {  	[smem:$0x3F7F] =	sst s0;
	s0 =	simm.s32 @!p1 $0x0  }
0x14: {  	s2 =	sld [smem:$0x3F63];
	s0 =	simm.s32 @p1 $0x1  }
0x15: {  	[smem:$0x3F80] =	sst s0;
	s0 =	simm.s32 @!p2 $0x0  }
0x16: {  	s3 =	sld [smem:$0x3FDB];
	s0 =	simm.s32 @p2 $0x1  }
0x17: {  	s4 =	simm.s32 $0x1BF5;
	[smem:$0x3F82] =	sst s0  }
0x18: {  	s0 =	sld [smem:$0x3F65];
	_ =	swait.ge [sflag:s4], $0x0  }
0x19: {  	s7 =	sld [smem:$0x3F66]  }
0x1a: {  	s8 =	sadd.s32 $0xFFFFE003, lr  }
0x1b: {  	s9 =	sadd.s32 $0xFFFFFEF7, lr;
	s5 =	simm.s32 $0xFFFFFFFF;
	p2 =	slt.u32 s8, $0xFFFFF086  }
0x1c: {  	p1 =	slt.u32 s9, $0xF7A;
	s5 =	simm.s32 @!p2 $0x0  }
0x1d: {  	s5 =	simm.s32 @p1 $0x1;
	p0 =	seq.s32 s7, s2  }
0x1e: {  	s7 =	smul.u32 @!p0 $0xF7A, s2;
	p2 =	seq.s32 @!p0 s5, $0x0  }
0x1f: {  	s9 =	smul.u32 $0xF7A, s1;
	s8 =	simm.s32 @!p0 $0x1BF5;
	p2 =	por !p2, p0  }
0x20: {  	[sflag:s8] =	ssyncset.s32 @!p0 $0xFFFFF086;
	s6 =	sadd.s32 @!p0 s3, s7;
	s7 =	simm.s32 @!p0 $0x108  }
0x21: {  	s3 =	sadd.s32 s3, s9;
	s6 =	sadd.s32 @!p0 $0x88, s6;
	s7 =	simm.s32 @p2 $0x1082  }
0x22: {  	[simem:s7], [sflag:s8] =	dma.local @!p0 [hbm:s6], $0xF7A  }
0x23: {  	s9 =	sor.u32 $0xD0000000, s2;
	s6 =	simm.s32 $0x108;
	_ =	swait.ge @!p0 [sflag:s8], $0x0  }
0x24: {  	s3 =	sadd.s32 $0x88, s3;
	s6 =	simm.s32 @!p1 $0x1082;
	[sflag:s4] =	ssyncset.s32 $0xFFFFF086  }
0x25: {  	[simem:s6], [sflag:s4] =	dma.local [hbm:s3], $0xF7A  }
0x26: {  	[smem:$0x3F66] =	sst s1;
	(tag) =	ssettag s2;
	_ =	strace s9  }
0x27: {  	s1 =	sld [smem:$0x3F76]  }
0x28: {  	s2 =	sld [smem:$0x3F77]  }
0x29: {  	s4 =	sld [smem:$0x3F79]  }
0x2a: {  	p0 =	seq.s32 s5, $0x0;
	s5 =	sld [smem:$0x3F7A]  }
0x2b: {  	s6 =	sld [smem:$0x3F7B]  }
0x2c: {  	s7 =	sld [smem:$0x3F7C]  }
0x2d: {  	s3 =	simm.s32 $0x108;
	s8 =	sld [smem:$0x3F7D]  }
0x2e: {  	s3 =	simm.s32 @!p0 $0x1082;
	s9 =	sld [smem:$0x3F7E]  }
0x2f: {  	lr =	sadd.s32 s0, s3;
	s0 =	sld [smem:$0x3F75]  }
0x30: {  	s3 =	sld [smem:$0x3F78]  }
0x31: {  	[smem:$0x3F81] =	sst s10  }
0x32: {  	s10 =	sld [smem:$0x3F7F];
	_ =	sdelay $0x3  }
0x33: {  	p0 =	seq.s32 s10, $0x1;
	s10 =	sld [smem:$0x3F81];
	_ =	sdelay $0x3  }
0x34: {  	[smem:$0x3F81] =	sst s10  }
0x35: {  	s10 =	sld [smem:$0x3F80];
	_ =	sdelay $0x3  }
0x36: {  	p1 =	seq.s32 s10, $0x1;
	s10 =	sld [smem:$0x3F81];
	_ =	sdelay $0x3  }
0x37: {  	[smem:$0x3F81] =	sst s10  }
0x38: {  	s10 =	sld [smem:$0x3F82]  }
0x39: {  	_ = 	snop;
	(pc) =	sbr.ind lr, $3  }
0x3a: {  	_ = 	snop  }
0x3b: {  	_ = 	snop  }
0x3c: {  	p2 =	seq.s32 s10, $0x1;
	s10 =	sld [smem:$0x3F81]  }
0x3d: {  	_ =	shalt  }
0x3e: {  	_ =	shalt  }
0x3f: {  	_ =	shalt  }
0x40: {  	_ =	shalt  }
0x41: {  	_ =	shalt  }
0x42: {  	_ =	shalt  }
0x43: {  	_ =	shalt  }
0x44: {  	_ =	shalt  }
0x45: {  	_ =	shalt  }
0x46: {  	_ =	shalt  }
0x47: {  	_ =	shalt  }
0x48: {  	_ =	shalt  }
0x49: {  	_ =	shalt  }
0x4a: {  	_ =	shalt  }
0x4b: {  	_ =	shalt  }
0x4c: {  	_ =	shalt  }
0x4d: {  	_ =	shalt  }
0x4e: {  	_ =	shalt  }
0x4f: {  	_ =	shalt  }
0x50: {  	_ =	shalt  }
0x51: {  	_ =	shalt  }
0x52: {  	_ =	shalt  }
0x53: {  	_ =	shalt  }
0x54: {  	_ =	shalt  }
0x55: {  	_ =	shalt  }
0x56: {  	_ =	shalt  }
0x57: {  	_ =	shalt  }
0x58: {  	_ =	shalt  }
0x59: {  	_ =	shalt  }
0x5a: {  	_ =	shalt  }
0x5b: {  	_ =	shalt  }
0x5c: {  	_ =	shalt  }
0x5d: {  	_ =	shalt  }
0x5e: {  	_ =	shalt  }
0x5f: {  	_ =	shalt  }
0x60: {  	_ =	shalt  }
0x61: {  	_ =	shalt  }
0x62: {  	_ =	shalt  }
0x63: {  	_ =	shalt  }
0x64: {  	_ =	shalt  }
0x65: {  	_ =	shalt  }
0x66: {  	_ =	shalt  }
0x67: {  	_ =	shalt  }
0x68: {  	_ =	shalt  }
0x69: {  	_ =	shalt  }
0x6a: {  	_ =	shalt  }
0x6b: {  	_ =	shalt  }
0x6c: {  	_ =	shalt  }
0x6d: {  	_ =	shalt  }
0x6e: {  	_ =	shalt  }
0x6f: {  	_ =	shalt  }
0x70: {  	_ =	shalt  }
0x71: {  	_ =	shalt  }
0x72: {  	_ =	shalt  }
0x73: {  	_ =	shalt  }
0x74: {  	_ =	shalt  }
0x75: {  	_ =	shalt  }
0x76: {  	_ =	shalt  }
0x77: {  	_ =	shalt  }
0x78: {  	_ =	shalt  }
0x79: {  	_ =	shalt  }
0x7a: {  	_ =	shalt  }
0x7b: {  	_ =	shalt  }
0x7c: {  	_ =	shalt  }
0x7d: {  	_ =	shalt  }
0x7e: {  	_ =	shalt  }
0x7f: {  	_ =	shalt  }
0x80: {  	_ =	shalt  }
0x81: {  	_ =	shalt  }
0x82: {  	_ =	shalt  }
0x83: {  	_ =	shalt  }
0x84: {  	_ =	shalt  }
0x85: {  	_ =	shalt  }
0x86: {  	_ =	shalt  }
0x87: {  	_ =	shalt  }
.Lfunc_end0:
.L_simem_size_0:
called_computation_lowered:
.L_overlay_start_0:
0x88: {  	s2 =	sld [smem:$0x3FD9]  }
0x89: {  	s3 =	sld [smem:$0x3FFE];
	_ =	sdelay $0x1  }
0x8a: {  	s1 =	srdreg.scid  }
0x8b: {  	s0 =	sand.u32 $0x1, s1  }
0x8c: {  	s17 =	sshll.u32 s0, $0xA;
	s2 =	sadd.s32 s3, s2  }
0x8d: {  	s2 =	sadd.s32 s2, s17  }
0x8e: {  	[smem:$0x3F8D] =	sst s2  }
0x8f: {  	_ = 	snop  }
0x90: {  	s2 =	sld [smem:$0x3FD0];
	(tm) =	ssettm $0x1  }
0x91: {  	s18 =	sld [smem:$0x3FFB];
	_ =	sdelay $0x3  }
0x92: {  	_ =	strace s18  }
0x93: {  	s3 =	sld [smem:$0x3FFC];
	_ =	sdelay $0x3  }
0x94: {  	_ =	strace s3  }
0x95: {  	s3 =	sld [smem:$0x3FFD];
	_ =	sdelay $0x3  }
0x96: {  	_ =	strace s3  }
0x97: {  	_ =	strace $0x8FFFFFFF  }
0x98: {  	s19 =	sld [smem:$0x3FDB];
	_ =	sdelay $0x1  }
0x99: {  	s4 =	simm.s32 $_scs_section_size  }
0x9a: {  	s5 =	simm.s32 $_size__tile_overlayer_lowered;
	s6 =	simm.s32 $_tile_overlayer_lowered  }
0x9b: {  	s22 =	simm.s32 $0x1BFF;
	s21 =	sshll.u32 s6, $0x1;
	s3 =	sadd.s32 s4, s19  }
0x9c: {  	s7 =	simm.s32 $0x0;
	s20 =	sshll.u32 s5, $0x1;
	s5 =	sadd.s32 s21, s3  }
0x9d: {  	[timem:s7], [sflag:s22] =	dma.local [hbm:s5], s20  }
0x9e: {  	_ =	swait.ge [sflag:s22], s20  }
0x9f: {  	s4 =	ssub.s32 $0x0, s20;
	[sflag:s22] =	ssyncset.done $0x0  }
0xa0: {  	[sflag:s22] =	ssyncadd.s32 s4;
	_ =	sdelay $0x1  }
0xa1: {  	s23 =	simm.s32 $0x1B8B  }
0xa2: {  	_ =	swait.ge [sflag:s23], $0x1  }
0xa3: {  	[sflag:s23] =	ssyncset.done $0x0  }
0xa4: {  	s25 =	simm.s32 $0x1B8E;
	s24 =	sld [smem:$0x3FFE];
	[sflag:s23] =	ssyncadd.s32 $0xFFFFFFFF  }
0xa5: {  	s26 =	simm.s32 $execute0_lowered;
	[smem:$0x3FD2] =	sst s25  }
0xa6: {  	s5 =	sshll.u32 s26, $0x1;
	_ =	strace $0x80000046;
	[dreg:$0x1] =	wrdreg $0xFFFFFFFF  }
0xa7: {  	s28 =	simm.s32 $_size_execute0_lowered;
	s3 =	sadd.s32 s3, s5;
	[dreg:$0x0] =	wrdreg $0x0  }
0xa8: {  	s5 =	sshll.u32 s28, $0x1;
	[dreg:$0x2] =	wrdreg s3  }
0xa9: {  	[dreg:$0x3] =	wrdreg s5  }
0xaa: {  	[dreg:$0x4] =	wrdreg $0xC0  }
0xab: {  	_ =	task [dreg:s7], $0x5FFFF  }
0xac: {  	[dreg:$0x1] =	wrdreg $0xFFFFFFFF  }
0xad: {  	[dreg:$0x0] =	wrdreg $0x60  }
0xae: {  	[dreg:$0x2] =	wrdreg s24  }
0xaf: {  	[dreg:$0x3] =	wrdreg s2  }
0xb0: {  	[dreg:$0x4] =	wrdreg $0x9  }
0xb1: {  	_ =	task.clear_ibuf [dreg:s7], $0x5FFFF;
	_ =	strace $0x90000046  }
0xb2: {  	s29 =	simm.s32 $0x9;
	_ =	strace $0x80000048  }
0xb3: {  	_ =	swait.ge [sflag:s29], $0x1  }
0xb4: {  	[sflag:s29] =	ssyncadd.s32 $0xFFFFFFFF  }
0xb5: {  	_ =	strace $0x90000048  }
0xb6: {  	_ =	sfence  }
0xb7: {  	s30 =	sld [smem:$0x0];
	_ =	sdelay $0x2  }
0xb8: {  	s31 =	sshll.u32 s1, $0xD;
	s1 =	sshrl.u32 s1, $0x2  }
0xb9: {  	s3 =	sand.u32 $0x4000, s31;
	s1 =	sadd.s32 s1, s30  }
0xba: {  	s0 =	sor.u32 s3, s0;
	s1 =	sshll.u32 s1, $0x11  }
0xbb: {  	s0 =	sor.u32 s1, s0  }
0xbc: {  	s0 =	sadd.s32 $0x8F2B, s0  }
0xbd: {  	[sflag:s0] =	ssyncadd.remote.s32 $0x1  }
0xbe: {  	_ =	sfence.sel $0xFFFF  }
0xbf: {  	[dreg:$0x0] =	wrdreg $0xFFFFFFFF;
	(pc) =	sbr.abs _section_cstart, $3  }
0xc0: {  	[dreg:$0x1] =	wrdreg $0xFFFFFFFF  }
0xc1: {  	_ =	task.clear_ibuf [dreg:s7], $0x2FFFF;
	_ =	strace $0x9FFFFFFF  }
0xc2: {  	(tm) =	ssettm $0x7FFFFFFF  }
0xc3: {  	_ =	shalt  }
tec
execute0_lowered:
.L_overlay_start_1:
0x0: {  	(tag) =	ssettag $0x1  }
0x1: {  	s0 =	srdreg.scid;
	s1 =	rddreg [dreg:$0x0]  }
0x2: {  	s5 =	rddreg [dreg:$0x1];
	s13 =	stileid.u32  }
0x3: {  	s2 =	simm.s32 $0x0;
	s14 =	simm.s32 $0x7;
	s16 =	simm.s32 $0x28  }
0x4: {  	s17 =	simm.s32 $0x7D0;
	s18 =	simm.s32 $0x43D0;
	s19 =	simm.s32 $0x1BD0  }
0x5: {  	s28 =	simm.s32 $0x4;
	s29 =	simm.s32 $0x5;
	s30 =	simm.s32 $0x6  }
0x6: {  	s31 =	simm.s32 $0x2;
	s0 =	sand.u32 $0x1, s0;
	s8 =	smul.u32 $0x3E8, s13  }
0x7: {  	[smem:$0x7FF] =	sst s2;
	s4 =	sadd.s32 $0x97A00, s1;
	s26 =	smul.u32 $0x3E80, s13  }
0x8: {  	s12 =	sadd.s32 $0x123C00, s1;
	s3 =	sshll.u32 s0, $0x4;
	s7 =	smul.u32 $0x3E80, s0  }
0x9: {  	s10 =	ssub.s32 $0x2, s0;
	s0 =	smul.u32 $0x3E800, s0;
	s3 =	sor.u32 s13, s3  }
0xa: {  	_ =	strace $0x80000047;
	s11 =	sshrl.u32 s10, $0x1;
	s6 =	smul.u32 $0x3E8, s3  }
0xb: {  	s3 =	sadd.s32 $0x93A00, s1;
	s7 =	sadd.s32 s8, s7;
	s21 =	ssub.s32 s10, s11  }
0xc: {  	s22 =	sshll.u32 s7, $0x4;
	s24 =	smax.u32 s21, $0x1;
	s21 =	simm.s32 $0x57D0  }
0xd: {  	s6 =	sshrl.u32 s6, $0x3;
	[dreg:$0x5] =	wrdreg s24;
	s25 =	sadd.s32 $0x500, s22  }
0xe: {  	s9 =	sadd.s32 s6, s1;
	s1 =	sadd.s32 $0x1A0C00, s1;
	s5 =	sadd.s32 s5, s6  }
0xf: {  	s8 =	sadd.s32 s25, s12;
	[dreg:$0x3] =	wrdreg s5;
	s23 =	sadd.s32 $0x9BA00, s9  }
.Ltmp0:
0x10: {  	s5 =	sadd.s32 $0x280, s22;
	s9 =	sadd.s32 s25, s1;
	(pc) =	sbr.rel .LBB2_1-.Ltmp0, $4  }
0x11: {  	s25 =	simm.s32 $0x6BD0;
	[dreg:$0x4] =	wrdreg s23;
	s10 =	sadd.s32 s5, s12  }
0x12: {  	s11 =	sadd.s32 s5, s1;
	s1 =	sadd.s32 s0, s1;
	s0 =	sadd.s32 s0, s12  }
0x13: {  	s23 =	simm.s32 $0x2FD0;
	s12 =	sadd.s32 s26, s1;
	s13 =	sadd.s32 s26, s0  }
0x14: {  	s26 =	simm.s32 $0x1;
	s0 =	simm.s32 $0x3;
	s1 =	simm.s32 $0x0  }
.LBB2_4:
0x15: {  	_ =	swait.ge [sflag:s28], $0x1400  }
0x16: {  	[sflag:s28] =	ssyncset.done $0x0  }
0x17: {  	[sflag:s28] =	ssyncadd.s32 $0xFFFFEC00  }
0x18: {  	_ =	swait.ge [sflag:s28], $0x1400  }
0x19: {  	[sflag:s28] =	ssyncset.done $0x0  }
0x1a: {  	[sflag:s28] =	ssyncadd.s32 $0xFFFFEC00  }
0x1b: {  	_ =	swait.ge [sflag:s29], $0x1400  }
0x1c: {  	[sflag:s29] =	ssyncset.done $0x0  }
0x1d: {  	[sflag:s29] =	ssyncadd.s32 $0xFFFFEC00  }
0x1e: {  	_ =	swait.ge [sflag:s29], $0x1400  }
0x1f: {  	[sflag:s29] =	ssyncset.done $0x0  }
0x20: {  	[sflag:s29] =	ssyncadd.s32 $0xFFFFEC00  }
0x21: {  	_ =	swait.ge [sflag:s30], $0x1400  }
0x22: {  	[sflag:s30] =	ssyncset.done $0x0  }
0x23: {  	[sflag:s30] =	ssyncadd.s32 $0xFFFFEC00  }
0x24: {  	_ =	swait.ge [sflag:s30], $0x1400  }
0x25: {  	s1 =	sadd.s32 $0x1, s1;
	s5 =	rddreg [dreg:$0x5]  }
0x26: {  	p0 =	sne.s32 s1, s5  }
.Ltmp1:
0x27: {  	_ = 	snop;
	(pc) =	sbr.rel @!p0 .LBB2_5-.Ltmp1, $3  }
0x28: {  	_ =	sdelay $0x1  }
0x29: {  	[sflag:s30] =	ssyncset.done $0x0  }
0x2a: {  	[sflag:s30] =	ssyncadd.s32 $0xFFFFEC00  }
.LBB2_1:
0x2b: {  	s5 =	rddreg [dreg:$0x3]  }
0x2c: {  	[tilespmem:s2], [sflag:$0x7] =	stream.linear.gather [hbm4b:s5+s2], $0x3E8, $0x38;
	[tilespmem:$0x7FD0] =	vst v63  }
0x2d: {  	_ =	swait.ge [sflag:s14], $0x3E8  }
0x2e: {  	[sflag:s14] =	ssyncset.done $0x0  }
0x2f: {  	s6 =	simm.s32 $0x3E8;
	s15 =	rddreg [dreg:$0x4];
	[sflag:s14] =	ssyncadd.s32 $0xFFFFFC18  }
0x30: {  	[tilespmem:s6], [sflag:$0x7] =	stream.linear.gather [hbm4b:s15+s2], $0x3E8, $0x38;
	[tilespmem:$0x7FD0] =	vst v63  }
0x31: {  	_ =	swait.ge [sflag:s14], $0x3E8  }
0x32: {  	[sflag:s14] =	ssyncset.done $0x0  }
0x33: {  	[sflag:s14] =	ssyncadd.s32 $0xFFFFFC18  }
0x34: {  	[tilespmem:s17], [sflag:$0x1] =	stream.indirect.gather [hbm4b:s3+s16], $0x80, s2, s16, $0xb8;
	[tilespmem:$0x7FD0] =	vst v63  }
0x35: {  	_ = 	snop  }
0x36: {  	[tilespmem:s18], [sflag:$0x1] =	stream.indirect.gather [hbm4b:s4+s16], $0x80, s6, s16, $0xb8;
	[tilespmem:$0x7FD0] =	vst v63  }
0x37: {  	_ = 	snop  }
0x38: {  	[tilespmem:s19], [sflag:$0x2] =	stream.indirect.gather [hbm4b:s3+s16], $0x80, s16, s16, $0xb8;
	[tilespmem:$0x7FD0] =	vst v63  }
0x39: {  	s20 =	simm.s32 $0x410  }
0x3a: {  	[tilespmem:s21], [sflag:$0x2] =	stream.indirect.gather [hbm4b:s4+s16], $0x80, s20, s16, $0xb8;
	[tilespmem:$0x7FD0] =	vst v63  }
0x3b: {  	s22 =	simm.s32 $0x50  }
0x3c: {  	[tilespmem:s23], [sflag:$0x3] =	stream.indirect.gather [hbm4b:s3+s16], $0x80, s22, s16, $0xb8;
	[tilespmem:$0x7FD0] =	vst v63  }
0x3d: {  	s24 =	simm.s32 $0x438  }
0x3e: {  	[tilespmem:s25], [sflag:$0x3] =	stream.indirect.gather [hbm4b:s4+s16], $0x80, s24, s16, $0xb8;
	[tilespmem:$0x7FD0] =	vst v63  }
0x3f: {  	s20 =	simm.s32 $0x0;
	s22 =	simm.s32 $0x0;
	s24 =	simm.s32 $0x0  }
.LBB2_2:
0x40: {  	p0 =	seq.s32 s22, $0x0  }
0x41: {  	s5 =	simm.s32 @!p0 $0x4  }
0x42: {  	_ =	swait.ge @!p0 [sflag:s5], $0x1400  }
0x43: {  	[sflag:s5] =	ssyncset.done @!p0 $0x0  }
0x44: {  	[sflag:s5] =	ssyncadd.s32 @!p0 $0xFFFFEC00  }
0x45: {  	_ =	swait.ge @!p0 [sflag:s5], $0x1400  }
0x46: {  	[sflag:s5] =	ssyncset.done @!p0 $0x0  }
0x47: {  	[sflag:s5] =	ssyncadd.s32 @!p0 $0xFFFFEC00  }
0x48: {  	_ =	swait.ge [sflag:s26], $0x1400  }
0x49: {  	[sflag:s26] =	ssyncset.done $0x0  }
0x4a: {  	[sflag:s26] =	ssyncadd.s32 $0xFFFFEC00  }
0x4b: {  	p1 =	seq.s32 s22, $0x3C00;
	_ =	swait.ge [sflag:s26], $0x1400  }
.Ltmp2:
0x4c: {  	[sflag:s26] =	ssyncset.done $0x0;
	(pc) =	sbr.rel @p1 .LBB2_4-.Ltmp2, $4  }
0x4d: {  	s7 =	sadd.s32 s22, s13;
	[sflag:s26] =	ssyncadd.s32 $0xFFFFEC00  }
0x4e: {  	[hbm4b:s7+s2] =	stream.linear.scatter [tilespmem:s17], [sflag:$0x4], $0x1400, $0x38;
	[tilespmem:$0x7FD0] =	vst v63  }
0x4f: {  	s15 =	sadd.s32 s22, s12  }
0x50: {  	[hbm4b:s15+s2] =	stream.linear.scatter [tilespmem:s18], [sflag:$0x4], $0x1400, $0x38;
	[tilespmem:$0x7FD0] =	vst v63  }
0x51: {  	s5 =	sshra.s32 s20, $0x2  }
0x52: {  	s6 =	sadd.s32 $0x78, s5  }
0x53: {  	[tilespmem:s17], [sflag:$0x1] =	stream.indirect.gather [hbm4b:s3+s16], $0x80, s6, s16, $0xb8;
	[tilespmem:$0x7FD0] =	vst v63  }
0x54: {  	s5 =	sadd.s32 $0x460, s5  }
0x55: {  	[tilespmem:s18], [sflag:$0x1] =	stream.indirect.gather [hbm4b:s4+s16], $0x80, s5, s16, $0xb8;
	[tilespmem:$0x7FD0] =	vst v63  }
0x56: {  	s5 =	simm.s32 @!p0 $0x5  }
0x57: {  	_ =	swait.ge @!p0 [sflag:s5], $0x1400  }
0x58: {  	[sflag:s5] =	ssyncset.done @!p0 $0x0  }
0x59: {  	[sflag:s5] =	ssyncadd.s32 @!p0 $0xFFFFEC00  }
0x5a: {  	_ =	swait.ge @!p0 [sflag:s5], $0x1400  }
0x5b: {  	[sflag:s5] =	ssyncset.done @!p0 $0x0  }
0x5c: {  	[sflag:s5] =	ssyncadd.s32 @!p0 $0xFFFFEC00  }
0x5d: {  	_ =	swait.ge [sflag:s31], $0x1400  }
0x5e: {  	[sflag:s31] =	ssyncset.done $0x0  }
0x5f: {  	[sflag:s31] =	ssyncadd.s32 $0xFFFFEC00  }
0x60: {  	_ =	swait.ge [sflag:s31], $0x1400  }
0x61: {  	[sflag:s31] =	ssyncset.done $0x0  }
0x62: {  	s6 =	sadd.s32 s22, s10;
	p0 =	sgt.u32 s24, $0x6;
	[sflag:s31] =	ssyncadd.s32 $0xFFFFEC00  }
0x63: {  	[hbm4b:s6+s2] =	stream.linear.scatter [tilespmem:s19], [sflag:$0x5], $0x1400, $0x38;
	[tilespmem:$0x7FD0] =	vst v63  }
0x64: {  	s7 =	sadd.s32 s22, s11;
	s5 =	sshra.s32 @!p0 s20, $0x2;
	s15 =	simm.s32 @!p0 $0x1BD0  }
0x65: {  	[hbm4b:s7+s2] =	stream.linear.scatter [tilespmem:s21], [sflag:$0x5], $0x1400, $0x38;
	[tilespmem:$0x7FD0] =	vst v63  }
0x66: {  	p1 =	seq.s32 @!p0 s22, $0x0;
	s6 =	simm.s32 @!p0 $0x28;
	s7 =	sadd.s32 @!p0 $0xA0, s5  }
0x67: {  	[tilespmem:s15], [sflag:$0x2] =	stream.indirect.gather @!p0 [hbm4b:s3+s6], $0x80, s7, s6, $0xb8;
	[tilespmem:$0x7FD0] =	vst v63  }
0x68: {  	p1 =	por p0, !p1;
	s7 =	sadd.s32 @!p0 $0x488, s5;
	s15 =	simm.s32 @!p0 $0x57D0  }
0x69: {  	[tilespmem:s15], [sflag:$0x2] =	stream.indirect.gather @!p0 [hbm4b:s4+s6], $0x80, s7, s6, $0xb8;
	[tilespmem:$0x7FD0] =	vst v63  }
0x6a: {  	_ =	swait.ge @p1 [sflag:s30], $0x1400  }
0x6b: {  	[sflag:s30] =	ssyncset.done @p1 $0x0  }
0x6c: {  	[sflag:s30] =	ssyncadd.s32 @p1 $0xFFFFEC00  }
0x6d: {  	_ =	swait.ge @p1 [sflag:s30], $0x1400  }
0x6e: {  	[sflag:s30] =	ssyncset.done @p1 $0x0  }
0x6f: {  	[sflag:s30] =	ssyncadd.s32 @p1 $0xFFFFEC00  }
0x70: {  	_ =	swait.ge [sflag:s0], $0x1400  }
0x71: {  	[sflag:s0] =	ssyncset.done $0x0  }
0x72: {  	[sflag:s0] =	ssyncadd.s32 $0xFFFFEC00  }
0x73: {  	_ =	swait.ge [sflag:s0], $0x1400  }
0x74: {  	[sflag:s0] =	ssyncset.done $0x0  }
0x75: {  	s15 =	sadd.s32 s22, s8;
	[sflag:s0] =	ssyncadd.s32 $0xFFFFEC00  }
0x76: {  	[hbm4b:s15+s2] =	stream.linear.scatter [tilespmem:s23], [sflag:$0x6], $0x1400, $0x38;
	[tilespmem:$0x7FD0] =	vst v63  }
0x77: {  	s15 =	sadd.s32 s22, s9  }
0x78: {  	[hbm4b:s15+s2] =	stream.linear.scatter [tilespmem:s25], [sflag:$0x6], $0x1400, $0x38;
	[tilespmem:$0x7FD0] =	vst v63  }
0x79: {  	s7 =	sadd.s32 @!p0 $0xC8, s5;
	s15 =	simm.s32 @!p0 $0x2FD0  }
0x7a: {  	[tilespmem:s15], [sflag:$0x3] =	stream.indirect.gather @!p0 [hbm4b:s3+s6], $0x80, s7, s6, $0xb8;
	[tilespmem:$0x7FD0] =	vst v63  }
0x7b: {  	s5 =	sadd.s32 @!p0 $0x4B0, s5;
	s22 =	sadd.s32 $0x780, s22;
	s7 =	simm.s32 @!p0 $0x6BD0  }
0x7c: {  	[tilespmem:s7], [sflag:$0x3] =	stream.indirect.gather @!p0 [hbm4b:s4+s6], $0x80, s5, s6, $0xb8;
	[tilespmem:$0x7FD0] =	vst v63  }
0x7d: {  	p0 =	sne.s32 s22, $0x4380  }
.Ltmp3:
0x7e: {  	_ = 	snop;
	(pc) =	sbr.rel @p0 .LBB2_2-.Ltmp3, $4  }
.Ltmp4:
0x7f: {  	_ = 	snop;
	(pc) =	sbr.rel @!p0 .LBB2_4-.Ltmp4, $4  }
0x80: {  	_ = 	snop  }
0x81: {  	_ = 	snop  }
0x82: {  	s24 =	sadd.s32 $0x1, s24;
	s20 =	sadd.s32 $0x1E0, s20  }
0x83: {  	_ = 	snop  }
.LBB2_5:
0x84: {  	_ =	sfence.sel $0x180000  }
0x85: {  	[bflag:$0x0] =	sbarrier.arrive $0xFFFF  }
0x86: {  	_ =	strace $0x90000047  }
0x87: {  	s0 =	stileid.u32;
	[bflag:$0x2] =	sbarrier.arrive $0xFFFF  }
0x88: {  	p0 =	sne.s32 s0, $0x0;
	s0 =	rddreg [dreg:$0x2]  }
0x89: {  	s0 =	sadd.s32 @!p0 $0x100000, s0  }
0x8a: {  	[sflag:s0] =	ssyncadd.tile.s32 @!p0 $0x1;
	_ =	shalt  }
.Lfunc_end2:
_tile_overlayer_lowered:
.L_overlay_start_2:
0x8b: {  	(tag) =	ssettag $0x2  }
0x8c: {  	s0 =	rddreg [dreg:$0x0];
	s2 =	stileid.u32  }
0x8d: {  	s1 =	rddreg [dreg:$0x1];
	p0 =	sne.s32 s2, $0x0  }
0x8e: {  	s3 =	rddreg [dreg:$0x2];
	[bflag:$0x3] =	sbarrier.arrive $0xFFFF;
	s2 =	simm.s32 @!p0 $0x1C07  }
0x8f: {  	[timem:s3], [sflag:s2] =	dma.local @!p0 [hbm:s0], s1  }
0x90: {  	s0 =	simm.s32 @!p0 $0x7  }
0x91: {  	_ =	swait.ge @!p0 [sflag:s0], s1  }
0x92: {  	s1 =	ssub.s32 @!p0 $0x0, s1;
	[sflag:s0] =	ssyncset.done @!p0 $0x0  }
0x93: {  	[sflag:s0] =	ssyncadd.s32 @!p0 s1  }
0x94: {  	[bflag:$0x3] =	sbarrier.arrive $0xFFFF  }
0x95: {  	_ =	shalt  }

// kernel: closed_call.29.cloned.1.call-start
scs
__scs_entry_jumppad:
0x0: {  	(pc) =	sbr.rel $0x88, $3  }
0x1: {  	(tag) =	ssettag $0x0;
	lr =	simm.s32 $0x1  }
0x2: {  	[smem:$0x3F66] =	sst lr;
	_ =	strace $0xD0000000  }
0x3: {  	_ = 	snop  }
0x4: {  	_ = 	snop  }
0x5: {  	_ = 	snop  }
0x6: {  	_ = 	snop  }
0x7: {  	_ = 	snop  }
__scs_overlays_trampoline_lowered:
0x8: {  	[smem:$0x3F75] =	sst s0  }
0x9: {  	[smem:$0x3F76] =	sst s1  }
0xa: {  	[smem:$0x3F77] =	sst s2  }
0xb: {  	[smem:$0x3F78] =	sst s3  }
0xc: {  	[smem:$0x3F79] =	sst s4  }
0xd: {  	[smem:$0x3F7A] =	sst s5  }
0xe: {  	[smem:$0x3F7B] =	sst s6  }
0xf: {  	[smem:$0x3F7C] =	sst s7  }
0x10: {  	[smem:$0x3F7D] =	sst s8  }
0x11: {  	[smem:$0x3F7E] =	sst s9;
	s0 =	simm.s32 @!p0 $0x0  }
0x12: {  	s1 =	sld [smem:$0x3F64];
	s0 =	simm.s32 @p0 $0x1  }
0x13: {  	[smem:$0x3F7F] =	sst s0;
	s0 =	simm.s32 @!p1 $0x0  }
0x14: {  	s2 =	sld [smem:$0x3F63];
	s0 =	simm.s32 @p1 $0x1  }
0x15: {  	[smem:$0x3F80] =	sst s0;
	s0 =	simm.s32 @!p2 $0x0  }
0x16: {  	s3 =	sld [smem:$0x3FDB];
	s0 =	simm.s32 @p2 $0x1  }
0x17: {  	s4 =	simm.s32 $0x1BF5;
	[smem:$0x3F82] =	sst s0  }
0x18: {  	s0 =	sld [smem:$0x3F65];
	_ =	swait.ge [sflag:s4], $0x0  }
0x19: {  	s7 =	sld [smem:$0x3F66]  }
0x1a: {  	s8 =	sadd.s32 $0xFFFFE003, lr  }
0x1b: {  	s9 =	sadd.s32 $0xFFFFFEF7, lr;
	s5 =	simm.s32 $0xFFFFFFFF;
	p2 =	slt.u32 s8, $0xFFFFF086  }
0x1c: {  	p1 =	slt.u32 s9, $0xF7A;
	s5 =	simm.s32 @!p2 $0x0  }
0x1d: {  	s5 =	simm.s32 @p1 $0x1;
	p0 =	seq.s32 s7, s2  }
0x1e: {  	s7 =	smul.u32 @!p0 $0xF7A, s2;
	p2 =	seq.s32 @!p0 s5, $0x0  }
0x1f: {  	s9 =	smul.u32 $0xF7A, s1;
	s8 =	simm.s32 @!p0 $0x1BF5;
	p2 =	por !p2, p0  }
0x20: {  	[sflag:s8] =	ssyncset.s32 @!p0 $0xFFFFF086;
	s6 =	sadd.s32 @!p0 s3, s7;
	s7 =	simm.s32 @!p0 $0x108  }
0x21: {  	s3 =	sadd.s32 s3, s9;
	s6 =	sadd.s32 @!p0 $0x88, s6;
	s7 =	simm.s32 @p2 $0x1082  }
0x22: {  	[simem:s7], [sflag:s8] =	dma.local @!p0 [hbm:s6], $0xF7A  }
0x23: {  	s9 =	sor.u32 $0xD0000000, s2;
	s6 =	simm.s32 $0x108;
	_ =	swait.ge @!p0 [sflag:s8], $0x0  }
0x24: {  	s3 =	sadd.s32 $0x88, s3;
	s6 =	simm.s32 @!p1 $0x1082;
	[sflag:s4] =	ssyncset.s32 $0xFFFFF086  }
0x25: {  	[simem:s6], [sflag:s4] =	dma.local [hbm:s3], $0xF7A  }
0x26: {  	[smem:$0x3F66] =	sst s1;
	(tag) =	ssettag s2;
	_ =	strace s9  }
0x27: {  	s1 =	sld [smem:$0x3F76]  }
0x28: {  	s2 =	sld [smem:$0x3F77]  }
0x29: {  	s4 =	sld [smem:$0x3F79]  }
0x2a: {  	p0 =	seq.s32 s5, $0x0;
	s5 =	sld [smem:$0x3F7A]  }
0x2b: {  	s6 =	sld [smem:$0x3F7B]  }
0x2c: {  	s7 =	sld [smem:$0x3F7C]  }
0x2d: {  	s3 =	simm.s32 $0x108;
	s8 =	sld [smem:$0x3F7D]  }
0x2e: {  	s3 =	simm.s32 @!p0 $0x1082;
	s9 =	sld [smem:$0x3F7E]  }
0x2f: {  	lr =	sadd.s32 s0, s3;
	s0 =	sld [smem:$0x3F75]  }
0x30: {  	s3 =	sld [smem:$0x3F78]  }
0x31: {  	[smem:$0x3F81] =	sst s10  }
0x32: {  	s10 =	sld [smem:$0x3F7F];
	_ =	sdelay $0x3  }
0x33: {  	p0 =	seq.s32 s10, $0x1;
	s10 =	sld [smem:$0x3F81];
	_ =	sdelay $0x3  }
0x34: {  	[smem:$0x3F81] =	sst s10  }
0x35: {  	s10 =	sld [smem:$0x3F80];
	_ =	sdelay $0x3  }
0x36: {  	p1 =	seq.s32 s10, $0x1;
	s10 =	sld [smem:$0x3F81];
	_ =	sdelay $0x3  }
0x37: {  	[smem:$0x3F81] =	sst s10  }
0x38: {  	s10 =	sld [smem:$0x3F82]  }
0x39: {  	_ = 	snop;
	(pc) =	sbr.ind lr, $3  }
0x3a: {  	_ = 	snop  }
0x3b: {  	_ = 	snop  }
0x3c: {  	p2 =	seq.s32 s10, $0x1;
	s10 =	sld [smem:$0x3F81]  }
0x3d: {  	_ =	shalt  }
0x3e: {  	_ =	shalt  }
0x3f: {  	_ =	shalt  }
0x40: {  	_ =	shalt  }
0x41: {  	_ =	shalt  }
0x42: {  	_ =	shalt  }
0x43: {  	_ =	shalt  }
0x44: {  	_ =	shalt  }
0x45: {  	_ =	shalt  }
0x46: {  	_ =	shalt  }
0x47: {  	_ =	shalt  }
0x48: {  	_ =	shalt  }
0x49: {  	_ =	shalt  }
0x4a: {  	_ =	shalt  }
0x4b: {  	_ =	shalt  }
0x4c: {  	_ =	shalt  }
0x4d: {  	_ =	shalt  }
0x4e: {  	_ =	shalt  }
0x4f: {  	_ =	shalt  }
0x50: {  	_ =	shalt  }
0x51: {  	_ =	shalt  }
0x52: {  	_ =	shalt  }
0x53: {  	_ =	shalt  }
0x54: {  	_ =	shalt  }
0x55: {  	_ =	shalt  }
0x56: {  	_ =	shalt  }
0x57: {  	_ =	shalt  }
0x58: {  	_ =	shalt  }
0x59: {  	_ =	shalt  }
0x5a: {  	_ =	shalt  }
0x5b: {  	_ =	shalt  }
0x5c: {  	_ =	shalt  }
0x5d: {  	_ =	shalt  }
0x5e: {  	_ =	shalt  }
0x5f: {  	_ =	shalt  }
0x60: {  	_ =	shalt  }
0x61: {  	_ =	shalt  }
0x62: {  	_ =	shalt  }
0x63: {  	_ =	shalt  }
0x64: {  	_ =	shalt  }
0x65: {  	_ =	shalt  }
0x66: {  	_ =	shalt  }
0x67: {  	_ =	shalt  }
0x68: {  	_ =	shalt  }
0x69: {  	_ =	shalt  }
0x6a: {  	_ =	shalt  }
0x6b: {  	_ =	shalt  }
0x6c: {  	_ =	shalt  }
0x6d: {  	_ =	shalt  }
0x6e: {  	_ =	shalt  }
0x6f: {  	_ =	shalt  }
0x70: {  	_ =	shalt  }
0x71: {  	_ =	shalt  }
0x72: {  	_ =	shalt  }
0x73: {  	_ =	shalt  }
0x74: {  	_ =	shalt  }
0x75: {  	_ =	shalt  }
0x76: {  	_ =	shalt  }
0x77: {  	_ =	shalt  }
0x78: {  	_ =	shalt  }
0x79: {  	_ =	shalt  }
0x7a: {  	_ =	shalt  }
0x7b: {  	_ =	shalt  }
0x7c: {  	_ =	shalt  }
0x7d: {  	_ =	shalt  }
0x7e: {  	_ =	shalt  }
0x7f: {  	_ =	shalt  }
0x80: {  	_ =	shalt  }
0x81: {  	_ =	shalt  }
0x82: {  	_ =	shalt  }
0x83: {  	_ =	shalt  }
0x84: {  	_ =	shalt  }
0x85: {  	_ =	shalt  }
0x86: {  	_ =	shalt  }
0x87: {  	_ =	shalt  }
.Lfunc_end0:
.L_simem_size_0:
called_computation.1_lowered:
.L_overlay_start_0:
0x88: {  	s2 =	sld [smem:$0x3FD9]  }
0x89: {  	s3 =	sld [smem:$0x3FFE];
	_ =	sdelay $0x1  }
0x8a: {  	s1 =	srdreg.scid  }
0x8b: {  	s0 =	sand.u32 $0x1, s1  }
0x8c: {  	s17 =	sshll.u32 s0, $0xA;
	s2 =	sadd.s32 s3, s2  }
0x8d: {  	s2 =	sadd.s32 s2, s17  }
0x8e: {  	[smem:$0x3F8D] =	sst s2  }
0x8f: {  	_ = 	snop  }
0x90: {  	s2 =	sld [smem:$0x3FD0];
	(tm) =	ssettm $0x1  }
0x91: {  	s18 =	sld [smem:$0x3FFB];
	_ =	sdelay $0x3  }
0x92: {  	_ =	strace s18  }
0x93: {  	s3 =	sld [smem:$0x3FFC];
	_ =	sdelay $0x3  }
0x94: {  	_ =	strace s3  }
0x95: {  	s3 =	sld [smem:$0x3FFD];
	_ =	sdelay $0x3  }
0x96: {  	_ =	strace s3  }
0x97: {  	_ =	strace $0x8FFFFFFF  }
0x98: {  	s19 =	sld [smem:$0x3FDB];
	_ =	sdelay $0x1  }
0x99: {  	s4 =	simm.s32 $_scs_section_size  }
0x9a: {  	s5 =	simm.s32 $_size__tile_overlayer_lowered;
	s6 =	simm.s32 $_tile_overlayer_lowered  }
0x9b: {  	s22 =	simm.s32 $0x1BFF;
	s21 =	sshll.u32 s6, $0x1;
	s3 =	sadd.s32 s4, s19  }
0x9c: {  	s7 =	simm.s32 $0x0;
	s20 =	sshll.u32 s5, $0x1;
	s5 =	sadd.s32 s21, s3  }
0x9d: {  	[timem:s7], [sflag:s22] =	dma.local [hbm:s5], s20  }
0x9e: {  	_ =	swait.ge [sflag:s22], s20  }
0x9f: {  	s4 =	ssub.s32 $0x0, s20;
	[sflag:s22] =	ssyncset.done $0x0  }
0xa0: {  	[sflag:s22] =	ssyncadd.s32 s4;
	_ =	sdelay $0x1  }
0xa1: {  	s23 =	simm.s32 $0x1B8B  }
0xa2: {  	_ =	swait.ge [sflag:s23], $0x1  }
0xa3: {  	[sflag:s23] =	ssyncset.done $0x0  }
0xa4: {  	s25 =	simm.s32 $0x1B8E;
	s24 =	sld [smem:$0x3FFE];
	[sflag:s23] =	ssyncadd.s32 $0xFFFFFFFF  }
0xa5: {  	s26 =	simm.s32 $execute0_lowered;
	[smem:$0x3FD2] =	sst s25  }
0xa6: {  	s5 =	sshll.u32 s26, $0x1;
	_ =	strace $0x80000049;
	[dreg:$0x1] =	wrdreg $0xFFFFFFFF  }
0xa7: {  	s28 =	simm.s32 $_size_execute0_lowered;
	s3 =	sadd.s32 s3, s5;
	[dreg:$0x0] =	wrdreg $0x0  }
0xa8: {  	s5 =	sshll.u32 s28, $0x1;
	[dreg:$0x2] =	wrdreg s3  }
0xa9: {  	[dreg:$0x3] =	wrdreg s5  }
0xaa: {  	[dreg:$0x4] =	wrdreg $0xC0  }
0xab: {  	_ =	task [dreg:s7], $0x5FFFF  }
0xac: {  	[dreg:$0x1] =	wrdreg $0xFFFFFFFF  }
0xad: {  	[dreg:$0x0] =	wrdreg $0x60  }
0xae: {  	[dreg:$0x2] =	wrdreg s24  }
0xaf: {  	[dreg:$0x3] =	wrdreg s2  }
0xb0: {  	[dreg:$0x4] =	wrdreg $0x7FD00  }
0xb1: {  	[dreg:$0x5] =	wrdreg $0x9  }
0xb2: {  	_ =	task.clear_ibuf [dreg:s7], $0x6FFFF;
	_ =	strace $0x90000049  }
0xb3: {  	s29 =	simm.s32 $0x9;
	_ =	strace $0x8000004B  }
0xb4: {  	_ =	swait.ge [sflag:s29], $0x1  }
0xb5: {  	[sflag:s29] =	ssyncadd.s32 $0xFFFFFFFF  }
0xb6: {  	_ =	strace $0x9000004B  }
0xb7: {  	_ =	sfence  }
0xb8: {  	s30 =	sld [smem:$0x0];
	_ =	sdelay $0x2  }
0xb9: {  	s31 =	sshll.u32 s1, $0xD;
	s1 =	sshrl.u32 s1, $0x2  }
0xba: {  	s3 =	sand.u32 $0x4000, s31;
	s1 =	sadd.s32 s1, s30  }
0xbb: {  	s0 =	sor.u32 s3, s0;
	s1 =	sshll.u32 s1, $0x11  }
0xbc: {  	s0 =	sor.u32 s1, s0  }
0xbd: {  	s0 =	sadd.s32 $0x8F2B, s0  }
0xbe: {  	[sflag:s0] =	ssyncadd.remote.s32 $0x1  }
0xbf: {  	_ =	sfence.sel $0xFFFF  }
0xc0: {  	[dreg:$0x0] =	wrdreg $0xFFFFFFFF;
	(pc) =	sbr.abs _section_cstart, $3  }
0xc1: {  	[dreg:$0x1] =	wrdreg $0xFFFFFFFF  }
0xc2: {  	_ =	task.clear_ibuf [dreg:s7], $0x2FFFF;
	_ =	strace $0x9FFFFFFF  }
0xc3: {  	(tm) =	ssettm $0x7FFFFFFF  }
tec
execute0_lowered:
.L_overlay_start_1:
0x0: {  	(tag) =	ssettag $0x1  }
0x1: {  	s0 =	rddreg [dreg:$0x0]  }
0x2: {  	s4 =	rddreg [dreg:$0x1]  }
0x3: {  	s1 =	rddreg [dreg:$0x2];
	s2 =	srdreg.scid;
	s3 =	simm.s32 $0x0  }
0x4: {  	s16 =	stileid.u32;
	p2 =	por $0x0, $0x0;
	s28 =	simm.s32 $0x43D0  }
0x5: {  	s29 =	simm.s32 $0x1BD0;
	s30 =	simm.s32 $0x57D0;
	s31 =	simm.s32 $0x2FD0  }
0x6: {  	s5 =	sand.u32 $0x1, s2;
	[smem:$0x7FF] =	sst s3;
	s7 =	smul.u32 $0x6400, s16  }
0x7: {  	s8 =	sadd.s32 $0x123C00, s0;
	p0 =	sgt.u32 s16, $0x4;
	s15 =	smul.u32 $0x19000, s16  }
0x8: {  	s13 =	sadd.s32 $0x21DC00, s0;
	s18 =	smul.u32 $0x3E8, s16;
	p1 =	sgt.u32 s16, $0x9  }
0x9: {  	s6 =	sshll.u32 s5, $0x4;
	_ =	strace $0x8000004A;
	s12 =	smul.u32 $0x3E800, s5  }
0xa: {  	s14 =	ssub.s32 $0x2, s5;
	s5 =	smul.u32 $0x3E80, s5;
	p2 =	por @!p1 p0, p0  }
0xb: {  	s6 =	sor.u32 s16, s6;
	s10 =	sadd.s32 $0xFFFE0C00, s7;
	s11 =	smov.u32 s7  }
0xc: {  	s24 =	sshrl.u32 s14, $0x1;
	s25 =	sshrl.u32 s15, $0x2;
	s9 =	smul.u32 $0x3E8, s6  }
0xd: {  	s17 =	sadd.s32 s7, s1;
	s11 =	smov.u32 @p0 s10;
	s26 =	smul.u32 $0x1F400, s6  }
0xe: {  	s12 =	sadd.s32 s7, s12;
	s2 =	sadd.s32 s25, s1;
	s6 =	smul.u32 $0x3E80, s6  }
0xf: {  	s5 =	sadd.s32 s18, s5;
	[dreg:$0x5] =	wrdreg s17;
	s7 =	simm.s32 $0x4  }
0x10: {  	s10 =	simm.s32 $0x0;
	s11 =	sshrl.u32 s11, $0x3;
	s12 =	sshrl.u32 s12, $0x3  }
0x11: {  	[dreg:$0x4] =	wrdreg s2;
	s9 =	sshrl.u32 s9, $0x3;
	s11 =	sadd.s32 s11, s0  }
0x12: {  	s19 =	sadd.s32 s8, s6;
	s6 =	sadd.s32 s13, s6;
	s23 =	sadd.s32 s9, s0  }
0x13: {  	s0 =	sadd.s32 s12, s0;
	s12 =	ssub.s32 s14, s24;
	[dreg:$0x8] =	wrdreg s19  }
0x14: {  	s4 =	sadd.s32 s4, s9;
	s9 =	sshrl.u32 s26, $0x3;
	[dreg:$0x9] =	wrdreg s6  }
0x15: {  	s25 =	sadd.s32 $0x93A00, s11;
	s6 =	simm.s32 $0x28;
	[dreg:$0x6] =	wrdreg s4  }
0x16: {  	s14 =	sadd.s32 $0x9CA00, s23;
	s15 =	sadd.s32 $0x280, s9;
	s4 =	sadd.s32 $0x500, s9  }
0x17: {  	s23 =	sshll.u32 s5, $0x4;
	s24 =	smax.u32 s12, $0x1;
	[dreg:$0xf] =	wrdreg s25  }
0x18: {  	s25 =	simm.s32 $0x1;
	s9 =	simm.s32 $0x3;
	[dreg:$0x7] =	wrdreg s14  }
0x19: {  	s20 =	sadd.s32 s8, s15;
	s21 =	sadd.s32 s13, s15;
	[dreg:$0xe] =	wrdreg s24  }
0x1a: {  	s22 =	sadd.s32 s8, s4;
	s4 =	sadd.s32 s13, s4;
	[dreg:$0xa] =	wrdreg s20  }
0x1b: {  	s14 =	sadd.s32 $0x9DA00, s0;
	s0 =	smov.u32 s17;
	[dreg:$0xb] =	wrdreg s21  }
0x1c: {  	s5 =	sadd.s32 $0xC80, s23;
	s26 =	sadd.s32 $0xA00, s23;
	[dreg:$0xc] =	wrdreg s22  }
0x1d: {  	s24 =	simm.s32 $0x7;
	[dreg:$0xd] =	wrdreg s4;
	s0 =	smov.u32 @p0 s2  }
.Ltmp0:
0x1e: {  	s17 =	sadd.s32 s5, s8;
	s18 =	sadd.s32 s5, s13;
	(pc) =	sbr.rel .LBB2_1-.Ltmp0, $4  }
0x1f: {  	s4 =	sadd.s32 $0x780, s23;
	s19 =	sadd.s32 s26, s8;
	s20 =	sadd.s32 s26, s13  }
0x20: {  	s26 =	simm.s32 $0x7D0;
	s5 =	simm.s32 $0x2;
	s21 =	sadd.s32 s4, s8  }
0x21: {  	s22 =	sadd.s32 s4, s13;
	s0 =	sshrl.u32 @!p1 s0, $0x3;
	s4 =	simm.s32 $0x5  }
0x22: {  	s8 =	simm.s32 $0x6;
	[dreg:$0x10] =	wrdreg s0;
	s0 =	simm.s32 $0x6BD0  }
.LBB2_4:
0x23: {  	_ =	swait.ge [sflag:s7], $0x1400  }
0x24: {  	[sflag:s7] =	ssyncset.done $0x0  }
0x25: {  	[sflag:s7] =	ssyncadd.s32 $0xFFFFEC00  }
0x26: {  	_ =	swait.ge [sflag:s7], $0x1400  }
0x27: {  	[sflag:s7] =	ssyncset.done $0x0  }
0x28: {  	[sflag:s7] =	ssyncadd.s32 $0xFFFFEC00  }
0x29: {  	_ =	swait.ge [sflag:s4], $0x1400  }
0x2a: {  	[sflag:s4] =	ssyncset.done $0x0  }
0x2b: {  	[sflag:s4] =	ssyncadd.s32 $0xFFFFEC00  }
0x2c: {  	_ =	swait.ge [sflag:s4], $0x1400  }
0x2d: {  	[sflag:s4] =	ssyncset.done $0x0  }
0x2e: {  	[sflag:s4] =	ssyncadd.s32 $0xFFFFEC00  }
0x2f: {  	_ =	swait.ge [sflag:s8], $0x1400  }
0x30: {  	[sflag:s8] =	ssyncset.done $0x0  }
0x31: {  	[sflag:s8] =	ssyncadd.s32 $0xFFFFEC00  }
0x32: {  	_ =	swait.ge [sflag:s8], $0x1400  }
0x33: {  	[sflag:s8] =	ssyncset.done $0x0  }
0x34: {  	[sflag:s8] =	ssyncadd.s32 $0xFFFFEC00  }
0x35: {  	s16 =	stileid.u32;
	[bflag:$0x0] =	sbarrier.arrive $0xFFFF  }
0x36: {  	s2 =	sshll.u32 @!p0 s16, $0x6;
	s11 =	rddreg [dreg:$0x5]  }
0x37: {  	s2 =	sor.u32 @!p0 $0x1C07, s2;
	s11 =	sshrl.u32 @!p0 s11, $0x3  }
0x38: {  	[hbm:s14], [sflag:s2] =	dma.local @!p0 [spmem:s11], $0xC80  }
0x39: {  	s2 =	simm.s32 @!p0 $0x7  }
0x3a: {  	_ =	swait.ge @!p0 [sflag:s2], $0xC80  }
0x3b: {  	s11 =	sshll.u32 @p2 s16, $0x6;
	[sflag:s2] =	ssyncset.done @!p0 $0x0  }
0x3c: {  	[sflag:s2] =	ssyncadd.s32 @!p0 $0xFFFFF380;
	s2 =	sor.u32 @p2 $0x1C07, s11;
	s11 =	rddreg [dreg:$0x4]  }
0x3d: {  	s11 =	sshrl.u32 @p2 s11, $0x3  }
0x3e: {  	[hbm:s14], [sflag:s2] =	dma.local @p2 [spmem:s11], $0xC80  }
0x3f: {  	s2 =	simm.s32 @p2 $0x7  }
0x40: {  	_ =	swait.ge @p2 [sflag:s2], $0xC80  }
0x41: {  	s10 =	sadd.s32 $0x1, s10;
	s23 =	rddreg [dreg:$0xe]  }
0x42: {  	p3 =	sne.s32 s10, s23  }
.Ltmp1:
0x43: {  	_ = 	snop;
	(pc) =	sbr.rel @!p3 .LBB2_5-.Ltmp1, $3  }
0x44: {  	_ =	sdelay $0x1  }
0x45: {  	[sflag:s2] =	ssyncset.done @p2 $0x0  }
0x46: {  	[sflag:s2] =	ssyncadd.s32 @p2 $0xFFFFF380  }
.LBB2_1:
0x47: {  	s11 =	sshll.u32 @!p1 s16, $0x6;
	s2 =	rddreg [dreg:$0xf]  }
0x48: {  	s12 =	rddreg [dreg:$0x10];
	s11 =	sor.u32 @!p1 $0x1C07, s11  }
0x49: {  	[spmem:s12], [sflag:s11] =	dma.local @!p1 [hbm:s2], $0xC80  }
0x4a: {  	s11 =	simm.s32 @!p1 $0x7  }
0x4b: {  	_ =	swait.ge @!p1 [sflag:s11], $0xC80  }
0x4c: {  	[sflag:s11] =	ssyncset.done @!p1 $0x0  }
0x4d: {  	s15 =	rddreg [dreg:$0x6];
	[sflag:s11] =	ssyncadd.s32 @!p1 $0xFFFFF380  }
0x4e: {  	[tilespmem:s3], [sflag:$0x7] =	stream.linear.gather [hbm4b:s15+s3], $0x3E8, $0x38;
	[tilespmem:$0xBE50] =	vst v63  }
0x4f: {  	_ =	swait.ge [sflag:s24], $0x3E8  }
0x50: {  	[sflag:s24] =	ssyncset.done $0x0  }
0x51: {  	s23 =	simm.s32 $0x3E8;
	s16 =	rddreg [dreg:$0x7];
	[sflag:s24] =	ssyncadd.s32 $0xFFFFFC18  }
0x52: {  	[tilespmem:s23], [sflag:$0x7] =	stream.linear.gather [hbm4b:s16+s3], $0x3E8, $0x38;
	[tilespmem:$0xBE50] =	vst v63  }
0x53: {  	_ =	swait.ge [sflag:s24], $0x3E8  }
0x54: {  	[sflag:s24] =	ssyncset.done $0x0  }
0x55: {  	s11 =	rddreg [dreg:$0x8];
	[sflag:s24] =	ssyncadd.s32 $0xFFFFFC18  }
0x56: {  	[tilespmem:s26], [sflag:$0x1] =	stream.linear.gather [hbm4b:s11+s3], $0x1400, $0x38;
	[tilespmem:$0xBE50] =	vst v63  }
0x57: {  	s12 =	rddreg [dreg:$0x9]  }
0x58: {  	[tilespmem:s28], [sflag:$0x1] =	stream.linear.gather [hbm4b:s12+s3], $0x1400, $0x38;
	[tilespmem:$0xBE50] =	vst v63  }
0x59: {  	s13 =	rddreg [dreg:$0xa]  }
0x5a: {  	[tilespmem:s29], [sflag:$0x2] =	stream.linear.gather [hbm4b:s13+s3], $0x1400, $0x38;
	[tilespmem:$0xBE50] =	vst v63  }
0x5b: {  	s15 =	rddreg [dreg:$0xb]  }
0x5c: {  	[tilespmem:s30], [sflag:$0x2] =	stream.linear.gather [hbm4b:s15+s3], $0x1400, $0x38;
	[tilespmem:$0xBE50] =	vst v63  }
0x5d: {  	s16 =	rddreg [dreg:$0xc]  }
0x5e: {  	[tilespmem:s31], [sflag:$0x3] =	stream.linear.gather [hbm4b:s16+s3], $0x1400, $0x38;
	[tilespmem:$0xBE50] =	vst v63  }
0x5f: {  	s23 =	rddreg [dreg:$0xd];
	s11 =	simm.s32 $0x50;
	s12 =	simm.s32 $0x438  }
0x60: {  	[tilespmem:s0], [sflag:$0x3] =	stream.linear.gather [hbm4b:s23+s3], $0x1400, $0x38;
	[tilespmem:$0xBE50] =	vst v63  }
0x61: {  	s13 =	simm.s32 $0x0;
	s15 =	simm.s32 $0x0;
	[bflag:$0x0] =	sbarrier.arrive $0xFFFF  }
.LBB2_2:
0x62: {  	p3 =	seq.s32 s13, $0x0  }
0x63: {  	s16 =	simm.s32 @!p3 $0x4  }
0x64: {  	_ =	swait.ge @!p3 [sflag:s16], $0x1400  }
0x65: {  	[sflag:s16] =	ssyncset.done @!p3 $0x0  }
0x66: {  	[sflag:s16] =	ssyncadd.s32 @!p3 $0xFFFFEC00  }
0x67: {  	_ =	swait.ge @!p3 [sflag:s16], $0x1400  }
0x68: {  	[sflag:s16] =	ssyncset.done @!p3 $0x0  }
0x69: {  	[sflag:s16] =	ssyncadd.s32 @!p3 $0xFFFFEC00  }
0x6a: {  	_ =	swait.ge [sflag:s25], $0x1400  }
0x6b: {  	[sflag:s25] =	ssyncset.done $0x0  }
0x6c: {  	[sflag:s25] =	ssyncadd.s32 $0xFFFFEC00  }
0x6d: {  	p4 =	seq.s32 s13, $0x3C00;
	_ =	swait.ge [sflag:s25], $0x1400  }
.Ltmp2:
0x6e: {  	[sflag:s25] =	ssyncset.done $0x0;
	(pc) =	sbr.rel @p4 .LBB2_4-.Ltmp2, $4  }
0x6f: {  	s2 =	sadd.s32 $0xFFFFFFB0, s11;
	[sflag:s25] =	ssyncadd.s32 $0xFFFFEC00  }
0x70: {  	[spmem:s1] =	stream.indirect.scatter.add.f32 [tilespmem:s26], [sflag:$0x4], $0x80, s2, s6, $0xb8;
	[tilespmem:$0xBE50] =	vst v63  }
0x71: {  	s23 =	sadd.s32 $0xFFFFFFB0, s12  }
0x72: {  	[spmem:s1] =	stream.indirect.scatter.add.f32 [tilespmem:s28], [sflag:$0x4], $0x80, s23, s6, $0xb8;
	[tilespmem:$0xBE50] =	vst v63  }
0x73: {  	s16 =	sadd.s32 s13, s21  }
0x74: {  	[tilespmem:s26], [sflag:$0x1] =	stream.linear.gather [hbm4b:s16+s3], $0x1400, $0x38;
	[tilespmem:$0xBE50] =	vst v63  }
0x75: {  	s23 =	sadd.s32 s13, s22;
	s16 =	simm.s32 @!p3 $0x5  }
0x76: {  	[tilespmem:s28], [sflag:$0x1] =	stream.linear.gather [hbm4b:s23+s3], $0x1400, $0x38;
	[tilespmem:$0xBE50] =	vst v63  }
0x77: {  	_ =	swait.ge @!p3 [sflag:s16], $0x1400  }
0x78: {  	[sflag:s16] =	ssyncset.done @!p3 $0x0  }
0x79: {  	[sflag:s16] =	ssyncadd.s32 @!p3 $0xFFFFEC00  }
0x7a: {  	_ =	swait.ge @!p3 [sflag:s16], $0x1400  }
0x7b: {  	[sflag:s16] =	ssyncset.done @!p3 $0x0  }
0x7c: {  	[sflag:s16] =	ssyncadd.s32 @!p3 $0xFFFFEC00  }
0x7d: {  	_ =	swait.ge [sflag:s5], $0x1400  }
0x7e: {  	[sflag:s5] =	ssyncset.done $0x0  }
0x7f: {  	[sflag:s5] =	ssyncadd.s32 $0xFFFFEC00  }
0x80: {  	_ =	swait.ge [sflag:s5], $0x1400  }
0x81: {  	[sflag:s5] =	ssyncset.done $0x0  }
0x82: {  	s2 =	sadd.s32 $0xFFFFFFD8, s11;
	p3 =	sgt.u32 s15, $0x6;
	[sflag:s5] =	ssyncadd.s32 $0xFFFFEC00  }
0x83: {  	[spmem:s1] =	stream.indirect.scatter.add.f32 [tilespmem:s29], [sflag:$0x5], $0x80, s2, s6, $0xb8;
	[tilespmem:$0xBE50] =	vst v63  }
0x84: {  	s23 =	sadd.s32 $0xFFFFFFD8, s12;
	s16 =	simm.s32 @!p3 $0x0  }
0x85: {  	[spmem:s1] =	stream.indirect.scatter.add.f32 [tilespmem:s30], [sflag:$0x5], $0x80, s23, s6, $0xb8;
	[tilespmem:$0xBE50] =	vst v63  }
0x86: {  	p4 =	seq.s32 @!p3 s13, $0x0;
	s2 =	simm.s32 @!p3 $0x1BD0;
	s23 =	sadd.s32 @!p3 s13, s19  }
0x87: {  	[tilespmem:s2], [sflag:$0x2] =	stream.linear.gather @!p3 [hbm4b:s23+s16], $0x1400, $0x38;
	[tilespmem:$0xBE50] =	vst v63  }
0x88: {  	p4 =	por p3, !p4;
	s2 =	sadd.s32 @!p3 s13, s20;
	s23 =	simm.s32 @!p3 $0x57D0  }
0x89: {  	[tilespmem:s23], [sflag:$0x2] =	stream.linear.gather @!p3 [hbm4b:s2+s16], $0x1400, $0x38;
	[tilespmem:$0xBE50] =	vst v63  }
0x8a: {  	_ =	swait.ge @p4 [sflag:s8], $0x1400  }
0x8b: {  	[sflag:s8] =	ssyncset.done @p4 $0x0  }
0x8c: {  	[sflag:s8] =	ssyncadd.s32 @p4 $0xFFFFEC00  }
0x8d: {  	_ =	swait.ge @p4 [sflag:s8], $0x1400  }
0x8e: {  	[sflag:s8] =	ssyncset.done @p4 $0x0  }
0x8f: {  	[sflag:s8] =	ssyncadd.s32 @p4 $0xFFFFEC00  }
0x90: {  	_ =	swait.ge [sflag:s9], $0x1400  }
0x91: {  	[sflag:s9] =	ssyncset.done $0x0  }
0x92: {  	[sflag:s9] =	ssyncadd.s32 $0xFFFFEC00  }
0x93: {  	_ =	swait.ge [sflag:s9], $0x1400  }
0x94: {  	[sflag:s9] =	ssyncset.done $0x0  }
0x95: {  	[sflag:s9] =	ssyncadd.s32 $0xFFFFEC00  }
0x96: {  	[spmem:s1] =	stream.indirect.scatter.add.f32 [tilespmem:s31], [sflag:$0x6], $0x80, s11, s6, $0xb8;
	[tilespmem:$0xBE50] =	vst v63  }
0x97: {  	_ = 	snop  }
0x98: {  	[spmem:s1] =	stream.indirect.scatter.add.f32 [tilespmem:s0], [sflag:$0x6], $0x80, s12, s6, $0xb8;
	[tilespmem:$0xBE50] =	vst v63  }
0x99: {  	s2 =	sadd.s32 @!p3 s13, s17;
	s23 =	simm.s32 @!p3 $0x2FD0  }
0x9a: {  	[tilespmem:s23], [sflag:$0x3] =	stream.linear.gather @!p3 [hbm4b:s2+s16], $0x1400, $0x38;
	[tilespmem:$0xBE50] =	vst v63  }
0x9b: {  	s2 =	sadd.s32 @!p3 s13, s18;
	s23 =	simm.s32 @!p3 $0x6BD0;
	s13 =	sadd.s32 $0x780, s13  }
0x9c: {  	[tilespmem:s23], [sflag:$0x3] =	stream.linear.gather @!p3 [hbm4b:s2+s16], $0x1400, $0x38;
	[tilespmem:$0xBE50] =	vst v63  }
0x9d: {  	p3 =	sne.s32 s13, $0x4380  }
.Ltmp3:
0x9e: {  	_ = 	snop;
	(pc) =	sbr.rel @p3 .LBB2_2-.Ltmp3, $4  }
.Ltmp4:
0x9f: {  	_ = 	snop;
	(pc) =	sbr.rel @!p3 .LBB2_4-.Ltmp4, $4  }
0xa0: {  	_ = 	snop  }
0xa1: {  	_ = 	snop  }
0xa2: {  	s15 =	sadd.s32 $0x1, s15;
	s11 =	sadd.s32 $0x78, s11;
	s12 =	sadd.s32 $0x78, s12  }
0xa3: {  	_ = 	snop  }
.LBB2_5:
0xa4: {  	_ =	sfence.sel $0x180000  }
0xa5: {  	[bflag:$0x0] =	sbarrier.arrive $0xFFFF  }
0xa6: {  	_ =	strace $0x9000004A  }
0xa7: {  	[bflag:$0x2] =	sbarrier.arrive $0xFFFF  }
0xa8: {  	p0 =	sne.s32 s16, $0x0;
	s0 =	rddreg [dreg:$0x3]  }
0xa9: {  	s0 =	sadd.s32 @!p0 $0x100000, s0  }
0xaa: {  	[sflag:s0] =	ssyncadd.tile.s32 @!p0 $0x1;
	_ =	shalt  }
.Lfunc_end2:
_tile_overlayer_lowered:
.L_overlay_start_2:
0xab: {  	(tag) =	ssettag $0x2  }
0xac: {  	s0 =	rddreg [dreg:$0x0];
	s2 =	stileid.u32  }
0xad: {  	s1 =	rddreg [dreg:$0x1];
	p0 =	sne.s32 s2, $0x0  }
0xae: {  	s3 =	rddreg [dreg:$0x2];
	[bflag:$0x3] =	sbarrier.arrive $0xFFFF;
	s2 =	simm.s32 @!p0 $0x1C07  }
0xaf: {  	[timem:s3], [sflag:s2] =	dma.local @!p0 [hbm:s0], s1  }
0xb0: {  	s0 =	simm.s32 @!p0 $0x7  }
0xb1: {  	_ =	swait.ge @!p0 [sflag:s0], s1  }
0xb2: {  	s1 =	ssub.s32 @!p0 $0x0, s1;
	[sflag:s0] =	ssyncset.done @!p0 $0x0  }
0xb3: {  	[sflag:s0] =	ssyncadd.s32 @!p0 s1  }
0xb4: {  	[bflag:$0x3] =	sbarrier.arrive $0xFFFF  }
0xb5: {  	_ =	shalt  }

</sc_bundles>
